<compile_context>
chip_gen: v7x
topology: tpu7x:2x2x1
jax: 0.10.2.dev20260603
libtpu: 0.0.44.dev20260713+nightly
codegen_flags: <defaults>
</compile_context>

<pallas_src>
import jax
import jax.numpy as jnp
from jax import lax
from jax.experimental import pallas as pl
from jax.experimental.pallas import tpu as pltpu
from jax.experimental.pallas import tpu_sc as plsc

FEAT_DIM = 512
LAMBDA_C = 0.5
BATCH = 16384

NC = 2
NS = 16
L = 16
NW = NC * NS
BPW = BATCH // NW
K = 16
NCHUNK = BPW // K
NBUF = 4
NGROUP = NCHUNK // NBUF
SLICES = FEAT_DIM // L
NACC = 2


def _sc_body(feat_hbm, label_hbm, weight_hbm, out_hbm, idx_v, acc_v, *rest):
    wbufs = rest[0:NBUF]
    fbufs = rest[NBUF:2 * NBUF]
    gsems = rest[2 * NBUF:3 * NBUF]
    fsems = rest[3 * NBUF:4 * NBUF]

    c = lax.axis_index("c")
    s = lax.axis_index("s")
    wid = s * NC + c
    base = wid * BPW

    pltpu.sync_copy(label_hbm.at[pl.ds(base, BPW)], idx_v)

    def issue(ci, slot):
        pltpu.async_copy(
            weight_hbm.at[idx_v.at[pl.ds(ci * K, K)]], wbufs[slot],
            gsems[slot])
        pltpu.async_copy(
            feat_hbm.at[pl.ds(base + ci * K, K)], fbufs[slot], fsems[slot])

    for p in range(NBUF - 1):
        issue(p, p)

    def chunk_step(ci, accs, slot):
        nxt = ci + NBUF - 1

        @pl.when(nxt < NCHUNK)
        def _():
            issue(nxt, (slot + NBUF - 1) % NBUF)

        pltpu.make_async_copy(
            weight_hbm.at[idx_v.at[pl.ds(ci * K, K)]], wbufs[slot],
            gsems[slot]).wait()
        pltpu.make_async_copy(
            feat_hbm.at[pl.ds(base + ci * K, K)], fbufs[slot],
            fsems[slot]).wait()
        wbuf, fbuf = wbufs[slot], fbufs[slot]

        def row_body(r, accs):
            accs = list(accs)
            for sl in range(SLICES):
                f = fbuf[r, pl.ds(sl * L, L)]
                w = wbuf[r, pl.ds(sl * L, L)]
                d = f - w
                accs[sl % NACC] = accs[sl % NACC] + d * d
            return tuple(accs)

        return lax.fori_loop(0, K, row_body, accs)

    def group_step(g, accs):
        for j in range(NBUF):
            accs = chunk_step(g * NBUF + j, accs, j)
        return accs

    accs = tuple(jnp.zeros((L,), jnp.float32) for _ in range(NACC))
    accs = lax.fori_loop(0, NGROUP, group_step, accs)

    acc = accs[0]
    for a in accs[1:]:
        acc = acc + a
    acc_v[...] = acc
    pltpu.sync_copy(acc_v, out_hbm.at[wid])


@jax.jit
def kernel(feat, label, weight):
    mesh = plsc.VectorSubcoreMesh(core_axis_name="c", subcore_axis_name="s")
    partials = pl.kernel(
        _sc_body,
        out_type=jax.ShapeDtypeStruct((NW, L), jnp.float32),
        mesh=mesh,
        scratch_types=(
            [pltpu.VMEM((BPW,), jnp.int32), pltpu.VMEM((L,), jnp.float32)]
            + [pltpu.VMEM((K, FEAT_DIM), jnp.float32)] * (2 * NBUF)
            + [pltpu.SemaphoreType.DMA] * (2 * NBUF)
        ),
    )(feat, label, weight)
    return LAMBDA_C / 2.0 / BATCH * jnp.sqrt(jnp.sum(partials))

# --- scband reference (transcript-rebuilt; emitter-appended) ---
"""Pipeline reference for scband-center-loss-11450382812045 (READ-ONLY COPY).

The authoritative reference and input builder live on the scoring server;
editing this copy changes nothing except your own understanding.
"""

import jax, jax.numpy as jnp
import numpy as np

FEAT_DIM = 512
NUM_CLASSES = 100000
LAMBDA_C = 0.5
BATCH = 16384


def setup_inputs(seed: int = 0) -> dict:
    key = jax.random.key(seed)
    k1, k2, k3 = jax.random.split(key, 3)
    feat = jax.random.normal(k1, (BATCH, FEAT_DIM), dtype=jnp.float32)
    label = jax.random.randint(k2, (BATCH,), 0, NUM_CLASSES, dtype=jnp.int32)
    weight = jax.random.normal(k3, (NUM_CLASSES, FEAT_DIM), dtype=jnp.float32)
    return {"feat": feat, "label": label, "weight": weight}


def reference(feat, label, weight):
    batch_size = feat.shape[0]
    # weight.index_select(dim=0, index=label) -> gather rows of the center table
    expanded_centers = jnp.take(weight, label, axis=0)
    # torch.Tensor.dist default p=2: Frobenius norm of the difference
    diff = feat - expanded_centers
    intra_distances = jnp.sqrt(jnp.sum(diff * diff))
    loss = LAMBDA_C / 2.0 / batch_size * intra_distances
    return loss

if __name__ == "__main__":
    import jax
    _d = setup_inputs()
    print(jax.jit(kernel)(*tuple(_d.values())))

</pallas_src>

<mosaic_0001>
#map = affine_map<(d0, d1) -> (0, 0)>
#map1 = affine_map<(d0, d1) -> (0)>
module attributes {stable_mosaic.version = 14 : i64} {
  func.func @_sc_body(%arg0: i32, %arg1: i32, %arg2: memref<16384x512xf32, #tpu.memory_space<hbm>>, %arg3: memref<16384xi32, #tpu.memory_space<hbm>>, %arg4: memref<100000x512xf32, #tpu.memory_space<hbm>>, %arg5: memref<32x16xf32, #tpu.memory_space<hbm>>, %arg6: memref<512xi32, #tpu.memory_space<vmem>>, %arg7: memref<16xf32, #tpu.memory_space<vmem>>, %arg8: memref<16x512xf32, #tpu.memory_space<vmem>>, %arg9: memref<16x512xf32, #tpu.memory_space<vmem>>, %arg10: memref<16x512xf32, #tpu.memory_space<vmem>>, %arg11: memref<16x512xf32, #tpu.memory_space<vmem>>, %arg12: memref<16x512xf32, #tpu.memory_space<vmem>>, %arg13: memref<16x512xf32, #tpu.memory_space<vmem>>, %arg14: memref<16x512xf32, #tpu.memory_space<vmem>>, %arg15: memref<16x512xf32, #tpu.memory_space<vmem>>, %arg16: memref<!tpu.dma_semaphore, #tpu.memory_space<semaphore_mem>>, %arg17: memref<!tpu.dma_semaphore, #tpu.memory_space<semaphore_mem>>, %arg18: memref<!tpu.dma_semaphore, #tpu.memory_space<semaphore_mem>>, %arg19: memref<!tpu.dma_semaphore, #tpu.memory_space<semaphore_mem>>, %arg20: memref<!tpu.dma_semaphore, #tpu.memory_space<semaphore_mem>>, %arg21: memref<!tpu.dma_semaphore, #tpu.memory_space<semaphore_mem>>, %arg22: memref<!tpu.dma_semaphore, #tpu.memory_space<semaphore_mem>>, %arg23: memref<!tpu.dma_semaphore, #tpu.memory_space<semaphore_mem>>) attributes {dimension_semantics = [#tpu.dimension_semantics<core_parallel>, #tpu.dimension_semantics<subcore_parallel>], iteration_bounds = array<i64: 2, 16>, scalar_prefetch = 0 : i64, scratch_operands = 18 : i64, tpu.core_type = #tpu.core_type<sc_vector_subcore>, window_params = [{transform_indices = #map}, {transform_indices = #map1}, {transform_indices = #map}, {transform_indices = #map}]} {
    %mul3A = arith.constant 2 : i32
    %mul3A_0 = arith.muli %arg1, %mul3A : i32
    %add3A = arith.addi %mul3A_0, %arg0 : i32
    %mul3A_1 = arith.constant 512 : i32
    %mul3A_2 = arith.muli %add3A, %mul3A_1 : i32
    "tpu.region"() ({
      %run_scoped3A = tpu.sem_alloc : memref<!tpu.dma_semaphore, #tpu.memory_space<semaphore_mem>>
      %dma_start3A_47 = tpu.memref_slice %arg3[%mul3A_2] : memref<16384xi32, #tpu.memory_space<hbm>> -> memref<512xi32, #tpu.memory_space<hbm>>
      %dma_start3A_48 = tpu.memref_slice %arg3[%mul3A_2] : memref<16384xi32, #tpu.memory_space<hbm>> -> memref<512xi32, #tpu.memory_space<hbm>>
      tpu.enqueue_dma source(%dma_start3A_48 : memref<512xi32, #tpu.memory_space<hbm>>) target(%arg6 : memref<512xi32, #tpu.memory_space<vmem>>) target_semaphore(%run_scoped3A : memref<!tpu.dma_semaphore, #tpu.memory_space<semaphore_mem>>)
      %dma_wait3A = tpu.memref_slice %arg3[%mul3A_2] : memref<16384xi32, #tpu.memory_space<hbm>> -> memref<512xi32, #tpu.memory_space<hbm>>
      %dma_wait3A_49 = tpu.memref_slice %arg3[%mul3A_2] : memref<16384xi32, #tpu.memory_space<hbm>> -> memref<512xi32, #tpu.memory_space<hbm>>
      tpu.wait_dma2 semaphore(%run_scoped3A : memref<!tpu.dma_semaphore, #tpu.memory_space<semaphore_mem>>) src(%dma_wait3A_49 : memref<512xi32, #tpu.memory_space<hbm>>) dst(%arg6 : memref<512xi32, #tpu.memory_space<vmem>>)
      tpu.yield
    }) : () -> ()
    %dma_start3A = arith.constant 0 : i32
    %dma_start3A_3 = tpu.memref_slice %arg6[%dma_start3A] : memref<512xi32, #tpu.memory_space<vmem>> -> memref<16xi32, #tpu.memory_space<vmem>>
    %dma_start3A_4 = arith.constant 0 : i32
    %dma_start3A_5 = arith.constant 0 : i32
    %dma_start3A_6 = tpu.memref_slice %arg4[%dma_start3A_4, %dma_start3A_5] : memref<100000x512xf32, #tpu.memory_space<hbm>> -> memref<100000x512xf32, #tpu.memory_space<hbm>>
    tpu.enqueue_indirect_dma source(%dma_start3A_6 : memref<100000x512xf32, #tpu.memory_space<hbm>>) target(%arg8 : memref<16x512xf32, #tpu.memory_space<vmem>>) offsets(%dma_start3A_3 : memref<16xi32, #tpu.memory_space<vmem>>) semaphore(%arg16 : memref<!tpu.dma_semaphore, #tpu.memory_space<semaphore_mem>>)
    %add3A_7 = arith.constant 0 : i32
    %add3A_8 = arith.addi %mul3A_2, %add3A_7 : i32
    %dma_start3A_9 = arith.constant 0 : i32
    %dma_start3A_10 = tpu.memref_slice %arg2[%add3A_8, %dma_start3A_9] : memref<16384x512xf32, #tpu.memory_space<hbm>> -> memref<16x512xf32, #tpu.memory_space<hbm>>
    %dma_start3A_11 = arith.constant 0 : i32
    %dma_start3A_12 = tpu.memref_slice %arg2[%add3A_8, %dma_start3A_11] : memref<16384x512xf32, #tpu.memory_space<hbm>> -> memref<16x512xf32, #tpu.memory_space<hbm>>
    tpu.enqueue_dma source(%dma_start3A_12 : memref<16x512xf32, #tpu.memory_space<hbm>>) target(%arg12 : memref<16x512xf32, #tpu.memory_space<vmem>>) target_semaphore(%arg20 : memref<!tpu.dma_semaphore, #tpu.memory_space<semaphore_mem>>)
    %dma_start3A_13 = arith.constant 16 : i32
    %dma_start3A_14 = tpu.memref_slice %arg6[%dma_start3A_13] : memref<512xi32, #tpu.memory_space<vmem>> -> memref<16xi32, #tpu.memory_space<vmem>>
    %dma_start3A_15 = arith.constant 0 : i32
    %dma_start3A_16 = arith.constant 0 : i32
    %dma_start3A_17 = tpu.memref_slice %arg4[%dma_start3A_15, %dma_start3A_16] : memref<100000x512xf32, #tpu.memory_space<hbm>> -> memref<100000x512xf32, #tpu.memory_space<hbm>>
    tpu.enqueue_indirect_dma source(%dma_start3A_17 : memref<100000x512xf32, #tpu.memory_space<hbm>>) target(%arg9 : memref<16x512xf32, #tpu.memory_space<vmem>>) offsets(%dma_start3A_14 : memref<16xi32, #tpu.memory_space<vmem>>) semaphore(%arg17 : memref<!tpu.dma_semaphore, #tpu.memory_space<semaphore_mem>>)
    %add3A_18 = arith.constant 16 : i32
    %add3A_19 = arith.addi %mul3A_2, %add3A_18 : i32
    %dma_start3A_20 = arith.constant 0 : i32
    %dma_start3A_21 = tpu.memref_slice %arg2[%add3A_19, %dma_start3A_20] : memref<16384x512xf32, #tpu.memory_space<hbm>> -> memref<16x512xf32, #tpu.memory_space<hbm>>
    %dma_start3A_22 = arith.constant 0 : i32
    %dma_start3A_23 = tpu.memref_slice %arg2[%add3A_19, %dma_start3A_22] : memref<16384x512xf32, #tpu.memory_space<hbm>> -> memref<16x512xf32, #tpu.memory_space<hbm>>
    tpu.enqueue_dma source(%dma_start3A_23 : memref<16x512xf32, #tpu.memory_space<hbm>>) target(%arg13 : memref<16x512xf32, #tpu.memory_space<vmem>>) target_semaphore(%arg21 : memref<!tpu.dma_semaphore, #tpu.memory_space<semaphore_mem>>)
    %dma_start3A_24 = arith.constant 32 : i32
    %dma_start3A_25 = tpu.memref_slice %arg6[%dma_start3A_24] : memref<512xi32, #tpu.memory_space<vmem>> -> memref<16xi32, #tpu.memory_space<vmem>>
    %dma_start3A_26 = arith.constant 0 : i32
    %dma_start3A_27 = arith.constant 0 : i32
    %dma_start3A_28 = tpu.memref_slice %arg4[%dma_start3A_26, %dma_start3A_27] : memref<100000x512xf32, #tpu.memory_space<hbm>> -> memref<100000x512xf32, #tpu.memory_space<hbm>>
    tpu.enqueue_indirect_dma source(%dma_start3A_28 : memref<100000x512xf32, #tpu.memory_space<hbm>>) target(%arg10 : memref<16x512xf32, #tpu.memory_space<vmem>>) offsets(%dma_start3A_25 : memref<16xi32, #tpu.memory_space<vmem>>) semaphore(%arg18 : memref<!tpu.dma_semaphore, #tpu.memory_space<semaphore_mem>>)
    %add3A_29 = arith.constant 32 : i32
    %add3A_30 = arith.addi %mul3A_2, %add3A_29 : i32
    %dma_start3A_31 = arith.constant 0 : i32
    %dma_start3A_32 = tpu.memref_slice %arg2[%add3A_30, %dma_start3A_31] : memref<16384x512xf32, #tpu.memory_space<hbm>> -> memref<16x512xf32, #tpu.memory_space<hbm>>
    %dma_start3A_33 = arith.constant 0 : i32
    %dma_start3A_34 = tpu.memref_slice %arg2[%add3A_30, %dma_start3A_33] : memref<16384x512xf32, #tpu.memory_space<hbm>> -> memref<16x512xf32, #tpu.memory_space<hbm>>
    tpu.enqueue_dma source(%dma_start3A_34 : memref<16x512xf32, #tpu.memory_space<hbm>>) target(%arg14 : memref<16x512xf32, #tpu.memory_space<vmem>>) target_semaphore(%arg22 : memref<!tpu.dma_semaphore, #tpu.memory_space<semaphore_mem>>)
    %broadcast_in_dim3A = arith.constant 0.000000e+00 : f32
    %broadcast_in_dim3A_35 = vector.broadcast %broadcast_in_dim3A : f32 to vector<16xf32>
    %broadcast_in_dim3A_36 = arith.constant 0.000000e+00 : f32
    %broadcast_in_dim3A_37 = vector.broadcast %broadcast_in_dim3A_36 : f32 to vector<16xf32>
    %scan3A = arith.constant 0 : i32
    %scan3A_38 = arith.constant 8 : i32
    %scan3A_39 = arith.addi %scan3A, %scan3A_38 : i32
    %scan3A_40 = arith.constant 1 : i32
    %scan3A_41:2 = scf.for %scan3A_47 = %scan3A to %scan3A_39 step %scan3A_40 iter_args(%scan3A_48 = %broadcast_in_dim3A_35, %scan3A_49 = %broadcast_in_dim3A_37) -> (vector<16xf32>, vector<16xf32>)  : i32 {
      %mul3A_50 = arith.constant 4 : i32
      %mul3A_51 = arith.muli %scan3A_47, %mul3A_50 : i32
      %add3A_52 = arith.constant 0 : i32
      %add3A_53 = arith.addi %mul3A_51, %add3A_52 : i32
      %add3A_54 = arith.constant 4 : i32
      %add3A_55 = arith.addi %add3A_53, %add3A_54 : i32
      %sub3A = arith.constant 1 : i32
      %sub3A_56 = arith.subi %add3A_55, %sub3A : i32
      %lt3A = arith.constant 32 : i32
      %lt3A_57 = arith.cmpi slt, %sub3A_56, %lt3A : i32
      %convert_element_type3A = arith.extui %lt3A_57 : i1 to i32
      %cond3A = arith.constant 0 : i32
      %cond3A_58 = arith.cmpi ne, %convert_element_type3A, %cond3A : i32
      scf.if %cond3A_58 {
        %mul3A_173 = arith.constant 16 : i32
        %mul3A_174 = arith.muli %sub3A_56, %mul3A_173 : i32
        %dma_start3A_175 = tpu.memref_slice %arg6[%mul3A_174] : memref<512xi32, #tpu.memory_space<vmem>> -> memref<16xi32, #tpu.memory_space<vmem>>
        %dma_start3A_176 = arith.constant 0 : i32
        %dma_start3A_177 = arith.constant 0 : i32
        %dma_start3A_178 = tpu.memref_slice %arg4[%dma_start3A_176, %dma_start3A_177] : memref<100000x512xf32, #tpu.memory_space<hbm>> -> memref<100000x512xf32, #tpu.memory_space<hbm>>
        tpu.enqueue_indirect_dma source(%dma_start3A_178 : memref<100000x512xf32, #tpu.memory_space<hbm>>) target(%arg11 : memref<16x512xf32, #tpu.memory_space<vmem>>) offsets(%dma_start3A_175 : memref<16xi32, #tpu.memory_space<vmem>>) semaphore(%arg19 : memref<!tpu.dma_semaphore, #tpu.memory_space<semaphore_mem>>)
        %mul3A_179 = arith.constant 16 : i32
        %mul3A_180 = arith.muli %sub3A_56, %mul3A_179 : i32
        %add3A_181 = arith.addi %mul3A_2, %mul3A_180 : i32
        %dma_start3A_182 = arith.constant 0 : i32
        %dma_start3A_183 = tpu.memref_slice %arg2[%add3A_181, %dma_start3A_182] : memref<16384x512xf32, #tpu.memory_space<hbm>> -> memref<16x512xf32, #tpu.memory_space<hbm>>
        %dma_start3A_184 = arith.constant 0 : i32
        %dma_start3A_185 = tpu.memref_slice %arg2[%add3A_181, %dma_start3A_184] : memref<16384x512xf32, #tpu.memory_space<hbm>> -> memref<16x512xf32, #tpu.memory_space<hbm>>
        tpu.enqueue_dma source(%dma_start3A_185 : memref<16x512xf32, #tpu.memory_space<hbm>>) target(%arg15 : memref<16x512xf32, #tpu.memory_space<vmem>>) target_semaphore(%arg23 : memref<!tpu.dma_semaphore, #tpu.memory_space<semaphore_mem>>)
      } else {
      }
      %mul3A_59 = arith.constant 16 : i32
      %mul3A_60 = arith.muli %add3A_53, %mul3A_59 : i32
      %dma_wait3A = tpu.memref_slice %arg6[%mul3A_60] : memref<512xi32, #tpu.memory_space<vmem>> -> memref<16xi32, #tpu.memory_space<vmem>>
      %dma_wait3A_61 = arith.constant 0 : i32
      %dma_wait3A_62 = arith.constant 0 : i32
      %dma_wait3A_63 = tpu.memref_slice %arg4[%dma_wait3A_61, %dma_wait3A_62] : memref<100000x512xf32, #tpu.memory_space<hbm>> -> memref<100000x512xf32, #tpu.memory_space<hbm>>
      tpu.wait_indirect_dma semaphore(%arg16 : memref<!tpu.dma_semaphore, #tpu.memory_space<semaphore_mem>>) src(%dma_wait3A_63 : memref<100000x512xf32, #tpu.memory_space<hbm>>) dst(%arg8 : memref<16x512xf32, #tpu.memory_space<vmem>>)
      %mul3A_64 = arith.constant 16 : i32
      %mul3A_65 = arith.muli %add3A_53, %mul3A_64 : i32
      %add3A_66 = arith.addi %mul3A_2, %mul3A_65 : i32
      %dma_wait3A_67 = arith.constant 0 : i32
      %dma_wait3A_68 = tpu.memref_slice %arg2[%add3A_66, %dma_wait3A_67] : memref<16384x512xf32, #tpu.memory_space<hbm>> -> memref<16x512xf32, #tpu.memory_space<hbm>>
      %dma_wait3A_69 = arith.constant 0 : i32
      %dma_wait3A_70 = tpu.memref_slice %arg2[%add3A_66, %dma_wait3A_69] : memref<16384x512xf32, #tpu.memory_space<hbm>> -> memref<16x512xf32, #tpu.memory_space<hbm>>
      tpu.wait_dma2 semaphore(%arg20 : memref<!tpu.dma_semaphore, #tpu.memory_space<semaphore_mem>>) src(%dma_wait3A_70 : memref<16x512xf32, #tpu.memory_space<hbm>>) dst(%arg12 : memref<16x512xf32, #tpu.memory_space<vmem>>)
      %scan3A_71 = arith.constant 0 : i32
      %scan3A_72 = arith.constant 16 : i32
      %scan3A_73 = arith.addi %scan3A_71, %scan3A_72 : i32
      %scan3A_74 = arith.constant 1 : i32
      %scan3A_75:2 = scf.for %scan3A_173 = %scan3A_71 to %scan3A_73 step %scan3A_74 iter_args(%scan3A_174 = %scan3A_48, %scan3A_175 = %scan3A_49) -> (vector<16xf32>, vector<16xf32>)  : i32 {
        %get3A = arith.index_cast %scan3A_173 : i32 to index
        %get3A_176 = arith.constant 0 : index
        %get3A_177 = tpu.vector_load %arg12[%get3A, %get3A_176] {strides = array<i32>} : memref<16x512xf32, #tpu.memory_space<vmem>>, vector<1x16xf32>,
        %get3A_178 = vector.shape_cast %get3A_177 : vector<1x16xf32> to vector<16xf32>
        %get3A_179 = arith.index_cast %scan3A_173 : i32 to index
        %get3A_180 = arith.constant 0 : index
        %get3A_181 = tpu.vector_load %arg8[%get3A_179, %get3A_180] {strides = array<i32>} : memref<16x512xf32, #tpu.memory_space<vmem>>, vector<1x16xf32>,
        %get3A_182 = vector.shape_cast %get3A_181 : vector<1x16xf32> to vector<16xf32>
        %sub3A_183 = arith.subf %get3A_178, %get3A_182 : vector<16xf32>
        %mul3A_184 = arith.mulf %sub3A_183, %sub3A_183 : vector<16xf32>
        %add3A_185 = arith.addf %scan3A_174, %mul3A_184 : vector<16xf32>
        %get3A_186 = arith.index_cast %scan3A_173 : i32 to index
        %get3A_187 = arith.constant 16 : index
        %get3A_188 = tpu.vector_load %arg12[%get3A_186, %get3A_187] {strides = array<i32>} : memref<16x512xf32, #tpu.memory_space<vmem>>, vector<1x16xf32>,
        %get3A_189 = vector.shape_cast %get3A_188 : vector<1x16xf32> to vector<16xf32>
        %get3A_190 = arith.index_cast %scan3A_173 : i32 to index
        %get3A_191 = arith.constant 16 : index
        %get3A_192 = tpu.vector_load %arg8[%get3A_190, %get3A_191] {strides = array<i32>} : memref<16x512xf32, #tpu.memory_space<vmem>>, vector<1x16xf32>,
        %get3A_193 = vector.shape_cast %get3A_192 : vector<1x16xf32> to vector<16xf32>
        %sub3A_194 = arith.subf %get3A_189, %get3A_193 : vector<16xf32>
        %mul3A_195 = arith.mulf %sub3A_194, %sub3A_194 : vector<16xf32>
        %add3A_196 = arith.addf %scan3A_175, %mul3A_195 : vector<16xf32>
        %get3A_197 = arith.index_cast %scan3A_173 : i32 to index
        %get3A_198 = arith.constant 32 : index
        %get3A_199 = tpu.vector_load %arg12[%get3A_197, %get3A_198] {strides = array<i32>} : memref<16x512xf32, #tpu.memory_space<vmem>>, vector<1x16xf32>,
        %get3A_200 = vector.shape_cast %get3A_199 : vector<1x16xf32> to vector<16xf32>
        %get3A_201 = arith.index_cast %scan3A_173 : i32 to index
        %get3A_202 = arith.constant 32 : index
        %get3A_203 = tpu.vector_load %arg8[%get3A_201, %get3A_202] {strides = array<i32>} : memref<16x512xf32, #tpu.memory_space<vmem>>, vector<1x16xf32>,
        %get3A_204 = vector.shape_cast %get3A_203 : vector<1x16xf32> to vector<16xf32>
        %sub3A_205 = arith.subf %get3A_200, %get3A_204 : vector<16xf32>
        %mul3A_206 = arith.mulf %sub3A_205, %sub3A_205 : vector<16xf32>
        %add3A_207 = arith.addf %add3A_185, %mul3A_206 : vector<16xf32>
        %get3A_208 = arith.index_cast %scan3A_173 : i32 to index
        %get3A_209 = arith.constant 48 : index
        %get3A_210 = tpu.vector_load %arg12[%get3A_208, %get3A_209] {strides = array<i32>} : memref<16x512xf32, #tpu.memory_space<vmem>>, vector<1x16xf32>,
        %get3A_211 = vector.shape_cast %get3A_210 : vector<1x16xf32> to vector<16xf32>
        %get3A_212 = arith.index_cast %scan3A_173 : i32 to index
        %get3A_213 = arith.constant 48 : index
        %get3A_214 = tpu.vector_load %arg8[%get3A_212, %get3A_213] {strides = array<i32>} : memref<16x512xf32, #tpu.memory_space<vmem>>, vector<1x16xf32>,
        %get3A_215 = vector.shape_cast %get3A_214 : vector<1x16xf32> to vector<16xf32>
        %sub3A_216 = arith.subf %get3A_211, %get3A_215 : vector<16xf32>
        %mul3A_217 = arith.mulf %sub3A_216, %sub3A_216 : vector<16xf32>
        %add3A_218 = arith.addf %add3A_196, %mul3A_217 : vector<16xf32>
        %get3A_219 = arith.index_cast %scan3A_173 : i32 to index
        %get3A_220 = arith.constant 64 : index
        %get3A_221 = tpu.vector_load %arg12[%get3A_219, %get3A_220] {strides = array<i32>} : memref<16x512xf32, #tpu.memory_space<vmem>>, vector<1x16xf32>,
        %get3A_222 = vector.shape_cast %get3A_221 : vector<1x16xf32> to vector<16xf32>
        %get3A_223 = arith.index_cast %scan3A_173 : i32 to index
        %get3A_224 = arith.constant 64 : index
        %get3A_225 = tpu.vector_load %arg8[%get3A_223, %get3A_224] {strides = array<i32>} : memref<16x512xf32, #tpu.memory_space<vmem>>, vector<1x16xf32>,
        %get3A_226 = vector.shape_cast %get3A_225 : vector<1x16xf32> to vector<16xf32>
        %sub3A_227 = arith.subf %get3A_222, %get3A_226 : vector<16xf32>
        %mul3A_228 = arith.mulf %sub3A_227, %sub3A_227 : vector<16xf32>
        %add3A_229 = arith.addf %add3A_207, %mul3A_228 : vector<16xf32>
        %get3A_230 = arith.index_cast %scan3A_173 : i32 to index
        %get3A_231 = arith.constant 80 : index
        %get3A_232 = tpu.vector_load %arg12[%get3A_230, %get3A_231] {strides = array<i32>} : memref<16x512xf32, #tpu.memory_space<vmem>>, vector<1x16xf32>,
        %get3A_233 = vector.shape_cast %get3A_232 : vector<1x16xf32> to vector<16xf32>
        %get3A_234 = arith.index_cast %scan3A_173 : i32 to index
        %get3A_235 = arith.constant 80 : index
        %get3A_236 = tpu.vector_load %arg8[%get3A_234, %get3A_235] {strides = array<i32>} : memref<16x512xf32, #tpu.memory_space<vmem>>, vector<1x16xf32>,
        %get3A_237 = vector.shape_cast %get3A_236 : vector<1x16xf32> to vector<16xf32>
        %sub3A_238 = arith.subf %get3A_233, %get3A_237 : vector<16xf32>
        %mul3A_239 = arith.mulf %sub3A_238, %sub3A_238 : vector<16xf32>
        %add3A_240 = arith.addf %add3A_218, %mul3A_239 : vector<16xf32>
        %get3A_241 = arith.index_cast %scan3A_173 : i32 to index
        %get3A_242 = arith.constant 96 : index
        %get3A_243 = tpu.vector_load %arg12[%get3A_241, %get3A_242] {strides = array<i32>} : memref<16x512xf32, #tpu.memory_space<vmem>>, vector<1x16xf32>,
        %get3A_244 = vector.shape_cast %get3A_243 : vector<1x16xf32> to vector<16xf32>
        %get3A_245 = arith.index_cast %scan3A_173 : i32 to index
        %get3A_246 = arith.constant 96 : index
        %get3A_247 = tpu.vector_load %arg8[%get3A_245, %get3A_246] {strides = array<i32>} : memref<16x512xf32, #tpu.memory_space<vmem>>, vector<1x16xf32>,
        %get3A_248 = vector.shape_cast %get3A_247 : vector<1x16xf32> to vector<16xf32>
        %sub3A_249 = arith.subf %get3A_244, %get3A_248 : vector<16xf32>
        %mul3A_250 = arith.mulf %sub3A_249, %sub3A_249 : vector<16xf32>
        %add3A_251 = arith.addf %add3A_229, %mul3A_250 : vector<16xf32>
        %get3A_252 = arith.index_cast %scan3A_173 : i32 to index
        %get3A_253 = arith.constant 112 : index
        %get3A_254 = tpu.vector_load %arg12[%get3A_252, %get3A_253] {strides = array<i32>} : memref<16x512xf32, #tpu.memory_space<vmem>>, vector<1x16xf32>,
        %get3A_255 = vector.shape_cast %get3A_254 : vector<1x16xf32> to vector<16xf32>
        %get3A_256 = arith.index_cast %scan3A_173 : i32 to index
        %get3A_257 = arith.constant 112 : index
        %get3A_258 = tpu.vector_load %arg8[%get3A_256, %get3A_257] {strides = array<i32>} : memref<16x512xf32, #tpu.memory_space<vmem>>, vector<1x16xf32>,
        %get3A_259 = vector.shape_cast %get3A_258 : vector<1x16xf32> to vector<16xf32>
        %sub3A_260 = arith.subf %get3A_255, %get3A_259 : vector<16xf32>
        %mul3A_261 = arith.mulf %sub3A_260, %sub3A_260 : vector<16xf32>
        %add3A_262 = arith.addf %add3A_240, %mul3A_261 : vector<16xf32>
        %get3A_263 = arith.index_cast %scan3A_173 : i32 to index
        %get3A_264 = arith.constant 128 : index
        %get3A_265 = tpu.vector_load %arg12[%get3A_263, %get3A_264] {strides = array<i32>} : memref<16x512xf32, #tpu.memory_space<vmem>>, vector<1x16xf32>,
        %get3A_266 = vector.shape_cast %get3A_265 : vector<1x16xf32> to vector<16xf32>
        %get3A_267 = arith.index_cast %scan3A_173 : i32 to index
        %get3A_268 = arith.constant 128 : index
        %get3A_269 = tpu.vector_load %arg8[%get3A_267, %get3A_268] {strides = array<i32>} : memref<16x512xf32, #tpu.memory_space<vmem>>, vector<1x16xf32>,
        %get3A_270 = vector.shape_cast %get3A_269 : vector<1x16xf32> to vector<16xf32>
        %sub3A_271 = arith.subf %get3A_266, %get3A_270 : vector<16xf32>
        %mul3A_272 = arith.mulf %sub3A_271, %sub3A_271 : vector<16xf32>
        %add3A_273 = arith.addf %add3A_251, %mul3A_272 : vector<16xf32>
        %get3A_274 = arith.index_cast %scan3A_173 : i32 to index
        %get3A_275 = arith.constant 144 : index
        %get3A_276 = tpu.vector_load %arg12[%get3A_274, %get3A_275] {strides = array<i32>} : memref<16x512xf32, #tpu.memory_space<vmem>>, vector<1x16xf32>,
        %get3A_277 = vector.shape_cast %get3A_276 : vector<1x16xf32> to vector<16xf32>
        %get3A_278 = arith.index_cast %scan3A_173 : i32 to index
        %get3A_279 = arith.constant 144 : index
        %get3A_280 = tpu.vector_load %arg8[%get3A_278, %get3A_279] {strides = array<i32>} : memref<16x512xf32, #tpu.memory_space<vmem>>, vector<1x16xf32>,
        %get3A_281 = vector.shape_cast %get3A_280 : vector<1x16xf32> to vector<16xf32>
        %sub3A_282 = arith.subf %get3A_277, %get3A_281 : vector<16xf32>
        %mul3A_283 = arith.mulf %sub3A_282, %sub3A_282 : vector<16xf32>
        %add3A_284 = arith.addf %add3A_262, %mul3A_283 : vector<16xf32>
        %get3A_285 = arith.index_cast %scan3A_173 : i32 to index
        %get3A_286 = arith.constant 160 : index
        %get3A_287 = tpu.vector_load %arg12[%get3A_285, %get3A_286] {strides = array<i32>} : memref<16x512xf32, #tpu.memory_space<vmem>>, vector<1x16xf32>,
        %get3A_288 = vector.shape_cast %get3A_287 : vector<1x16xf32> to vector<16xf32>
        %get3A_289 = arith.index_cast %scan3A_173 : i32 to index
        %get3A_290 = arith.constant 160 : index
        %get3A_291 = tpu.vector_load %arg8[%get3A_289, %get3A_290] {strides = array<i32>} : memref<16x512xf32, #tpu.memory_space<vmem>>, vector<1x16xf32>,
        %get3A_292 = vector.shape_cast %get3A_291 : vector<1x16xf32> to vector<16xf32>
        %sub3A_293 = arith.subf %get3A_288, %get3A_292 : vector<16xf32>
        %mul3A_294 = arith.mulf %sub3A_293, %sub3A_293 : vector<16xf32>
        %add3A_295 = arith.addf %add3A_273, %mul3A_294 : vector<16xf32>
        %get3A_296 = arith.index_cast %scan3A_173 : i32 to index
        %get3A_297 = arith.constant 176 : index
        %get3A_298 = tpu.vector_load %arg12[%get3A_296, %get3A_297] {strides = array<i32>} : memref<16x512xf32, #tpu.memory_space<vmem>>, vector<1x16xf32>,
        %get3A_299 = vector.shape_cast %get3A_298 : vector<1x16xf32> to vector<16xf32>
        %get3A_300 = arith.index_cast %scan3A_173 : i32 to index
        %get3A_301 = arith.constant 176 : index
        %get3A_302 = tpu.vector_load %arg8[%get3A_300, %get3A_301] {strides = array<i32>} : memref<16x512xf32, #tpu.memory_space<vmem>>, vector<1x16xf32>,
        %get3A_303 = vector.shape_cast %get3A_302 : vector<1x16xf32> to vector<16xf32>
        %sub3A_304 = arith.subf %get3A_299, %get3A_303 : vector<16xf32>
        %mul3A_305 = arith.mulf %sub3A_304, %sub3A_304 : vector<16xf32>
        %add3A_306 = arith.addf %add3A_284, %mul3A_305 : vector<16xf32>
        %get3A_307 = arith.index_cast %scan3A_173 : i32 to index
        %get3A_308 = arith.constant 192 : index
        %get3A_309 = tpu.vector_load %arg12[%get3A_307, %get3A_308] {strides = array<i32>} : memref<16x512xf32, #tpu.memory_space<vmem>>, vector<1x16xf32>,
        %get3A_310 = vector.shape_cast %get3A_309 : vector<1x16xf32> to vector<16xf32>
        %get3A_311 = arith.index_cast %scan3A_173 : i32 to index
        %get3A_312 = arith.constant 192 : index
        %get3A_313 = tpu.vector_load %arg8[%get3A_311, %get3A_312] {strides = array<i32>} : memref<16x512xf32, #tpu.memory_space<vmem>>, vector<1x16xf32>,
        %get3A_314 = vector.shape_cast %get3A_313 : vector<1x16xf32> to vector<16xf32>
        %sub3A_315 = arith.subf %get3A_310, %get3A_314 : vector<16xf32>
        %mul3A_316 = arith.mulf %sub3A_315, %sub3A_315 : vector<16xf32>
        %add3A_317 = arith.addf %add3A_295, %mul3A_316 : vector<16xf32>
        %get3A_318 = arith.index_cast %scan3A_173 : i32 to index
        %get3A_319 = arith.constant 208 : index
        %get3A_320 = tpu.vector_load %arg12[%get3A_318, %get3A_319] {strides = array<i32>} : memref<16x512xf32, #tpu.memory_space<vmem>>, vector<1x16xf32>,
        %get3A_321 = vector.shape_cast %get3A_320 : vector<1x16xf32> to vector<16xf32>
        %get3A_322 = arith.index_cast %scan3A_173 : i32 to index
        %get3A_323 = arith.constant 208 : index
        %get3A_324 = tpu.vector_load %arg8[%get3A_322, %get3A_323] {strides = array<i32>} : memref<16x512xf32, #tpu.memory_space<vmem>>, vector<1x16xf32>,
        %get3A_325 = vector.shape_cast %get3A_324 : vector<1x16xf32> to vector<16xf32>
        %sub3A_326 = arith.subf %get3A_321, %get3A_325 : vector<16xf32>
        %mul3A_327 = arith.mulf %sub3A_326, %sub3A_326 : vector<16xf32>
        %add3A_328 = arith.addf %add3A_306, %mul3A_327 : vector<16xf32>
        %get3A_329 = arith.index_cast %scan3A_173 : i32 to index
        %get3A_330 = arith.constant 224 : index
        %get3A_331 = tpu.vector_load %arg12[%get3A_329, %get3A_330] {strides = array<i32>} : memref<16x512xf32, #tpu.memory_space<vmem>>, vector<1x16xf32>,
        %get3A_332 = vector.shape_cast %get3A_331 : vector<1x16xf32> to vector<16xf32>
        %get3A_333 = arith.index_cast %scan3A_173 : i32 to index
        %get3A_334 = arith.constant 224 : index
        %get3A_335 = tpu.vector_load %arg8[%get3A_333, %get3A_334] {strides = array<i32>} : memref<16x512xf32, #tpu.memory_space<vmem>>, vector<1x16xf32>,
        %get3A_336 = vector.shape_cast %get3A_335 : vector<1x16xf32> to vector<16xf32>
        %sub3A_337 = arith.subf %get3A_332, %get3A_336 : vector<16xf32>
        %mul3A_338 = arith.mulf %sub3A_337, %sub3A_337 : vector<16xf32>
        %add3A_339 = arith.addf %add3A_317, %mul3A_338 : vector<16xf32>
        %get3A_340 = arith.index_cast %scan3A_173 : i32 to index
        %get3A_341 = arith.constant 240 : index
        %get3A_342 = tpu.vector_load %arg12[%get3A_340, %get3A_341] {strides = array<i32>} : memref<16x512xf32, #tpu.memory_space<vmem>>, vector<1x16xf32>,
        %get3A_343 = vector.shape_cast %get3A_342 : vector<1x16xf32> to vector<16xf32>
        %get3A_344 = arith.index_cast %scan3A_173 : i32 to index
        %get3A_345 = arith.constant 240 : index
        %get3A_346 = tpu.vector_load %arg8[%get3A_344, %get3A_345] {strides = array<i32>} : memref<16x512xf32, #tpu.memory_space<vmem>>, vector<1x16xf32>,
        %get3A_347 = vector.shape_cast %get3A_346 : vector<1x16xf32> to vector<16xf32>
        %sub3A_348 = arith.subf %get3A_343, %get3A_347 : vector<16xf32>
        %mul3A_349 = arith.mulf %sub3A_348, %sub3A_348 : vector<16xf32>
        %add3A_350 = arith.addf %add3A_328, %mul3A_349 : vector<16xf32>
        %get3A_351 = arith.index_cast %scan3A_173 : i32 to index
        %get3A_352 = arith.constant 256 : index
        %get3A_353 = tpu.vector_load %arg12[%get3A_351, %get3A_352] {strides = array<i32>} : memref<16x512xf32, #tpu.memory_space<vmem>>, vector<1x16xf32>,
        %get3A_354 = vector.shape_cast %get3A_353 : vector<1x16xf32> to vector<16xf32>
        %get3A_355 = arith.index_cast %scan3A_173 : i32 to index
        %get3A_356 = arith.constant 256 : index
        %get3A_357 = tpu.vector_load %arg8[%get3A_355, %get3A_356] {strides = array<i32>} : memref<16x512xf32, #tpu.memory_space<vmem>>, vector<1x16xf32>,
        %get3A_358 = vector.shape_cast %get3A_357 : vector<1x16xf32> to vector<16xf32>
        %sub3A_359 = arith.subf %get3A_354, %get3A_358 : vector<16xf32>
        %mul3A_360 = arith.mulf %sub3A_359, %sub3A_359 : vector<16xf32>
        %add3A_361 = arith.addf %add3A_339, %mul3A_360 : vector<16xf32>
        %get3A_362 = arith.index_cast %scan3A_173 : i32 to index
        %get3A_363 = arith.constant 272 : index
        %get3A_364 = tpu.vector_load %arg12[%get3A_362, %get3A_363] {strides = array<i32>} : memref<16x512xf32, #tpu.memory_space<vmem>>, vector<1x16xf32>,
        %get3A_365 = vector.shape_cast %get3A_364 : vector<1x16xf32> to vector<16xf32>
        %get3A_366 = arith.index_cast %scan3A_173 : i32 to index
        %get3A_367 = arith.constant 272 : index
        %get3A_368 = tpu.vector_load %arg8[%get3A_366, %get3A_367] {strides = array<i32>} : memref<16x512xf32, #tpu.memory_space<vmem>>, vector<1x16xf32>,
        %get3A_369 = vector.shape_cast %get3A_368 : vector<1x16xf32> to vector<16xf32>
        %sub3A_370 = arith.subf %get3A_365, %get3A_369 : vector<16xf32>
        %mul3A_371 = arith.mulf %sub3A_370, %sub3A_370 : vector<16xf32>
        %add3A_372 = arith.addf %add3A_350, %mul3A_371 : vector<16xf32>
        %get3A_373 = arith.index_cast %scan3A_173 : i32 to index
        %get3A_374 = arith.constant 288 : index
        %get3A_375 = tpu.vector_load %arg12[%get3A_373, %get3A_374] {strides = array<i32>} : memref<16x512xf32, #tpu.memory_space<vmem>>, vector<1x16xf32>,
        %get3A_376 = vector.shape_cast %get3A_375 : vector<1x16xf32> to vector<16xf32>
        %get3A_377 = arith.index_cast %scan3A_173 : i32 to index
        %get3A_378 = arith.constant 288 : index
        %get3A_379 = tpu.vector_load %arg8[%get3A_377, %get3A_378] {strides = array<i32>} : memref<16x512xf32, #tpu.memory_space<vmem>>, vector<1x16xf32>,
        %get3A_380 = vector.shape_cast %get3A_379 : vector<1x16xf32> to vector<16xf32>
        %sub3A_381 = arith.subf %get3A_376, %get3A_380 : vector<16xf32>
        %mul3A_382 = arith.mulf %sub3A_381, %sub3A_381 : vector<16xf32>
        %add3A_383 = arith.addf %add3A_361, %mul3A_382 : vector<16xf32>
        %get3A_384 = arith.index_cast %scan3A_173 : i32 to index
        %get3A_385 = arith.constant 304 : index
        %get3A_386 = tpu.vector_load %arg12[%get3A_384, %get3A_385] {strides = array<i32>} : memref<16x512xf32, #tpu.memory_space<vmem>>, vector<1x16xf32>,
        %get3A_387 = vector.shape_cast %get3A_386 : vector<1x16xf32> to vector<16xf32>
        %get3A_388 = arith.index_cast %scan3A_173 : i32 to index
        %get3A_389 = arith.constant 304 : index
        %get3A_390 = tpu.vector_load %arg8[%get3A_388, %get3A_389] {strides = array<i32>} : memref<16x512xf32, #tpu.memory_space<vmem>>, vector<1x16xf32>,
        %get3A_391 = vector.shape_cast %get3A_390 : vector<1x16xf32> to vector<16xf32>
        %sub3A_392 = arith.subf %get3A_387, %get3A_391 : vector<16xf32>
        %mul3A_393 = arith.mulf %sub3A_392, %sub3A_392 : vector<16xf32>
        %add3A_394 = arith.addf %add3A_372, %mul3A_393 : vector<16xf32>
        %get3A_395 = arith.index_cast %scan3A_173 : i32 to index
        %get3A_396 = arith.constant 320 : index
        %get3A_397 = tpu.vector_load %arg12[%get3A_395, %get3A_396] {strides = array<i32>} : memref<16x512xf32, #tpu.memory_space<vmem>>, vector<1x16xf32>,
        %get3A_398 = vector.shape_cast %get3A_397 : vector<1x16xf32> to vector<16xf32>
        %get3A_399 = arith.index_cast %scan3A_173 : i32 to index
        %get3A_400 = arith.constant 320 : index
        %get3A_401 = tpu.vector_load %arg8[%get3A_399, %get3A_400] {strides = array<i32>} : memref<16x512xf32, #tpu.memory_space<vmem>>, vector<1x16xf32>,
        %get3A_402 = vector.shape_cast %get3A_401 : vector<1x16xf32> to vector<16xf32>
        %sub3A_403 = arith.subf %get3A_398, %get3A_402 : vector<16xf32>
        %mul3A_404 = arith.mulf %sub3A_403, %sub3A_403 : vector<16xf32>
        %add3A_405 = arith.addf %add3A_383, %mul3A_404 : vector<16xf32>
        %get3A_406 = arith.index_cast %scan3A_173 : i32 to index
        %get3A_407 = arith.constant 336 : index
        %get3A_408 = tpu.vector_load %arg12[%get3A_406, %get3A_407] {strides = array<i32>} : memref<16x512xf32, #tpu.memory_space<vmem>>, vector<1x16xf32>,
        %get3A_409 = vector.shape_cast %get3A_408 : vector<1x16xf32> to vector<16xf32>
        %get3A_410 = arith.index_cast %scan3A_173 : i32 to index
        %get3A_411 = arith.constant 336 : index
        %get3A_412 = tpu.vector_load %arg8[%get3A_410, %get3A_411] {strides = array<i32>} : memref<16x512xf32, #tpu.memory_space<vmem>>, vector<1x16xf32>,
        %get3A_413 = vector.shape_cast %get3A_412 : vector<1x16xf32> to vector<16xf32>
        %sub3A_414 = arith.subf %get3A_409, %get3A_413 : vector<16xf32>
        %mul3A_415 = arith.mulf %sub3A_414, %sub3A_414 : vector<16xf32>
        %add3A_416 = arith.addf %add3A_394, %mul3A_415 : vector<16xf32>
        %get3A_417 = arith.index_cast %scan3A_173 : i32 to index
        %get3A_418 = arith.constant 352 : index
        %get3A_419 = tpu.vector_load %arg12[%get3A_417, %get3A_418] {strides = array<i32>} : memref<16x512xf32, #tpu.memory_space<vmem>>, vector<1x16xf32>,
        %get3A_420 = vector.shape_cast %get3A_419 : vector<1x16xf32> to vector<16xf32>
        %get3A_421 = arith.index_cast %scan3A_173 : i32 to index
        %get3A_422 = arith.constant 352 : index
        %get3A_423 = tpu.vector_load %arg8[%get3A_421, %get3A_422] {strides = array<i32>} : memref<16x512xf32, #tpu.memory_space<vmem>>, vector<1x16xf32>,
        %get3A_424 = vector.shape_cast %get3A_423 : vector<1x16xf32> to vector<16xf32>
        %sub3A_425 = arith.subf %get3A_420, %get3A_424 : vector<16xf32>
        %mul3A_426 = arith.mulf %sub3A_425, %sub3A_425 : vector<16xf32>
        %add3A_427 = arith.addf %add3A_405, %mul3A_426 : vector<16xf32>
        %get3A_428 = arith.index_cast %scan3A_173 : i32 to index
        %get3A_429 = arith.constant 368 : index
        %get3A_430 = tpu.vector_load %arg12[%get3A_428, %get3A_429] {strides = array<i32>} : memref<16x512xf32, #tpu.memory_space<vmem>>, vector<1x16xf32>,
        %get3A_431 = vector.shape_cast %get3A_430 : vector<1x16xf32> to vector<16xf32>
        %get3A_432 = arith.index_cast %scan3A_173 : i32 to index
        %get3A_433 = arith.constant 368 : index
        %get3A_434 = tpu.vector_load %arg8[%get3A_432, %get3A_433] {strides = array<i32>} : memref<16x512xf32, #tpu.memory_space<vmem>>, vector<1x16xf32>,
        %get3A_435 = vector.shape_cast %get3A_434 : vector<1x16xf32> to vector<16xf32>
        %sub3A_436 = arith.subf %get3A_431, %get3A_435 : vector<16xf32>
        %mul3A_437 = arith.mulf %sub3A_436, %sub3A_436 : vector<16xf32>
        %add3A_438 = arith.addf %add3A_416, %mul3A_437 : vector<16xf32>
        %get3A_439 = arith.index_cast %scan3A_173 : i32 to index
        %get3A_440 = arith.constant 384 : index
        %get3A_441 = tpu.vector_load %arg12[%get3A_439, %get3A_440] {strides = array<i32>} : memref<16x512xf32, #tpu.memory_space<vmem>>, vector<1x16xf32>,
        %get3A_442 = vector.shape_cast %get3A_441 : vector<1x16xf32> to vector<16xf32>
        %get3A_443 = arith.index_cast %scan3A_173 : i32 to index
        %get3A_444 = arith.constant 384 : index
        %get3A_445 = tpu.vector_load %arg8[%get3A_443, %get3A_444] {strides = array<i32>} : memref<16x512xf32, #tpu.memory_space<vmem>>, vector<1x16xf32>,
        %get3A_446 = vector.shape_cast %get3A_445 : vector<1x16xf32> to vector<16xf32>
        %sub3A_447 = arith.subf %get3A_442, %get3A_446 : vector<16xf32>
        %mul3A_448 = arith.mulf %sub3A_447, %sub3A_447 : vector<16xf32>
        %add3A_449 = arith.addf %add3A_427, %mul3A_448 : vector<16xf32>
        %get3A_450 = arith.index_cast %scan3A_173 : i32 to index
        %get3A_451 = arith.constant 400 : index
        %get3A_452 = tpu.vector_load %arg12[%get3A_450, %get3A_451] {strides = array<i32>} : memref<16x512xf32, #tpu.memory_space<vmem>>, vector<1x16xf32>,
        %get3A_453 = vector.shape_cast %get3A_452 : vector<1x16xf32> to vector<16xf32>
        %get3A_454 = arith.index_cast %scan3A_173 : i32 to index
        %get3A_455 = arith.constant 400 : index
        %get3A_456 = tpu.vector_load %arg8[%get3A_454, %get3A_455] {strides = array<i32>} : memref<16x512xf32, #tpu.memory_space<vmem>>, vector<1x16xf32>,
        %get3A_457 = vector.shape_cast %get3A_456 : vector<1x16xf32> to vector<16xf32>
        %sub3A_458 = arith.subf %get3A_453, %get3A_457 : vector<16xf32>
        %mul3A_459 = arith.mulf %sub3A_458, %sub3A_458 : vector<16xf32>
        %add3A_460 = arith.addf %add3A_438, %mul3A_459 : vector<16xf32>
        %get3A_461 = arith.index_cast %scan3A_173 : i32 to index
        %get3A_462 = arith.constant 416 : index
        %get3A_463 = tpu.vector_load %arg12[%get3A_461, %get3A_462] {strides = array<i32>} : memref<16x512xf32, #tpu.memory_space<vmem>>, vector<1x16xf32>,
        %get3A_464 = vector.shape_cast %get3A_463 : vector<1x16xf32> to vector<16xf32>
        %get3A_465 = arith.index_cast %scan3A_173 : i32 to index
        %get3A_466 = arith.constant 416 : index
        %get3A_467 = tpu.vector_load %arg8[%get3A_465, %get3A_466] {strides = array<i32>} : memref<16x512xf32, #tpu.memory_space<vmem>>, vector<1x16xf32>,
        %get3A_468 = vector.shape_cast %get3A_467 : vector<1x16xf32> to vector<16xf32>
        %sub3A_469 = arith.subf %get3A_464, %get3A_468 : vector<16xf32>
        %mul3A_470 = arith.mulf %sub3A_469, %sub3A_469 : vector<16xf32>
        %add3A_471 = arith.addf %add3A_449, %mul3A_470 : vector<16xf32>
        %get3A_472 = arith.index_cast %scan3A_173 : i32 to index
        %get3A_473 = arith.constant 432 : index
        %get3A_474 = tpu.vector_load %arg12[%get3A_472, %get3A_473] {strides = array<i32>} : memref<16x512xf32, #tpu.memory_space<vmem>>, vector<1x16xf32>,
        %get3A_475 = vector.shape_cast %get3A_474 : vector<1x16xf32> to vector<16xf32>
        %get3A_476 = arith.index_cast %scan3A_173 : i32 to index
        %get3A_477 = arith.constant 432 : index
        %get3A_478 = tpu.vector_load %arg8[%get3A_476, %get3A_477] {strides = array<i32>} : memref<16x512xf32, #tpu.memory_space<vmem>>, vector<1x16xf32>,
        %get3A_479 = vector.shape_cast %get3A_478 : vector<1x16xf32> to vector<16xf32>
        %sub3A_480 = arith.subf %get3A_475, %get3A_479 : vector<16xf32>
        %mul3A_481 = arith.mulf %sub3A_480, %sub3A_480 : vector<16xf32>
        %add3A_482 = arith.addf %add3A_460, %mul3A_481 : vector<16xf32>
        %get3A_483 = arith.index_cast %scan3A_173 : i32 to index
        %get3A_484 = arith.constant 448 : index
        %get3A_485 = tpu.vector_load %arg12[%get3A_483, %get3A_484] {strides = array<i32>} : memref<16x512xf32, #tpu.memory_space<vmem>>, vector<1x16xf32>,
        %get3A_486 = vector.shape_cast %get3A_485 : vector<1x16xf32> to vector<16xf32>
        %get3A_487 = arith.index_cast %scan3A_173 : i32 to index
        %get3A_488 = arith.constant 448 : index
        %get3A_489 = tpu.vector_load %arg8[%get3A_487, %get3A_488] {strides = array<i32>} : memref<16x512xf32, #tpu.memory_space<vmem>>, vector<1x16xf32>,
        %get3A_490 = vector.shape_cast %get3A_489 : vector<1x16xf32> to vector<16xf32>
        %sub3A_491 = arith.subf %get3A_486, %get3A_490 : vector<16xf32>
        %mul3A_492 = arith.mulf %sub3A_491, %sub3A_491 : vector<16xf32>
        %add3A_493 = arith.addf %add3A_471, %mul3A_492 : vector<16xf32>
        %get3A_494 = arith.index_cast %scan3A_173 : i32 to index
        %get3A_495 = arith.constant 464 : index
        %get3A_496 = tpu.vector_load %arg12[%get3A_494, %get3A_495] {strides = array<i32>} : memref<16x512xf32, #tpu.memory_space<vmem>>, vector<1x16xf32>,
        %get3A_497 = vector.shape_cast %get3A_496 : vector<1x16xf32> to vector<16xf32>
        %get3A_498 = arith.index_cast %scan3A_173 : i32 to index
        %get3A_499 = arith.constant 464 : index
        %get3A_500 = tpu.vector_load %arg8[%get3A_498, %get3A_499] {strides = array<i32>} : memref<16x512xf32, #tpu.memory_space<vmem>>, vector<1x16xf32>,
        %get3A_501 = vector.shape_cast %get3A_500 : vector<1x16xf32> to vector<16xf32>
        %sub3A_502 = arith.subf %get3A_497, %get3A_501 : vector<16xf32>
        %mul3A_503 = arith.mulf %sub3A_502, %sub3A_502 : vector<16xf32>
        %add3A_504 = arith.addf %add3A_482, %mul3A_503 : vector<16xf32>
        %get3A_505 = arith.index_cast %scan3A_173 : i32 to index
        %get3A_506 = arith.constant 480 : index
        %get3A_507 = tpu.vector_load %arg12[%get3A_505, %get3A_506] {strides = array<i32>} : memref<16x512xf32, #tpu.memory_space<vmem>>, vector<1x16xf32>,
        %get3A_508 = vector.shape_cast %get3A_507 : vector<1x16xf32> to vector<16xf32>
        %get3A_509 = arith.index_cast %scan3A_173 : i32 to index
        %get3A_510 = arith.constant 480 : index
        %get3A_511 = tpu.vector_load %arg8[%get3A_509, %get3A_510] {strides = array<i32>} : memref<16x512xf32, #tpu.memory_space<vmem>>, vector<1x16xf32>,
        %get3A_512 = vector.shape_cast %get3A_511 : vector<1x16xf32> to vector<16xf32>
        %sub3A_513 = arith.subf %get3A_508, %get3A_512 : vector<16xf32>
        %mul3A_514 = arith.mulf %sub3A_513, %sub3A_513 : vector<16xf32>
        %add3A_515 = arith.addf %add3A_493, %mul3A_514 : vector<16xf32>
        %get3A_516 = arith.index_cast %scan3A_173 : i32 to index
        %get3A_517 = arith.constant 496 : index
        %get3A_518 = tpu.vector_load %arg12[%get3A_516, %get3A_517] {strides = array<i32>} : memref<16x512xf32, #tpu.memory_space<vmem>>, vector<1x16xf32>,
        %get3A_519 = vector.shape_cast %get3A_518 : vector<1x16xf32> to vector<16xf32>
        %get3A_520 = arith.index_cast %scan3A_173 : i32 to index
        %get3A_521 = arith.constant 496 : index
        %get3A_522 = tpu.vector_load %arg8[%get3A_520, %get3A_521] {strides = array<i32>} : memref<16x512xf32, #tpu.memory_space<vmem>>, vector<1x16xf32>,
        %get3A_523 = vector.shape_cast %get3A_522 : vector<1x16xf32> to vector<16xf32>
        %sub3A_524 = arith.subf %get3A_519, %get3A_523 : vector<16xf32>
        %mul3A_525 = arith.mulf %sub3A_524, %sub3A_524 : vector<16xf32>
        %add3A_526 = arith.addf %add3A_504, %mul3A_525 : vector<16xf32>
        scf.yield %add3A_515, %add3A_526 : vector<16xf32>, vector<16xf32>
      }
      %scan3A_76 = arith.constant 16 : i32
      %mul3A_77 = arith.constant 4 : i32
      %mul3A_78 = arith.muli %scan3A_47, %mul3A_77 : i32
      %add3A_79 = arith.constant 1 : i32
      %add3A_80 = arith.addi %mul3A_78, %add3A_79 : i32
      %add3A_81 = arith.constant 4 : i32
      %add3A_82 = arith.addi %add3A_80, %add3A_81 : i32
      %sub3A_83 = arith.constant 1 : i32
      %sub3A_84 = arith.subi %add3A_82, %sub3A_83 : i32
      %lt3A_85 = arith.constant 32 : i32
      %lt3A_86 = arith.cmpi slt, %sub3A_84, %lt3A_85 : i32
      %convert_element_type3A_87 = arith.extui %lt3A_86 : i1 to i32
      %cond3A_88 = arith.constant 0 : i32
      %cond3A_89 = arith.cmpi ne, %convert_element_type3A_87, %cond3A_88 : i32
      scf.if %cond3A_89 {
        %mul3A_173 = arith.constant 16 : i32
        %mul3A_174 = arith.muli %sub3A_84, %mul3A_173 : i32
        %dma_start3A_175 = tpu.memref_slice %arg6[%mul3A_174] : memref<512xi32, #tpu.memory_space<vmem>> -> memref<16xi32, #tpu.memory_space<vmem>>
        %dma_start3A_176 = arith.constant 0 : i32
        %dma_start3A_177 = arith.constant 0 : i32
        %dma_start3A_178 = tpu.memref_slice %arg4[%dma_start3A_176, %dma_start3A_177] : memref<100000x512xf32, #tpu.memory_space<hbm>> -> memref<100000x512xf32, #tpu.memory_space<hbm>>
        tpu.enqueue_indirect_dma source(%dma_start3A_178 : memref<100000x512xf32, #tpu.memory_space<hbm>>) target(%arg8 : memref<16x512xf32, #tpu.memory_space<vmem>>) offsets(%dma_start3A_175 : memref<16xi32, #tpu.memory_space<vmem>>) semaphore(%arg16 : memref<!tpu.dma_semaphore, #tpu.memory_space<semaphore_mem>>)
        %mul3A_179 = arith.constant 16 : i32
        %mul3A_180 = arith.muli %sub3A_84, %mul3A_179 : i32
        %add3A_181 = arith.addi %mul3A_2, %mul3A_180 : i32
        %dma_start3A_182 = arith.constant 0 : i32
        %dma_start3A_183 = tpu.memref_slice %arg2[%add3A_181, %dma_start3A_182] : memref<16384x512xf32, #tpu.memory_space<hbm>> -> memref<16x512xf32, #tpu.memory_space<hbm>>
        %dma_start3A_184 = arith.constant 0 : i32
        %dma_start3A_185 = tpu.memref_slice %arg2[%add3A_181, %dma_start3A_184] : memref<16384x512xf32, #tpu.memory_space<hbm>> -> memref<16x512xf32, #tpu.memory_space<hbm>>
        tpu.enqueue_dma source(%dma_start3A_185 : memref<16x512xf32, #tpu.memory_space<hbm>>) target(%arg12 : memref<16x512xf32, #tpu.memory_space<vmem>>) target_semaphore(%arg20 : memref<!tpu.dma_semaphore, #tpu.memory_space<semaphore_mem>>)
      } else {
      }
      %mul3A_90 = arith.constant 16 : i32
      %mul3A_91 = arith.muli %add3A_80, %mul3A_90 : i32
      %dma_wait3A_92 = tpu.memref_slice %arg6[%mul3A_91] : memref<512xi32, #tpu.memory_space<vmem>> -> memref<16xi32, #tpu.memory_space<vmem>>
      %dma_wait3A_93 = arith.constant 0 : i32
      %dma_wait3A_94 = arith.constant 0 : i32
      %dma_wait3A_95 = tpu.memref_slice %arg4[%dma_wait3A_93, %dma_wait3A_94] : memref<100000x512xf32, #tpu.memory_space<hbm>> -> memref<100000x512xf32, #tpu.memory_space<hbm>>
      tpu.wait_indirect_dma semaphore(%arg17 : memref<!tpu.dma_semaphore, #tpu.memory_space<semaphore_mem>>) src(%dma_wait3A_95 : memref<100000x512xf32, #tpu.memory_space<hbm>>) dst(%arg9 : memref<16x512xf32, #tpu.memory_space<vmem>>)
      %mul3A_96 = arith.constant 16 : i32
      %mul3A_97 = arith.muli %add3A_80, %mul3A_96 : i32
      %add3A_98 = arith.addi %mul3A_2, %mul3A_97 : i32
      %dma_wait3A_99 = arith.constant 0 : i32
      %dma_wait3A_100 = tpu.memref_slice %arg2[%add3A_98, %dma_wait3A_99] : memref<16384x512xf32, #tpu.memory_space<hbm>> -> memref<16x512xf32, #tpu.memory_space<hbm>>
      %dma_wait3A_101 = arith.constant 0 : i32
      %dma_wait3A_102 = tpu.memref_slice %arg2[%add3A_98, %dma_wait3A_101] : memref<16384x512xf32, #tpu.memory_space<hbm>> -> memref<16x512xf32, #tpu.memory_space<hbm>>
      tpu.wait_dma2 semaphore(%arg21 : memref<!tpu.dma_semaphore, #tpu.memory_space<semaphore_mem>>) src(%dma_wait3A_102 : memref<16x512xf32, #tpu.memory_space<hbm>>) dst(%arg13 : memref<16x512xf32, #tpu.memory_space<vmem>>)
      %scan3A_103 = arith.constant 0 : i32
      %scan3A_104 = arith.constant 16 : i32
      %scan3A_105 = arith.addi %scan3A_103, %scan3A_104 : i32
      %scan3A_106 = arith.constant 1 : i32
      %scan3A_107:2 = scf.for %scan3A_173 = %scan3A_103 to %scan3A_105 step %scan3A_106 iter_args(%scan3A_174 = %scan3A_75#0, %scan3A_175 = %scan3A_75#1) -> (vector<16xf32>, vector<16xf32>)  : i32 {
        %get3A = arith.index_cast %scan3A_173 : i32 to index
        %get3A_176 = arith.constant 0 : index
        %get3A_177 = tpu.vector_load %arg13[%get3A, %get3A_176] {strides = array<i32>} : memref<16x512xf32, #tpu.memory_space<vmem>>, vector<1x16xf32>,
        %get3A_178 = vector.shape_cast %get3A_177 : vector<1x16xf32> to vector<16xf32>
        %get3A_179 = arith.index_cast %scan3A_173 : i32 to index
        %get3A_180 = arith.constant 0 : index
        %get3A_181 = tpu.vector_load %arg9[%get3A_179, %get3A_180] {strides = array<i32>} : memref<16x512xf32, #tpu.memory_space<vmem>>, vector<1x16xf32>,
        %get3A_182 = vector.shape_cast %get3A_181 : vector<1x16xf32> to vector<16xf32>
        %sub3A_183 = arith.subf %get3A_178, %get3A_182 : vector<16xf32>
        %mul3A_184 = arith.mulf %sub3A_183, %sub3A_183 : vector<16xf32>
        %add3A_185 = arith.addf %scan3A_174, %mul3A_184 : vector<16xf32>
        %get3A_186 = arith.index_cast %scan3A_173 : i32 to index
        %get3A_187 = arith.constant 16 : index
        %get3A_188 = tpu.vector_load %arg13[%get3A_186, %get3A_187] {strides = array<i32>} : memref<16x512xf32, #tpu.memory_space<vmem>>, vector<1x16xf32>,
        %get3A_189 = vector.shape_cast %get3A_188 : vector<1x16xf32> to vector<16xf32>
        %get3A_190 = arith.index_cast %scan3A_173 : i32 to index
        %get3A_191 = arith.constant 16 : index
        %get3A_192 = tpu.vector_load %arg9[%get3A_190, %get3A_191] {strides = array<i32>} : memref<16x512xf32, #tpu.memory_space<vmem>>, vector<1x16xf32>,
        %get3A_193 = vector.shape_cast %get3A_192 : vector<1x16xf32> to vector<16xf32>
        %sub3A_194 = arith.subf %get3A_189, %get3A_193 : vector<16xf32>
        %mul3A_195 = arith.mulf %sub3A_194, %sub3A_194 : vector<16xf32>
        %add3A_196 = arith.addf %scan3A_175, %mul3A_195 : vector<16xf32>
        %get3A_197 = arith.index_cast %scan3A_173 : i32 to index
        %get3A_198 = arith.constant 32 : index
        %get3A_199 = tpu.vector_load %arg13[%get3A_197, %get3A_198] {strides = array<i32>} : memref<16x512xf32, #tpu.memory_space<vmem>>, vector<1x16xf32>,
        %get3A_200 = vector.shape_cast %get3A_199 : vector<1x16xf32> to vector<16xf32>
        %get3A_201 = arith.index_cast %scan3A_173 : i32 to index
        %get3A_202 = arith.constant 32 : index
        %get3A_203 = tpu.vector_load %arg9[%get3A_201, %get3A_202] {strides = array<i32>} : memref<16x512xf32, #tpu.memory_space<vmem>>, vector<1x16xf32>,
        %get3A_204 = vector.shape_cast %get3A_203 : vector<1x16xf32> to vector<16xf32>
        %sub3A_205 = arith.subf %get3A_200, %get3A_204 : vector<16xf32>
        %mul3A_206 = arith.mulf %sub3A_205, %sub3A_205 : vector<16xf32>
        %add3A_207 = arith.addf %add3A_185, %mul3A_206 : vector<16xf32>
        %get3A_208 = arith.index_cast %scan3A_173 : i32 to index
        %get3A_209 = arith.constant 48 : index
        %get3A_210 = tpu.vector_load %arg13[%get3A_208, %get3A_209] {strides = array<i32>} : memref<16x512xf32, #tpu.memory_space<vmem>>, vector<1x16xf32>,
        %get3A_211 = vector.shape_cast %get3A_210 : vector<1x16xf32> to vector<16xf32>
        %get3A_212 = arith.index_cast %scan3A_173 : i32 to index
        %get3A_213 = arith.constant 48 : index
        %get3A_214 = tpu.vector_load %arg9[%get3A_212, %get3A_213] {strides = array<i32>} : memref<16x512xf32, #tpu.memory_space<vmem>>, vector<1x16xf32>,
        %get3A_215 = vector.shape_cast %get3A_214 : vector<1x16xf32> to vector<16xf32>
        %sub3A_216 = arith.subf %get3A_211, %get3A_215 : vector<16xf32>
        %mul3A_217 = arith.mulf %sub3A_216, %sub3A_216 : vector<16xf32>
        %add3A_218 = arith.addf %add3A_196, %mul3A_217 : vector<16xf32>
        %get3A_219 = arith.index_cast %scan3A_173 : i32 to index
        %get3A_220 = arith.constant 64 : index
        %get3A_221 = tpu.vector_load %arg13[%get3A_219, %get3A_220] {strides = array<i32>} : memref<16x512xf32, #tpu.memory_space<vmem>>, vector<1x16xf32>,
        %get3A_222 = vector.shape_cast %get3A_221 : vector<1x16xf32> to vector<16xf32>
        %get3A_223 = arith.index_cast %scan3A_173 : i32 to index
        %get3A_224 = arith.constant 64 : index
        %get3A_225 = tpu.vector_load %arg9[%get3A_223, %get3A_224] {strides = array<i32>} : memref<16x512xf32, #tpu.memory_space<vmem>>, vector<1x16xf32>,
        %get3A_226 = vector.shape_cast %get3A_225 : vector<1x16xf32> to vector<16xf32>
        %sub3A_227 = arith.subf %get3A_222, %get3A_226 : vector<16xf32>
        %mul3A_228 = arith.mulf %sub3A_227, %sub3A_227 : vector<16xf32>
        %add3A_229 = arith.addf %add3A_207, %mul3A_228 : vector<16xf32>
        %get3A_230 = arith.index_cast %scan3A_173 : i32 to index
        %get3A_231 = arith.constant 80 : index
        %get3A_232 = tpu.vector_load %arg13[%get3A_230, %get3A_231] {strides = array<i32>} : memref<16x512xf32, #tpu.memory_space<vmem>>, vector<1x16xf32>,
        %get3A_233 = vector.shape_cast %get3A_232 : vector<1x16xf32> to vector<16xf32>
        %get3A_234 = arith.index_cast %scan3A_173 : i32 to index
        %get3A_235 = arith.constant 80 : index
        %get3A_236 = tpu.vector_load %arg9[%get3A_234, %get3A_235] {strides = array<i32>} : memref<16x512xf32, #tpu.memory_space<vmem>>, vector<1x16xf32>,
        %get3A_237 = vector.shape_cast %get3A_236 : vector<1x16xf32> to vector<16xf32>
        %sub3A_238 = arith.subf %get3A_233, %get3A_237 : vector<16xf32>
        %mul3A_239 = arith.mulf %sub3A_238, %sub3A_238 : vector<16xf32>
        %add3A_240 = arith.addf %add3A_218, %mul3A_239 : vector<16xf32>
        %get3A_241 = arith.index_cast %scan3A_173 : i32 to index
        %get3A_242 = arith.constant 96 : index
        %get3A_243 = tpu.vector_load %arg13[%get3A_241, %get3A_242] {strides = array<i32>} : memref<16x512xf32, #tpu.memory_space<vmem>>, vector<1x16xf32>,
        %get3A_244 = vector.shape_cast %get3A_243 : vector<1x16xf32> to vector<16xf32>
        %get3A_245 = arith.index_cast %scan3A_173 : i32 to index
        %get3A_246 = arith.constant 96 : index
        %get3A_247 = tpu.vector_load %arg9[%get3A_245, %get3A_246] {strides = array<i32>} : memref<16x512xf32, #tpu.memory_space<vmem>>, vector<1x16xf32>,
        %get3A_248 = vector.shape_cast %get3A_247 : vector<1x16xf32> to vector<16xf32>
        %sub3A_249 = arith.subf %get3A_244, %get3A_248 : vector<16xf32>
        %mul3A_250 = arith.mulf %sub3A_249, %sub3A_249 : vector<16xf32>
        %add3A_251 = arith.addf %add3A_229, %mul3A_250 : vector<16xf32>
        %get3A_252 = arith.index_cast %scan3A_173 : i32 to index
        %get3A_253 = arith.constant 112 : index
        %get3A_254 = tpu.vector_load %arg13[%get3A_252, %get3A_253] {strides = array<i32>} : memref<16x512xf32, #tpu.memory_space<vmem>>, vector<1x16xf32>,
        %get3A_255 = vector.shape_cast %get3A_254 : vector<1x16xf32> to vector<16xf32>
        %get3A_256 = arith.index_cast %scan3A_173 : i32 to index
        %get3A_257 = arith.constant 112 : index
        %get3A_258 = tpu.vector_load %arg9[%get3A_256, %get3A_257] {strides = array<i32>} : memref<16x512xf32, #tpu.memory_space<vmem>>, vector<1x16xf32>,
        %get3A_259 = vector.shape_cast %get3A_258 : vector<1x16xf32> to vector<16xf32>
        %sub3A_260 = arith.subf %get3A_255, %get3A_259 : vector<16xf32>
        %mul3A_261 = arith.mulf %sub3A_260, %sub3A_260 : vector<16xf32>
        %add3A_262 = arith.addf %add3A_240, %mul3A_261 : vector<16xf32>
        %get3A_263 = arith.index_cast %scan3A_173 : i32 to index
        %get3A_264 = arith.constant 128 : index
        %get3A_265 = tpu.vector_load %arg13[%get3A_263, %get3A_264] {strides = array<i32>} : memref<16x512xf32, #tpu.memory_space<vmem>>, vector<1x16xf32>,
        %get3A_266 = vector.shape_cast %get3A_265 : vector<1x16xf32> to vector<16xf32>
        %get3A_267 = arith.index_cast %scan3A_173 : i32 to index
        %get3A_268 = arith.constant 128 : index
        %get3A_269 = tpu.vector_load %arg9[%get3A_267, %get3A_268] {strides = array<i32>} : memref<16x512xf32, #tpu.memory_space<vmem>>, vector<1x16xf32>,
        %get3A_270 = vector.shape_cast %get3A_269 : vector<1x16xf32> to vector<16xf32>
        %sub3A_271 = arith.subf %get3A_266, %get3A_270 : vector<16xf32>
        %mul3A_272 = arith.mulf %sub3A_271, %sub3A_271 : vector<16xf32>
        %add3A_273 = arith.addf %add3A_251, %mul3A_272 : vector<16xf32>
        %get3A_274 = arith.index_cast %scan3A_173 : i32 to index
        %get3A_275 = arith.constant 144 : index
        %get3A_276 = tpu.vector_load %arg13[%get3A_274, %get3A_275] {strides = array<i32>} : memref<16x512xf32, #tpu.memory_space<vmem>>, vector<1x16xf32>,
        %get3A_277 = vector.shape_cast %get3A_276 : vector<1x16xf32> to vector<16xf32>
        %get3A_278 = arith.index_cast %scan3A_173 : i32 to index
        %get3A_279 = arith.constant 144 : index
        %get3A_280 = tpu.vector_load %arg9[%get3A_278, %get3A_279] {strides = array<i32>} : memref<16x512xf32, #tpu.memory_space<vmem>>, vector<1x16xf32>,
        %get3A_281 = vector.shape_cast %get3A_280 : vector<1x16xf32> to vector<16xf32>
        %sub3A_282 = arith.subf %get3A_277, %get3A_281 : vector<16xf32>
        %mul3A_283 = arith.mulf %sub3A_282, %sub3A_282 : vector<16xf32>
        %add3A_284 = arith.addf %add3A_262, %mul3A_283 : vector<16xf32>
        %get3A_285 = arith.index_cast %scan3A_173 : i32 to index
        %get3A_286 = arith.constant 160 : index
        %get3A_287 = tpu.vector_load %arg13[%get3A_285, %get3A_286] {strides = array<i32>} : memref<16x512xf32, #tpu.memory_space<vmem>>, vector<1x16xf32>,
        %get3A_288 = vector.shape_cast %get3A_287 : vector<1x16xf32> to vector<16xf32>
        %get3A_289 = arith.index_cast %scan3A_173 : i32 to index
        %get3A_290 = arith.constant 160 : index
        %get3A_291 = tpu.vector_load %arg9[%get3A_289, %get3A_290] {strides = array<i32>} : memref<16x512xf32, #tpu.memory_space<vmem>>, vector<1x16xf32>,
        %get3A_292 = vector.shape_cast %get3A_291 : vector<1x16xf32> to vector<16xf32>
        %sub3A_293 = arith.subf %get3A_288, %get3A_292 : vector<16xf32>
        %mul3A_294 = arith.mulf %sub3A_293, %sub3A_293 : vector<16xf32>
        %add3A_295 = arith.addf %add3A_273, %mul3A_294 : vector<16xf32>
        %get3A_296 = arith.index_cast %scan3A_173 : i32 to index
        %get3A_297 = arith.constant 176 : index
        %get3A_298 = tpu.vector_load %arg13[%get3A_296, %get3A_297] {strides = array<i32>} : memref<16x512xf32, #tpu.memory_space<vmem>>, vector<1x16xf32>,
        %get3A_299 = vector.shape_cast %get3A_298 : vector<1x16xf32> to vector<16xf32>
        %get3A_300 = arith.index_cast %scan3A_173 : i32 to index
        %get3A_301 = arith.constant 176 : index
        %get3A_302 = tpu.vector_load %arg9[%get3A_300, %get3A_301] {strides = array<i32>} : memref<16x512xf32, #tpu.memory_space<vmem>>, vector<1x16xf32>,
        %get3A_303 = vector.shape_cast %get3A_302 : vector<1x16xf32> to vector<16xf32>
        %sub3A_304 = arith.subf %get3A_299, %get3A_303 : vector<16xf32>
        %mul3A_305 = arith.mulf %sub3A_304, %sub3A_304 : vector<16xf32>
        %add3A_306 = arith.addf %add3A_284, %mul3A_305 : vector<16xf32>
        %get3A_307 = arith.index_cast %scan3A_173 : i32 to index
        %get3A_308 = arith.constant 192 : index
        %get3A_309 = tpu.vector_load %arg13[%get3A_307, %get3A_308] {strides = array<i32>} : memref<16x512xf32, #tpu.memory_space<vmem>>, vector<1x16xf32>,
        %get3A_310 = vector.shape_cast %get3A_309 : vector<1x16xf32> to vector<16xf32>
        %get3A_311 = arith.index_cast %scan3A_173 : i32 to index
        %get3A_312 = arith.constant 192 : index
        %get3A_313 = tpu.vector_load %arg9[%get3A_311, %get3A_312] {strides = array<i32>} : memref<16x512xf32, #tpu.memory_space<vmem>>, vector<1x16xf32>,
        %get3A_314 = vector.shape_cast %get3A_313 : vector<1x16xf32> to vector<16xf32>
        %sub3A_315 = arith.subf %get3A_310, %get3A_314 : vector<16xf32>
        %mul3A_316 = arith.mulf %sub3A_315, %sub3A_315 : vector<16xf32>
        %add3A_317 = arith.addf %add3A_295, %mul3A_316 : vector<16xf32>
        %get3A_318 = arith.index_cast %scan3A_173 : i32 to index
        %get3A_319 = arith.constant 208 : index
        %get3A_320 = tpu.vector_load %arg13[%get3A_318, %get3A_319] {strides = array<i32>} : memref<16x512xf32, #tpu.memory_space<vmem>>, vector<1x16xf32>,
        %get3A_321 = vector.shape_cast %get3A_320 : vector<1x16xf32> to vector<16xf32>
        %get3A_322 = arith.index_cast %scan3A_173 : i32 to index
        %get3A_323 = arith.constant 208 : index
        %get3A_324 = tpu.vector_load %arg9[%get3A_322, %get3A_323] {strides = array<i32>} : memref<16x512xf32, #tpu.memory_space<vmem>>, vector<1x16xf32>,
        %get3A_325 = vector.shape_cast %get3A_324 : vector<1x16xf32> to vector<16xf32>
        %sub3A_326 = arith.subf %get3A_321, %get3A_325 : vector<16xf32>
        %mul3A_327 = arith.mulf %sub3A_326, %sub3A_326 : vector<16xf32>
        %add3A_328 = arith.addf %add3A_306, %mul3A_327 : vector<16xf32>
        %get3A_329 = arith.index_cast %scan3A_173 : i32 to index
        %get3A_330 = arith.constant 224 : index
        %get3A_331 = tpu.vector_load %arg13[%get3A_329, %get3A_330] {strides = array<i32>} : memref<16x512xf32, #tpu.memory_space<vmem>>, vector<1x16xf32>,
        %get3A_332 = vector.shape_cast %get3A_331 : vector<1x16xf32> to vector<16xf32>
        %get3A_333 = arith.index_cast %scan3A_173 : i32 to index
        %get3A_334 = arith.constant 224 : index
        %get3A_335 = tpu.vector_load %arg9[%get3A_333, %get3A_334] {strides = array<i32>} : memref<16x512xf32, #tpu.memory_space<vmem>>, vector<1x16xf32>,
        %get3A_336 = vector.shape_cast %get3A_335 : vector<1x16xf32> to vector<16xf32>
        %sub3A_337 = arith.subf %get3A_332, %get3A_336 : vector<16xf32>
        %mul3A_338 = arith.mulf %sub3A_337, %sub3A_337 : vector<16xf32>
        %add3A_339 = arith.addf %add3A_317, %mul3A_338 : vector<16xf32>
        %get3A_340 = arith.index_cast %scan3A_173 : i32 to index
        %get3A_341 = arith.constant 240 : index
        %get3A_342 = tpu.vector_load %arg13[%get3A_340, %get3A_341] {strides = array<i32>} : memref<16x512xf32, #tpu.memory_space<vmem>>, vector<1x16xf32>,
        %get3A_343 = vector.shape_cast %get3A_342 : vector<1x16xf32> to vector<16xf32>
        %get3A_344 = arith.index_cast %scan3A_173 : i32 to index
        %get3A_345 = arith.constant 240 : index
        %get3A_346 = tpu.vector_load %arg9[%get3A_344, %get3A_345] {strides = array<i32>} : memref<16x512xf32, #tpu.memory_space<vmem>>, vector<1x16xf32>,
        %get3A_347 = vector.shape_cast %get3A_346 : vector<1x16xf32> to vector<16xf32>
        %sub3A_348 = arith.subf %get3A_343, %get3A_347 : vector<16xf32>
        %mul3A_349 = arith.mulf %sub3A_348, %sub3A_348 : vector<16xf32>
        %add3A_350 = arith.addf %add3A_328, %mul3A_349 : vector<16xf32>
        %get3A_351 = arith.index_cast %scan3A_173 : i32 to index
        %get3A_352 = arith.constant 256 : index
        %get3A_353 = tpu.vector_load %arg13[%get3A_351, %get3A_352] {strides = array<i32>} : memref<16x512xf32, #tpu.memory_space<vmem>>, vector<1x16xf32>,
        %get3A_354 = vector.shape_cast %get3A_353 : vector<1x16xf32> to vector<16xf32>
        %get3A_355 = arith.index_cast %scan3A_173 : i32 to index
        %get3A_356 = arith.constant 256 : index
        %get3A_357 = tpu.vector_load %arg9[%get3A_355, %get3A_356] {strides = array<i32>} : memref<16x512xf32, #tpu.memory_space<vmem>>, vector<1x16xf32>,
        %get3A_358 = vector.shape_cast %get3A_357 : vector<1x16xf32> to vector<16xf32>
        %sub3A_359 = arith.subf %get3A_354, %get3A_358 : vector<16xf32>
        %mul3A_360 = arith.mulf %sub3A_359, %sub3A_359 : vector<16xf32>
        %add3A_361 = arith.addf %add3A_339, %mul3A_360 : vector<16xf32>
        %get3A_362 = arith.index_cast %scan3A_173 : i32 to index
        %get3A_363 = arith.constant 272 : index
        %get3A_364 = tpu.vector_load %arg13[%get3A_362, %get3A_363] {strides = array<i32>} : memref<16x512xf32, #tpu.memory_space<vmem>>, vector<1x16xf32>,
        %get3A_365 = vector.shape_cast %get3A_364 : vector<1x16xf32> to vector<16xf32>
        %get3A_366 = arith.index_cast %scan3A_173 : i32 to index
        %get3A_367 = arith.constant 272 : index
        %get3A_368 = tpu.vector_load %arg9[%get3A_366, %get3A_367] {strides = array<i32>} : memref<16x512xf32, #tpu.memory_space<vmem>>, vector<1x16xf32>,
        %get3A_369 = vector.shape_cast %get3A_368 : vector<1x16xf32> to vector<16xf32>
        %sub3A_370 = arith.subf %get3A_365, %get3A_369 : vector<16xf32>
        %mul3A_371 = arith.mulf %sub3A_370, %sub3A_370 : vector<16xf32>
        %add3A_372 = arith.addf %add3A_350, %mul3A_371 : vector<16xf32>
        %get3A_373 = arith.index_cast %scan3A_173 : i32 to index
        %get3A_374 = arith.constant 288 : index
        %get3A_375 = tpu.vector_load %arg13[%get3A_373, %get3A_374] {strides = array<i32>} : memref<16x512xf32, #tpu.memory_space<vmem>>, vector<1x16xf32>,
        %get3A_376 = vector.shape_cast %get3A_375 : vector<1x16xf32> to vector<16xf32>
        %get3A_377 = arith.index_cast %scan3A_173 : i32 to index
        %get3A_378 = arith.constant 288 : index
        %get3A_379 = tpu.vector_load %arg9[%get3A_377, %get3A_378] {strides = array<i32>} : memref<16x512xf32, #tpu.memory_space<vmem>>, vector<1x16xf32>,
        %get3A_380 = vector.shape_cast %get3A_379 : vector<1x16xf32> to vector<16xf32>
        %sub3A_381 = arith.subf %get3A_376, %get3A_380 : vector<16xf32>
        %mul3A_382 = arith.mulf %sub3A_381, %sub3A_381 : vector<16xf32>
        %add3A_383 = arith.addf %add3A_361, %mul3A_382 : vector<16xf32>
        %get3A_384 = arith.index_cast %scan3A_173 : i32 to index
        %get3A_385 = arith.constant 304 : index
        %get3A_386 = tpu.vector_load %arg13[%get3A_384, %get3A_385] {strides = array<i32>} : memref<16x512xf32, #tpu.memory_space<vmem>>, vector<1x16xf32>,
        %get3A_387 = vector.shape_cast %get3A_386 : vector<1x16xf32> to vector<16xf32>
        %get3A_388 = arith.index_cast %scan3A_173 : i32 to index
        %get3A_389 = arith.constant 304 : index
        %get3A_390 = tpu.vector_load %arg9[%get3A_388, %get3A_389] {strides = array<i32>} : memref<16x512xf32, #tpu.memory_space<vmem>>, vector<1x16xf32>,
        %get3A_391 = vector.shape_cast %get3A_390 : vector<1x16xf32> to vector<16xf32>
        %sub3A_392 = arith.subf %get3A_387, %get3A_391 : vector<16xf32>
        %mul3A_393 = arith.mulf %sub3A_392, %sub3A_392 : vector<16xf32>
        %add3A_394 = arith.addf %add3A_372, %mul3A_393 : vector<16xf32>
        %get3A_395 = arith.index_cast %scan3A_173 : i32 to index
        %get3A_396 = arith.constant 320 : index
        %get3A_397 = tpu.vector_load %arg13[%get3A_395, %get3A_396] {strides = array<i32>} : memref<16x512xf32, #tpu.memory_space<vmem>>, vector<1x16xf32>,
        %get3A_398 = vector.shape_cast %get3A_397 : vector<1x16xf32> to vector<16xf32>
        %get3A_399 = arith.index_cast %scan3A_173 : i32 to index
        %get3A_400 = arith.constant 320 : index
        %get3A_401 = tpu.vector_load %arg9[%get3A_399, %get3A_400] {strides = array<i32>} : memref<16x512xf32, #tpu.memory_space<vmem>>, vector<1x16xf32>,
        %get3A_402 = vector.shape_cast %get3A_401 : vector<1x16xf32> to vector<16xf32>
        %sub3A_403 = arith.subf %get3A_398, %get3A_402 : vector<16xf32>
        %mul3A_404 = arith.mulf %sub3A_403, %sub3A_403 : vector<16xf32>
        %add3A_405 = arith.addf %add3A_383, %mul3A_404 : vector<16xf32>
        %get3A_406 = arith.index_cast %scan3A_173 : i32 to index
        %get3A_407 = arith.constant 336 : index
        %get3A_408 = tpu.vector_load %arg13[%get3A_406, %get3A_407] {strides = array<i32>} : memref<16x512xf32, #tpu.memory_space<vmem>>, vector<1x16xf32>,
        %get3A_409 = vector.shape_cast %get3A_408 : vector<1x16xf32> to vector<16xf32>
        %get3A_410 = arith.index_cast %scan3A_173 : i32 to index
        %get3A_411 = arith.constant 336 : index
        %get3A_412 = tpu.vector_load %arg9[%get3A_410, %get3A_411] {strides = array<i32>} : memref<16x512xf32, #tpu.memory_space<vmem>>, vector<1x16xf32>,
        %get3A_413 = vector.shape_cast %get3A_412 : vector<1x16xf32> to vector<16xf32>
        %sub3A_414 = arith.subf %get3A_409, %get3A_413 : vector<16xf32>
        %mul3A_415 = arith.mulf %sub3A_414, %sub3A_414 : vector<16xf32>
        %add3A_416 = arith.addf %add3A_394, %mul3A_415 : vector<16xf32>
        %get3A_417 = arith.index_cast %scan3A_173 : i32 to index
        %get3A_418 = arith.constant 352 : index
        %get3A_419 = tpu.vector_load %arg13[%get3A_417, %get3A_418] {strides = array<i32>} : memref<16x512xf32, #tpu.memory_space<vmem>>, vector<1x16xf32>,
        %get3A_420 = vector.shape_cast %get3A_419 : vector<1x16xf32> to vector<16xf32>
        %get3A_421 = arith.index_cast %scan3A_173 : i32 to index
        %get3A_422 = arith.constant 352 : index
        %get3A_423 = tpu.vector_load %arg9[%get3A_421, %get3A_422] {strides = array<i32>} : memref<16x512xf32, #tpu.memory_space<vmem>>, vector<1x16xf32>,
        %get3A_424 = vector.shape_cast %get3A_423 : vector<1x16xf32> to vector<16xf32>
        %sub3A_425 = arith.subf %get3A_420, %get3A_424 : vector<16xf32>
        %mul3A_426 = arith.mulf %sub3A_425, %sub3A_425 : vector<16xf32>
        %add3A_427 = arith.addf %add3A_405, %mul3A_426 : vector<16xf32>
        %get3A_428 = arith.index_cast %scan3A_173 : i32 to index
        %get3A_429 = arith.constant 368 : index
        %get3A_430 = tpu.vector_load %arg13[%get3A_428, %get3A_429] {strides = array<i32>} : memref<16x512xf32, #tpu.memory_space<vmem>>, vector<1x16xf32>,
        %get3A_431 = vector.shape_cast %get3A_430 : vector<1x16xf32> to vector<16xf32>
        %get3A_432 = arith.index_cast %scan3A_173 : i32 to index
        %get3A_433 = arith.constant 368 : index
        %get3A_434 = tpu.vector_load %arg9[%get3A_432, %get3A_433] {strides = array<i32>} : memref<16x512xf32, #tpu.memory_space<vmem>>, vector<1x16xf32>,
        %get3A_435 = vector.shape_cast %get3A_434 : vector<1x16xf32> to vector<16xf32>
        %sub3A_436 = arith.subf %get3A_431, %get3A_435 : vector<16xf32>
        %mul3A_437 = arith.mulf %sub3A_436, %sub3A_436 : vector<16xf32>
        %add3A_438 = arith.addf %add3A_416, %mul3A_437 : vector<16xf32>
        %get3A_439 = arith.index_cast %scan3A_173 : i32 to index
        %get3A_440 = arith.constant 384 : index
        %get3A_441 = tpu.vector_load %arg13[%get3A_439, %get3A_440] {strides = array<i32>} : memref<16x512xf32, #tpu.memory_space<vmem>>, vector<1x16xf32>,
        %get3A_442 = vector.shape_cast %get3A_441 : vector<1x16xf32> to vector<16xf32>
        %get3A_443 = arith.index_cast %scan3A_173 : i32 to index
        %get3A_444 = arith.constant 384 : index
        %get3A_445 = tpu.vector_load %arg9[%get3A_443, %get3A_444] {strides = array<i32>} : memref<16x512xf32, #tpu.memory_space<vmem>>, vector<1x16xf32>,
        %get3A_446 = vector.shape_cast %get3A_445 : vector<1x16xf32> to vector<16xf32>
        %sub3A_447 = arith.subf %get3A_442, %get3A_446 : vector<16xf32>
        %mul3A_448 = arith.mulf %sub3A_447, %sub3A_447 : vector<16xf32>
        %add3A_449 = arith.addf %add3A_427, %mul3A_448 : vector<16xf32>
        %get3A_450 = arith.index_cast %scan3A_173 : i32 to index
        %get3A_451 = arith.constant 400 : index
        %get3A_452 = tpu.vector_load %arg13[%get3A_450, %get3A_451] {strides = array<i32>} : memref<16x512xf32, #tpu.memory_space<vmem>>, vector<1x16xf32>,
        %get3A_453 = vector.shape_cast %get3A_452 : vector<1x16xf32> to vector<16xf32>
        %get3A_454 = arith.index_cast %scan3A_173 : i32 to index
        %get3A_455 = arith.constant 400 : index
        %get3A_456 = tpu.vector_load %arg9[%get3A_454, %get3A_455] {strides = array<i32>} : memref<16x512xf32, #tpu.memory_space<vmem>>, vector<1x16xf32>,
        %get3A_457 = vector.shape_cast %get3A_456 : vector<1x16xf32> to vector<16xf32>
        %sub3A_458 = arith.subf %get3A_453, %get3A_457 : vector<16xf32>
        %mul3A_459 = arith.mulf %sub3A_458, %sub3A_458 : vector<16xf32>
        %add3A_460 = arith.addf %add3A_438, %mul3A_459 : vector<16xf32>
        %get3A_461 = arith.index_cast %scan3A_173 : i32 to index
        %get3A_462 = arith.constant 416 : index
        %get3A_463 = tpu.vector_load %arg13[%get3A_461, %get3A_462] {strides = array<i32>} : memref<16x512xf32, #tpu.memory_space<vmem>>, vector<1x16xf32>,
        %get3A_464 = vector.shape_cast %get3A_463 : vector<1x16xf32> to vector<16xf32>
        %get3A_465 = arith.index_cast %scan3A_173 : i32 to index
        %get3A_466 = arith.constant 416 : index
        %get3A_467 = tpu.vector_load %arg9[%get3A_465, %get3A_466] {strides = array<i32>} : memref<16x512xf32, #tpu.memory_space<vmem>>, vector<1x16xf32>,
        %get3A_468 = vector.shape_cast %get3A_467 : vector<1x16xf32> to vector<16xf32>
        %sub3A_469 = arith.subf %get3A_464, %get3A_468 : vector<16xf32>
        %mul3A_470 = arith.mulf %sub3A_469, %sub3A_469 : vector<16xf32>
        %add3A_471 = arith.addf %add3A_449, %mul3A_470 : vector<16xf32>
        %get3A_472 = arith.index_cast %scan3A_173 : i32 to index
        %get3A_473 = arith.constant 432 : index
        %get3A_474 = tpu.vector_load %arg13[%get3A_472, %get3A_473] {strides = array<i32>} : memref<16x512xf32, #tpu.memory_space<vmem>>, vector<1x16xf32>,
        %get3A_475 = vector.shape_cast %get3A_474 : vector<1x16xf32> to vector<16xf32>
        %get3A_476 = arith.index_cast %scan3A_173 : i32 to index
        %get3A_477 = arith.constant 432 : index
        %get3A_478 = tpu.vector_load %arg9[%get3A_476, %get3A_477] {strides = array<i32>} : memref<16x512xf32, #tpu.memory_space<vmem>>, vector<1x16xf32>,
        %get3A_479 = vector.shape_cast %get3A_478 : vector<1x16xf32> to vector<16xf32>
        %sub3A_480 = arith.subf %get3A_475, %get3A_479 : vector<16xf32>
        %mul3A_481 = arith.mulf %sub3A_480, %sub3A_480 : vector<16xf32>
        %add3A_482 = arith.addf %add3A_460, %mul3A_481 : vector<16xf32>
        %get3A_483 = arith.index_cast %scan3A_173 : i32 to index
        %get3A_484 = arith.constant 448 : index
        %get3A_485 = tpu.vector_load %arg13[%get3A_483, %get3A_484] {strides = array<i32>} : memref<16x512xf32, #tpu.memory_space<vmem>>, vector<1x16xf32>,
        %get3A_486 = vector.shape_cast %get3A_485 : vector<1x16xf32> to vector<16xf32>
        %get3A_487 = arith.index_cast %scan3A_173 : i32 to index
        %get3A_488 = arith.constant 448 : index
        %get3A_489 = tpu.vector_load %arg9[%get3A_487, %get3A_488] {strides = array<i32>} : memref<16x512xf32, #tpu.memory_space<vmem>>, vector<1x16xf32>,
        %get3A_490 = vector.shape_cast %get3A_489 : vector<1x16xf32> to vector<16xf32>
        %sub3A_491 = arith.subf %get3A_486, %get3A_490 : vector<16xf32>
        %mul3A_492 = arith.mulf %sub3A_491, %sub3A_491 : vector<16xf32>
        %add3A_493 = arith.addf %add3A_471, %mul3A_492 : vector<16xf32>
        %get3A_494 = arith.index_cast %scan3A_173 : i32 to index
        %get3A_495 = arith.constant 464 : index
        %get3A_496 = tpu.vector_load %arg13[%get3A_494, %get3A_495] {strides = array<i32>} : memref<16x512xf32, #tpu.memory_space<vmem>>, vector<1x16xf32>,
        %get3A_497 = vector.shape_cast %get3A_496 : vector<1x16xf32> to vector<16xf32>
        %get3A_498 = arith.index_cast %scan3A_173 : i32 to index
        %get3A_499 = arith.constant 464 : index
        %get3A_500 = tpu.vector_load %arg9[%get3A_498, %get3A_499] {strides = array<i32>} : memref<16x512xf32, #tpu.memory_space<vmem>>, vector<1x16xf32>,
        %get3A_501 = vector.shape_cast %get3A_500 : vector<1x16xf32> to vector<16xf32>
        %sub3A_502 = arith.subf %get3A_497, %get3A_501 : vector<16xf32>
        %mul3A_503 = arith.mulf %sub3A_502, %sub3A_502 : vector<16xf32>
        %add3A_504 = arith.addf %add3A_482, %mul3A_503 : vector<16xf32>
        %get3A_505 = arith.index_cast %scan3A_173 : i32 to index
        %get3A_506 = arith.constant 480 : index
        %get3A_507 = tpu.vector_load %arg13[%get3A_505, %get3A_506] {strides = array<i32>} : memref<16x512xf32, #tpu.memory_space<vmem>>, vector<1x16xf32>,
        %get3A_508 = vector.shape_cast %get3A_507 : vector<1x16xf32> to vector<16xf32>
        %get3A_509 = arith.index_cast %scan3A_173 : i32 to index
        %get3A_510 = arith.constant 480 : index
        %get3A_511 = tpu.vector_load %arg9[%get3A_509, %get3A_510] {strides = array<i32>} : memref<16x512xf32, #tpu.memory_space<vmem>>, vector<1x16xf32>,
        %get3A_512 = vector.shape_cast %get3A_511 : vector<1x16xf32> to vector<16xf32>
        %sub3A_513 = arith.subf %get3A_508, %get3A_512 : vector<16xf32>
        %mul3A_514 = arith.mulf %sub3A_513, %sub3A_513 : vector<16xf32>
        %add3A_515 = arith.addf %add3A_493, %mul3A_514 : vector<16xf32>
        %get3A_516 = arith.index_cast %scan3A_173 : i32 to index
        %get3A_517 = arith.constant 496 : index
        %get3A_518 = tpu.vector_load %arg13[%get3A_516, %get3A_517] {strides = array<i32>} : memref<16x512xf32, #tpu.memory_space<vmem>>, vector<1x16xf32>,
        %get3A_519 = vector.shape_cast %get3A_518 : vector<1x16xf32> to vector<16xf32>
        %get3A_520 = arith.index_cast %scan3A_173 : i32 to index
        %get3A_521 = arith.constant 496 : index
        %get3A_522 = tpu.vector_load %arg9[%get3A_520, %get3A_521] {strides = array<i32>} : memref<16x512xf32, #tpu.memory_space<vmem>>, vector<1x16xf32>,
        %get3A_523 = vector.shape_cast %get3A_522 : vector<1x16xf32> to vector<16xf32>
        %sub3A_524 = arith.subf %get3A_519, %get3A_523 : vector<16xf32>
        %mul3A_525 = arith.mulf %sub3A_524, %sub3A_524 : vector<16xf32>
        %add3A_526 = arith.addf %add3A_504, %mul3A_525 : vector<16xf32>
        scf.yield %add3A_515, %add3A_526 : vector<16xf32>, vector<16xf32>
      }
      %scan3A_108 = arith.constant 16 : i32
      %mul3A_109 = arith.constant 4 : i32
      %mul3A_110 = arith.muli %scan3A_47, %mul3A_109 : i32
      %add3A_111 = arith.constant 2 : i32
      %add3A_112 = arith.addi %mul3A_110, %add3A_111 : i32
      %add3A_113 = arith.constant 4 : i32
      %add3A_114 = arith.addi %add3A_112, %add3A_113 : i32
      %sub3A_115 = arith.constant 1 : i32
      %sub3A_116 = arith.subi %add3A_114, %sub3A_115 : i32
      %lt3A_117 = arith.constant 32 : i32
      %lt3A_118 = arith.cmpi slt, %sub3A_116, %lt3A_117 : i32
      %convert_element_type3A_119 = arith.extui %lt3A_118 : i1 to i32
      %cond3A_120 = arith.constant 0 : i32
      %cond3A_121 = arith.cmpi ne, %convert_element_type3A_119, %cond3A_120 : i32
      scf.if %cond3A_121 {
        %mul3A_173 = arith.constant 16 : i32
        %mul3A_174 = arith.muli %sub3A_116, %mul3A_173 : i32
        %dma_start3A_175 = tpu.memref_slice %arg6[%mul3A_174] : memref<512xi32, #tpu.memory_space<vmem>> -> memref<16xi32, #tpu.memory_space<vmem>>
        %dma_start3A_176 = arith.constant 0 : i32
        %dma_start3A_177 = arith.constant 0 : i32
        %dma_start3A_178 = tpu.memref_slice %arg4[%dma_start3A_176, %dma_start3A_177] : memref<100000x512xf32, #tpu.memory_space<hbm>> -> memref<100000x512xf32, #tpu.memory_space<hbm>>
        tpu.enqueue_indirect_dma source(%dma_start3A_178 : memref<100000x512xf32, #tpu.memory_space<hbm>>) target(%arg9 : memref<16x512xf32, #tpu.memory_space<vmem>>) offsets(%dma_start3A_175 : memref<16xi32, #tpu.memory_space<vmem>>) semaphore(%arg17 : memref<!tpu.dma_semaphore, #tpu.memory_space<semaphore_mem>>)
        %mul3A_179 = arith.constant 16 : i32
        %mul3A_180 = arith.muli %sub3A_116, %mul3A_179 : i32
        %add3A_181 = arith.addi %mul3A_2, %mul3A_180 : i32
        %dma_start3A_182 = arith.constant 0 : i32
        %dma_start3A_183 = tpu.memref_slice %arg2[%add3A_181, %dma_start3A_182] : memref<16384x512xf32, #tpu.memory_space<hbm>> -> memref<16x512xf32, #tpu.memory_space<hbm>>
        %dma_start3A_184 = arith.constant 0 : i32
        %dma_start3A_185 = tpu.memref_slice %arg2[%add3A_181, %dma_start3A_184] : memref<16384x512xf32, #tpu.memory_space<hbm>> -> memref<16x512xf32, #tpu.memory_space<hbm>>
        tpu.enqueue_dma source(%dma_start3A_185 : memref<16x512xf32, #tpu.memory_space<hbm>>) target(%arg13 : memref<16x512xf32, #tpu.memory_space<vmem>>) target_semaphore(%arg21 : memref<!tpu.dma_semaphore, #tpu.memory_space<semaphore_mem>>)
      } else {
      }
      %mul3A_122 = arith.constant 16 : i32
      %mul3A_123 = arith.muli %add3A_112, %mul3A_122 : i32
      %dma_wait3A_124 = tpu.memref_slice %arg6[%mul3A_123] : memref<512xi32, #tpu.memory_space<vmem>> -> memref<16xi32, #tpu.memory_space<vmem>>
      %dma_wait3A_125 = arith.constant 0 : i32
      %dma_wait3A_126 = arith.constant 0 : i32
      %dma_wait3A_127 = tpu.memref_slice %arg4[%dma_wait3A_125, %dma_wait3A_126] : memref<100000x512xf32, #tpu.memory_space<hbm>> -> memref<100000x512xf32, #tpu.memory_space<hbm>>
      tpu.wait_indirect_dma semaphore(%arg18 : memref<!tpu.dma_semaphore, #tpu.memory_space<semaphore_mem>>) src(%dma_wait3A_127 : memref<100000x512xf32, #tpu.memory_space<hbm>>) dst(%arg10 : memref<16x512xf32, #tpu.memory_space<vmem>>)
      %mul3A_128 = arith.constant 16 : i32
      %mul3A_129 = arith.muli %add3A_112, %mul3A_128 : i32
      %add3A_130 = arith.addi %mul3A_2, %mul3A_129 : i32
      %dma_wait3A_131 = arith.constant 0 : i32
      %dma_wait3A_132 = tpu.memref_slice %arg2[%add3A_130, %dma_wait3A_131] : memref<16384x512xf32, #tpu.memory_space<hbm>> -> memref<16x512xf32, #tpu.memory_space<hbm>>
      %dma_wait3A_133 = arith.constant 0 : i32
      %dma_wait3A_134 = tpu.memref_slice %arg2[%add3A_130, %dma_wait3A_133] : memref<16384x512xf32, #tpu.memory_space<hbm>> -> memref<16x512xf32, #tpu.memory_space<hbm>>
      tpu.wait_dma2 semaphore(%arg22 : memref<!tpu.dma_semaphore, #tpu.memory_space<semaphore_mem>>) src(%dma_wait3A_134 : memref<16x512xf32, #tpu.memory_space<hbm>>) dst(%arg14 : memref<16x512xf32, #tpu.memory_space<vmem>>)
      %scan3A_135 = arith.constant 0 : i32
      %scan3A_136 = arith.constant 16 : i32
      %scan3A_137 = arith.addi %scan3A_135, %scan3A_136 : i32
      %scan3A_138 = arith.constant 1 : i32
      %scan3A_139:2 = scf.for %scan3A_173 = %scan3A_135 to %scan3A_137 step %scan3A_138 iter_args(%scan3A_174 = %scan3A_107#0, %scan3A_175 = %scan3A_107#1) -> (vector<16xf32>, vector<16xf32>)  : i32 {
        %get3A = arith.index_cast %scan3A_173 : i32 to index
        %get3A_176 = arith.constant 0 : index
        %get3A_177 = tpu.vector_load %arg14[%get3A, %get3A_176] {strides = array<i32>} : memref<16x512xf32, #tpu.memory_space<vmem>>, vector<1x16xf32>,
        %get3A_178 = vector.shape_cast %get3A_177 : vector<1x16xf32> to vector<16xf32>
        %get3A_179 = arith.index_cast %scan3A_173 : i32 to index
        %get3A_180 = arith.constant 0 : index
        %get3A_181 = tpu.vector_load %arg10[%get3A_179, %get3A_180] {strides = array<i32>} : memref<16x512xf32, #tpu.memory_space<vmem>>, vector<1x16xf32>,
        %get3A_182 = vector.shape_cast %get3A_181 : vector<1x16xf32> to vector<16xf32>
        %sub3A_183 = arith.subf %get3A_178, %get3A_182 : vector<16xf32>
        %mul3A_184 = arith.mulf %sub3A_183, %sub3A_183 : vector<16xf32>
        %add3A_185 = arith.addf %scan3A_174, %mul3A_184 : vector<16xf32>
        %get3A_186 = arith.index_cast %scan3A_173 : i32 to index
        %get3A_187 = arith.constant 16 : index
        %get3A_188 = tpu.vector_load %arg14[%get3A_186, %get3A_187] {strides = array<i32>} : memref<16x512xf32, #tpu.memory_space<vmem>>, vector<1x16xf32>,
        %get3A_189 = vector.shape_cast %get3A_188 : vector<1x16xf32> to vector<16xf32>
        %get3A_190 = arith.index_cast %scan3A_173 : i32 to index
        %get3A_191 = arith.constant 16 : index
        %get3A_192 = tpu.vector_load %arg10[%get3A_190, %get3A_191] {strides = array<i32>} : memref<16x512xf32, #tpu.memory_space<vmem>>, vector<1x16xf32>,
        %get3A_193 = vector.shape_cast %get3A_192 : vector<1x16xf32> to vector<16xf32>
        %sub3A_194 = arith.subf %get3A_189, %get3A_193 : vector<16xf32>
        %mul3A_195 = arith.mulf %sub3A_194, %sub3A_194 : vector<16xf32>
        %add3A_196 = arith.addf %scan3A_175, %mul3A_195 : vector<16xf32>
        %get3A_197 = arith.index_cast %scan3A_173 : i32 to index
        %get3A_198 = arith.constant 32 : index
        %get3A_199 = tpu.vector_load %arg14[%get3A_197, %get3A_198] {strides = array<i32>} : memref<16x512xf32, #tpu.memory_space<vmem>>, vector<1x16xf32>,
        %get3A_200 = vector.shape_cast %get3A_199 : vector<1x16xf32> to vector<16xf32>
        %get3A_201 = arith.index_cast %scan3A_173 : i32 to index
        %get3A_202 = arith.constant 32 : index
        %get3A_203 = tpu.vector_load %arg10[%get3A_201, %get3A_202] {strides = array<i32>} : memref<16x512xf32, #tpu.memory_space<vmem>>, vector<1x16xf32>,
        %get3A_204 = vector.shape_cast %get3A_203 : vector<1x16xf32> to vector<16xf32>
        %sub3A_205 = arith.subf %get3A_200, %get3A_204 : vector<16xf32>
        %mul3A_206 = arith.mulf %sub3A_205, %sub3A_205 : vector<16xf32>
        %add3A_207 = arith.addf %add3A_185, %mul3A_206 : vector<16xf32>
        %get3A_208 = arith.index_cast %scan3A_173 : i32 to index
        %get3A_209 = arith.constant 48 : index
        %get3A_210 = tpu.vector_load %arg14[%get3A_208, %get3A_209] {strides = array<i32>} : memref<16x512xf32, #tpu.memory_space<vmem>>, vector<1x16xf32>,
        %get3A_211 = vector.shape_cast %get3A_210 : vector<1x16xf32> to vector<16xf32>
        %get3A_212 = arith.index_cast %scan3A_173 : i32 to index
        %get3A_213 = arith.constant 48 : index
        %get3A_214 = tpu.vector_load %arg10[%get3A_212, %get3A_213] {strides = array<i32>} : memref<16x512xf32, #tpu.memory_space<vmem>>, vector<1x16xf32>,
        %get3A_215 = vector.shape_cast %get3A_214 : vector<1x16xf32> to vector<16xf32>
        %sub3A_216 = arith.subf %get3A_211, %get3A_215 : vector<16xf32>
        %mul3A_217 = arith.mulf %sub3A_216, %sub3A_216 : vector<16xf32>
        %add3A_218 = arith.addf %add3A_196, %mul3A_217 : vector<16xf32>
        %get3A_219 = arith.index_cast %scan3A_173 : i32 to index
        %get3A_220 = arith.constant 64 : index
        %get3A_221 = tpu.vector_load %arg14[%get3A_219, %get3A_220] {strides = array<i32>} : memref<16x512xf32, #tpu.memory_space<vmem>>, vector<1x16xf32>,
        %get3A_222 = vector.shape_cast %get3A_221 : vector<1x16xf32> to vector<16xf32>
        %get3A_223 = arith.index_cast %scan3A_173 : i32 to index
        %get3A_224 = arith.constant 64 : index
        %get3A_225 = tpu.vector_load %arg10[%get3A_223, %get3A_224] {strides = array<i32>} : memref<16x512xf32, #tpu.memory_space<vmem>>, vector<1x16xf32>,
        %get3A_226 = vector.shape_cast %get3A_225 : vector<1x16xf32> to vector<16xf32>
        %sub3A_227 = arith.subf %get3A_222, %get3A_226 : vector<16xf32>
        %mul3A_228 = arith.mulf %sub3A_227, %sub3A_227 : vector<16xf32>
        %add3A_229 = arith.addf %add3A_207, %mul3A_228 : vector<16xf32>
        %get3A_230 = arith.index_cast %scan3A_173 : i32 to index
        %get3A_231 = arith.constant 80 : index
        %get3A_232 = tpu.vector_load %arg14[%get3A_230, %get3A_231] {strides = array<i32>} : memref<16x512xf32, #tpu.memory_space<vmem>>, vector<1x16xf32>,
        %get3A_233 = vector.shape_cast %get3A_232 : vector<1x16xf32> to vector<16xf32>
        %get3A_234 = arith.index_cast %scan3A_173 : i32 to index
        %get3A_235 = arith.constant 80 : index
        %get3A_236 = tpu.vector_load %arg10[%get3A_234, %get3A_235] {strides = array<i32>} : memref<16x512xf32, #tpu.memory_space<vmem>>, vector<1x16xf32>,
        %get3A_237 = vector.shape_cast %get3A_236 : vector<1x16xf32> to vector<16xf32>
        %sub3A_238 = arith.subf %get3A_233, %get3A_237 : vector<16xf32>
        %mul3A_239 = arith.mulf %sub3A_238, %sub3A_238 : vector<16xf32>
        %add3A_240 = arith.addf %add3A_218, %mul3A_239 : vector<16xf32>
        %get3A_241 = arith.index_cast %scan3A_173 : i32 to index
        %get3A_242 = arith.constant 96 : index
        %get3A_243 = tpu.vector_load %arg14[%get3A_241, %get3A_242] {strides = array<i32>} : memref<16x512xf32, #tpu.memory_space<vmem>>, vector<1x16xf32>,
        %get3A_244 = vector.shape_cast %get3A_243 : vector<1x16xf32> to vector<16xf32>
        %get3A_245 = arith.index_cast %scan3A_173 : i32 to index
        %get3A_246 = arith.constant 96 : index
        %get3A_247 = tpu.vector_load %arg10[%get3A_245, %get3A_246] {strides = array<i32>} : memref<16x512xf32, #tpu.memory_space<vmem>>, vector<1x16xf32>,
        %get3A_248 = vector.shape_cast %get3A_247 : vector<1x16xf32> to vector<16xf32>
        %sub3A_249 = arith.subf %get3A_244, %get3A_248 : vector<16xf32>
        %mul3A_250 = arith.mulf %sub3A_249, %sub3A_249 : vector<16xf32>
        %add3A_251 = arith.addf %add3A_229, %mul3A_250 : vector<16xf32>
        %get3A_252 = arith.index_cast %scan3A_173 : i32 to index
        %get3A_253 = arith.constant 112 : index
        %get3A_254 = tpu.vector_load %arg14[%get3A_252, %get3A_253] {strides = array<i32>} : memref<16x512xf32, #tpu.memory_space<vmem>>, vector<1x16xf32>,
        %get3A_255 = vector.shape_cast %get3A_254 : vector<1x16xf32> to vector<16xf32>
        %get3A_256 = arith.index_cast %scan3A_173 : i32 to index
        %get3A_257 = arith.constant 112 : index
        %get3A_258 = tpu.vector_load %arg10[%get3A_256, %get3A_257] {strides = array<i32>} : memref<16x512xf32, #tpu.memory_space<vmem>>, vector<1x16xf32>,
        %get3A_259 = vector.shape_cast %get3A_258 : vector<1x16xf32> to vector<16xf32>
        %sub3A_260 = arith.subf %get3A_255, %get3A_259 : vector<16xf32>
        %mul3A_261 = arith.mulf %sub3A_260, %sub3A_260 : vector<16xf32>
        %add3A_262 = arith.addf %add3A_240, %mul3A_261 : vector<16xf32>
        %get3A_263 = arith.index_cast %scan3A_173 : i32 to index
        %get3A_264 = arith.constant 128 : index
        %get3A_265 = tpu.vector_load %arg14[%get3A_263, %get3A_264] {strides = array<i32>} : memref<16x512xf32, #tpu.memory_space<vmem>>, vector<1x16xf32>,
        %get3A_266 = vector.shape_cast %get3A_265 : vector<1x16xf32> to vector<16xf32>
        %get3A_267 = arith.index_cast %scan3A_173 : i32 to index
        %get3A_268 = arith.constant 128 : index
        %get3A_269 = tpu.vector_load %arg10[%get3A_267, %get3A_268] {strides = array<i32>} : memref<16x512xf32, #tpu.memory_space<vmem>>, vector<1x16xf32>,
        %get3A_270 = vector.shape_cast %get3A_269 : vector<1x16xf32> to vector<16xf32>
        %sub3A_271 = arith.subf %get3A_266, %get3A_270 : vector<16xf32>
        %mul3A_272 = arith.mulf %sub3A_271, %sub3A_271 : vector<16xf32>
        %add3A_273 = arith.addf %add3A_251, %mul3A_272 : vector<16xf32>
        %get3A_274 = arith.index_cast %scan3A_173 : i32 to index
        %get3A_275 = arith.constant 144 : index
        %get3A_276 = tpu.vector_load %arg14[%get3A_274, %get3A_275] {strides = array<i32>} : memref<16x512xf32, #tpu.memory_space<vmem>>, vector<1x16xf32>,
        %get3A_277 = vector.shape_cast %get3A_276 : vector<1x16xf32> to vector<16xf32>
        %get3A_278 = arith.index_cast %scan3A_173 : i32 to index
        %get3A_279 = arith.constant 144 : index
        %get3A_280 = tpu.vector_load %arg10[%get3A_278, %get3A_279] {strides = array<i32>} : memref<16x512xf32, #tpu.memory_space<vmem>>, vector<1x16xf32>,
        %get3A_281 = vector.shape_cast %get3A_280 : vector<1x16xf32> to vector<16xf32>
        %sub3A_282 = arith.subf %get3A_277, %get3A_281 : vector<16xf32>
        %mul3A_283 = arith.mulf %sub3A_282, %sub3A_282 : vector<16xf32>
        %add3A_284 = arith.addf %add3A_262, %mul3A_283 : vector<16xf32>
        %get3A_285 = arith.index_cast %scan3A_173 : i32 to index
        %get3A_286 = arith.constant 160 : index
        %get3A_287 = tpu.vector_load %arg14[%get3A_285, %get3A_286] {strides = array<i32>} : memref<16x512xf32, #tpu.memory_space<vmem>>, vector<1x16xf32>,
        %get3A_288 = vector.shape_cast %get3A_287 : vector<1x16xf32> to vector<16xf32>
        %get3A_289 = arith.index_cast %scan3A_173 : i32 to index
        %get3A_290 = arith.constant 160 : index
        %get3A_291 = tpu.vector_load %arg10[%get3A_289, %get3A_290] {strides = array<i32>} : memref<16x512xf32, #tpu.memory_space<vmem>>, vector<1x16xf32>,
        %get3A_292 = vector.shape_cast %get3A_291 : vector<1x16xf32> to vector<16xf32>
        %sub3A_293 = arith.subf %get3A_288, %get3A_292 : vector<16xf32>
        %mul3A_294 = arith.mulf %sub3A_293, %sub3A_293 : vector<16xf32>
        %add3A_295 = arith.addf %add3A_273, %mul3A_294 : vector<16xf32>
        %get3A_296 = arith.index_cast %scan3A_173 : i32 to index
        %get3A_297 = arith.constant 176 : index
        %get3A_298 = tpu.vector_load %arg14[%get3A_296, %get3A_297] {strides = array<i32>} : memref<16x512xf32, #tpu.memory_space<vmem>>, vector<1x16xf32>,
        %get3A_299 = vector.shape_cast %get3A_298 : vector<1x16xf32> to vector<16xf32>
        %get3A_300 = arith.index_cast %scan3A_173 : i32 to index
        %get3A_301 = arith.constant 176 : index
        %get3A_302 = tpu.vector_load %arg10[%get3A_300, %get3A_301] {strides = array<i32>} : memref<16x512xf32, #tpu.memory_space<vmem>>, vector<1x16xf32>,
        %get3A_303 = vector.shape_cast %get3A_302 : vector<1x16xf32> to vector<16xf32>
        %sub3A_304 = arith.subf %get3A_299, %get3A_303 : vector<16xf32>
        %mul3A_305 = arith.mulf %sub3A_304, %sub3A_304 : vector<16xf32>
        %add3A_306 = arith.addf %add3A_284, %mul3A_305 : vector<16xf32>
        %get3A_307 = arith.index_cast %scan3A_173 : i32 to index
        %get3A_308 = arith.constant 192 : index
        %get3A_309 = tpu.vector_load %arg14[%get3A_307, %get3A_308] {strides = array<i32>} : memref<16x512xf32, #tpu.memory_space<vmem>>, vector<1x16xf32>,
        %get3A_310 = vector.shape_cast %get3A_309 : vector<1x16xf32> to vector<16xf32>
        %get3A_311 = arith.index_cast %scan3A_173 : i32 to index
        %get3A_312 = arith.constant 192 : index
        %get3A_313 = tpu.vector_load %arg10[%get3A_311, %get3A_312] {strides = array<i32>} : memref<16x512xf32, #tpu.memory_space<vmem>>, vector<1x16xf32>,
        %get3A_314 = vector.shape_cast %get3A_313 : vector<1x16xf32> to vector<16xf32>
        %sub3A_315 = arith.subf %get3A_310, %get3A_314 : vector<16xf32>
        %mul3A_316 = arith.mulf %sub3A_315, %sub3A_315 : vector<16xf32>
        %add3A_317 = arith.addf %add3A_295, %mul3A_316 : vector<16xf32>
        %get3A_318 = arith.index_cast %scan3A_173 : i32 to index
        %get3A_319 = arith.constant 208 : index
        %get3A_320 = tpu.vector_load %arg14[%get3A_318, %get3A_319] {strides = array<i32>} : memref<16x512xf32, #tpu.memory_space<vmem>>, vector<1x16xf32>,
        %get3A_321 = vector.shape_cast %get3A_320 : vector<1x16xf32> to vector<16xf32>
        %get3A_322 = arith.index_cast %scan3A_173 : i32 to index
        %get3A_323 = arith.constant 208 : index
        %get3A_324 = tpu.vector_load %arg10[%get3A_322, %get3A_323] {strides = array<i32>} : memref<16x512xf32, #tpu.memory_space<vmem>>, vector<1x16xf32>,
        %get3A_325 = vector.shape_cast %get3A_324 : vector<1x16xf32> to vector<16xf32>
        %sub3A_326 = arith.subf %get3A_321, %get3A_325 : vector<16xf32>
        %mul3A_327 = arith.mulf %sub3A_326, %sub3A_326 : vector<16xf32>
        %add3A_328 = arith.addf %add3A_306, %mul3A_327 : vector<16xf32>
        %get3A_329 = arith.index_cast %scan3A_173 : i32 to index
        %get3A_330 = arith.constant 224 : index
        %get3A_331 = tpu.vector_load %arg14[%get3A_329, %get3A_330] {strides = array<i32>} : memref<16x512xf32, #tpu.memory_space<vmem>>, vector<1x16xf32>,
        %get3A_332 = vector.shape_cast %get3A_331 : vector<1x16xf32> to vector<16xf32>
        %get3A_333 = arith.index_cast %scan3A_173 : i32 to index
        %get3A_334 = arith.constant 224 : index
        %get3A_335 = tpu.vector_load %arg10[%get3A_333, %get3A_334] {strides = array<i32>} : memref<16x512xf32, #tpu.memory_space<vmem>>, vector<1x16xf32>,
        %get3A_336 = vector.shape_cast %get3A_335 : vector<1x16xf32> to vector<16xf32>
        %sub3A_337 = arith.subf %get3A_332, %get3A_336 : vector<16xf32>
        %mul3A_338 = arith.mulf %sub3A_337, %sub3A_337 : vector<16xf32>
        %add3A_339 = arith.addf %add3A_317, %mul3A_338 : vector<16xf32>
        %get3A_340 = arith.index_cast %scan3A_173 : i32 to index
        %get3A_341 = arith.constant 240 : index
        %get3A_342 = tpu.vector_load %arg14[%get3A_340, %get3A_341] {strides = array<i32>} : memref<16x512xf32, #tpu.memory_space<vmem>>, vector<1x16xf32>,
        %get3A_343 = vector.shape_cast %get3A_342 : vector<1x16xf32> to vector<16xf32>
        %get3A_344 = arith.index_cast %scan3A_173 : i32 to index
        %get3A_345 = arith.constant 240 : index
        %get3A_346 = tpu.vector_load %arg10[%get3A_344, %get3A_345] {strides = array<i32>} : memref<16x512xf32, #tpu.memory_space<vmem>>, vector<1x16xf32>,
        %get3A_347 = vector.shape_cast %get3A_346 : vector<1x16xf32> to vector<16xf32>
        %sub3A_348 = arith.subf %get3A_343, %get3A_347 : vector<16xf32>
        %mul3A_349 = arith.mulf %sub3A_348, %sub3A_348 : vector<16xf32>
        %add3A_350 = arith.addf %add3A_328, %mul3A_349 : vector<16xf32>
        %get3A_351 = arith.index_cast %scan3A_173 : i32 to index
        %get3A_352 = arith.constant 256 : index
        %get3A_353 = tpu.vector_load %arg14[%get3A_351, %get3A_352] {strides = array<i32>} : memref<16x512xf32, #tpu.memory_space<vmem>>, vector<1x16xf32>,
        %get3A_354 = vector.shape_cast %get3A_353 : vector<1x16xf32> to vector<16xf32>
        %get3A_355 = arith.index_cast %scan3A_173 : i32 to index
        %get3A_356 = arith.constant 256 : index
        %get3A_357 = tpu.vector_load %arg10[%get3A_355, %get3A_356] {strides = array<i32>} : memref<16x512xf32, #tpu.memory_space<vmem>>, vector<1x16xf32>,
        %get3A_358 = vector.shape_cast %get3A_357 : vector<1x16xf32> to vector<16xf32>
        %sub3A_359 = arith.subf %get3A_354, %get3A_358 : vector<16xf32>
        %mul3A_360 = arith.mulf %sub3A_359, %sub3A_359 : vector<16xf32>
        %add3A_361 = arith.addf %add3A_339, %mul3A_360 : vector<16xf32>
        %get3A_362 = arith.index_cast %scan3A_173 : i32 to index
        %get3A_363 = arith.constant 272 : index
        %get3A_364 = tpu.vector_load %arg14[%get3A_362, %get3A_363] {strides = array<i32>} : memref<16x512xf32, #tpu.memory_space<vmem>>, vector<1x16xf32>,
        %get3A_365 = vector.shape_cast %get3A_364 : vector<1x16xf32> to vector<16xf32>
        %get3A_366 = arith.index_cast %scan3A_173 : i32 to index
        %get3A_367 = arith.constant 272 : index
        %get3A_368 = tpu.vector_load %arg10[%get3A_366, %get3A_367] {strides = array<i32>} : memref<16x512xf32, #tpu.memory_space<vmem>>, vector<1x16xf32>,
        %get3A_369 = vector.shape_cast %get3A_368 : vector<1x16xf32> to vector<16xf32>
        %sub3A_370 = arith.subf %get3A_365, %get3A_369 : vector<16xf32>
        %mul3A_371 = arith.mulf %sub3A_370, %sub3A_370 : vector<16xf32>
        %add3A_372 = arith.addf %add3A_350, %mul3A_371 : vector<16xf32>
        %get3A_373 = arith.index_cast %scan3A_173 : i32 to index
        %get3A_374 = arith.constant 288 : index
        %get3A_375 = tpu.vector_load %arg14[%get3A_373, %get3A_374] {strides = array<i32>} : memref<16x512xf32, #tpu.memory_space<vmem>>, vector<1x16xf32>,
        %get3A_376 = vector.shape_cast %get3A_375 : vector<1x16xf32> to vector<16xf32>
        %get3A_377 = arith.index_cast %scan3A_173 : i32 to index
        %get3A_378 = arith.constant 288 : index
        %get3A_379 = tpu.vector_load %arg10[%get3A_377, %get3A_378] {strides = array<i32>} : memref<16x512xf32, #tpu.memory_space<vmem>>, vector<1x16xf32>,
        %get3A_380 = vector.shape_cast %get3A_379 : vector<1x16xf32> to vector<16xf32>
        %sub3A_381 = arith.subf %get3A_376, %get3A_380 : vector<16xf32>
        %mul3A_382 = arith.mulf %sub3A_381, %sub3A_381 : vector<16xf32>
        %add3A_383 = arith.addf %add3A_361, %mul3A_382 : vector<16xf32>
        %get3A_384 = arith.index_cast %scan3A_173 : i32 to index
        %get3A_385 = arith.constant 304 : index
        %get3A_386 = tpu.vector_load %arg14[%get3A_384, %get3A_385] {strides = array<i32>} : memref<16x512xf32, #tpu.memory_space<vmem>>, vector<1x16xf32>,
        %get3A_387 = vector.shape_cast %get3A_386 : vector<1x16xf32> to vector<16xf32>
        %get3A_388 = arith.index_cast %scan3A_173 : i32 to index
        %get3A_389 = arith.constant 304 : index
        %get3A_390 = tpu.vector_load %arg10[%get3A_388, %get3A_389] {strides = array<i32>} : memref<16x512xf32, #tpu.memory_space<vmem>>, vector<1x16xf32>,
        %get3A_391 = vector.shape_cast %get3A_390 : vector<1x16xf32> to vector<16xf32>
        %sub3A_392 = arith.subf %get3A_387, %get3A_391 : vector<16xf32>
        %mul3A_393 = arith.mulf %sub3A_392, %sub3A_392 : vector<16xf32>
        %add3A_394 = arith.addf %add3A_372, %mul3A_393 : vector<16xf32>
        %get3A_395 = arith.index_cast %scan3A_173 : i32 to index
        %get3A_396 = arith.constant 320 : index
        %get3A_397 = tpu.vector_load %arg14[%get3A_395, %get3A_396] {strides = array<i32>} : memref<16x512xf32, #tpu.memory_space<vmem>>, vector<1x16xf32>,
        %get3A_398 = vector.shape_cast %get3A_397 : vector<1x16xf32> to vector<16xf32>
        %get3A_399 = arith.index_cast %scan3A_173 : i32 to index
        %get3A_400 = arith.constant 320 : index
        %get3A_401 = tpu.vector_load %arg10[%get3A_399, %get3A_400] {strides = array<i32>} : memref<16x512xf32, #tpu.memory_space<vmem>>, vector<1x16xf32>,
        %get3A_402 = vector.shape_cast %get3A_401 : vector<1x16xf32> to vector<16xf32>
        %sub3A_403 = arith.subf %get3A_398, %get3A_402 : vector<16xf32>
        %mul3A_404 = arith.mulf %sub3A_403, %sub3A_403 : vector<16xf32>
        %add3A_405 = arith.addf %add3A_383, %mul3A_404 : vector<16xf32>
        %get3A_406 = arith.index_cast %scan3A_173 : i32 to index
        %get3A_407 = arith.constant 336 : index
        %get3A_408 = tpu.vector_load %arg14[%get3A_406, %get3A_407] {strides = array<i32>} : memref<16x512xf32, #tpu.memory_space<vmem>>, vector<1x16xf32>,
        %get3A_409 = vector.shape_cast %get3A_408 : vector<1x16xf32> to vector<16xf32>
        %get3A_410 = arith.index_cast %scan3A_173 : i32 to index
        %get3A_411 = arith.constant 336 : index
        %get3A_412 = tpu.vector_load %arg10[%get3A_410, %get3A_411] {strides = array<i32>} : memref<16x512xf32, #tpu.memory_space<vmem>>, vector<1x16xf32>,
        %get3A_413 = vector.shape_cast %get3A_412 : vector<1x16xf32> to vector<16xf32>
        %sub3A_414 = arith.subf %get3A_409, %get3A_413 : vector<16xf32>
        %mul3A_415 = arith.mulf %sub3A_414, %sub3A_414 : vector<16xf32>
        %add3A_416 = arith.addf %add3A_394, %mul3A_415 : vector<16xf32>
        %get3A_417 = arith.index_cast %scan3A_173 : i32 to index
        %get3A_418 = arith.constant 352 : index
        %get3A_419 = tpu.vector_load %arg14[%get3A_417, %get3A_418] {strides = array<i32>} : memref<16x512xf32, #tpu.memory_space<vmem>>, vector<1x16xf32>,
        %get3A_420 = vector.shape_cast %get3A_419 : vector<1x16xf32> to vector<16xf32>
        %get3A_421 = arith.index_cast %scan3A_173 : i32 to index
        %get3A_422 = arith.constant 352 : index
        %get3A_423 = tpu.vector_load %arg10[%get3A_421, %get3A_422] {strides = array<i32>} : memref<16x512xf32, #tpu.memory_space<vmem>>, vector<1x16xf32>,
        %get3A_424 = vector.shape_cast %get3A_423 : vector<1x16xf32> to vector<16xf32>
        %sub3A_425 = arith.subf %get3A_420, %get3A_424 : vector<16xf32>
        %mul3A_426 = arith.mulf %sub3A_425, %sub3A_425 : vector<16xf32>
        %add3A_427 = arith.addf %add3A_405, %mul3A_426 : vector<16xf32>
        %get3A_428 = arith.index_cast %scan3A_173 : i32 to index
        %get3A_429 = arith.constant 368 : index
        %get3A_430 = tpu.vector_load %arg14[%get3A_428, %get3A_429] {strides = array<i32>} : memref<16x512xf32, #tpu.memory_space<vmem>>, vector<1x16xf32>,
        %get3A_431 = vector.shape_cast %get3A_430 : vector<1x16xf32> to vector<16xf32>
        %get3A_432 = arith.index_cast %scan3A_173 : i32 to index
        %get3A_433 = arith.constant 368 : index
        %get3A_434 = tpu.vector_load %arg10[%get3A_432, %get3A_433] {strides = array<i32>} : memref<16x512xf32, #tpu.memory_space<vmem>>, vector<1x16xf32>,
        %get3A_435 = vector.shape_cast %get3A_434 : vector<1x16xf32> to vector<16xf32>
        %sub3A_436 = arith.subf %get3A_431, %get3A_435 : vector<16xf32>
        %mul3A_437 = arith.mulf %sub3A_436, %sub3A_436 : vector<16xf32>
        %add3A_438 = arith.addf %add3A_416, %mul3A_437 : vector<16xf32>
        %get3A_439 = arith.index_cast %scan3A_173 : i32 to index
        %get3A_440 = arith.constant 384 : index
        %get3A_441 = tpu.vector_load %arg14[%get3A_439, %get3A_440] {strides = array<i32>} : memref<16x512xf32, #tpu.memory_space<vmem>>, vector<1x16xf32>,
        %get3A_442 = vector.shape_cast %get3A_441 : vector<1x16xf32> to vector<16xf32>
        %get3A_443 = arith.index_cast %scan3A_173 : i32 to index
        %get3A_444 = arith.constant 384 : index
        %get3A_445 = tpu.vector_load %arg10[%get3A_443, %get3A_444] {strides = array<i32>} : memref<16x512xf32, #tpu.memory_space<vmem>>, vector<1x16xf32>,
        %get3A_446 = vector.shape_cast %get3A_445 : vector<1x16xf32> to vector<16xf32>
        %sub3A_447 = arith.subf %get3A_442, %get3A_446 : vector<16xf32>
        %mul3A_448 = arith.mulf %sub3A_447, %sub3A_447 : vector<16xf32>
        %add3A_449 = arith.addf %add3A_427, %mul3A_448 : vector<16xf32>
        %get3A_450 = arith.index_cast %scan3A_173 : i32 to index
        %get3A_451 = arith.constant 400 : index
        %get3A_452 = tpu.vector_load %arg14[%get3A_450, %get3A_451] {strides = array<i32>} : memref<16x512xf32, #tpu.memory_space<vmem>>, vector<1x16xf32>,
        %get3A_453 = vector.shape_cast %get3A_452 : vector<1x16xf32> to vector<16xf32>
        %get3A_454 = arith.index_cast %scan3A_173 : i32 to index
        %get3A_455 = arith.constant 400 : index
        %get3A_456 = tpu.vector_load %arg10[%get3A_454, %get3A_455] {strides = array<i32>} : memref<16x512xf32, #tpu.memory_space<vmem>>, vector<1x16xf32>,
        %get3A_457 = vector.shape_cast %get3A_456 : vector<1x16xf32> to vector<16xf32>
        %sub3A_458 = arith.subf %get3A_453, %get3A_457 : vector<16xf32>
        %mul3A_459 = arith.mulf %sub3A_458, %sub3A_458 : vector<16xf32>
        %add3A_460 = arith.addf %add3A_438, %mul3A_459 : vector<16xf32>
        %get3A_461 = arith.index_cast %scan3A_173 : i32 to index
        %get3A_462 = arith.constant 416 : index
        %get3A_463 = tpu.vector_load %arg14[%get3A_461, %get3A_462] {strides = array<i32>} : memref<16x512xf32, #tpu.memory_space<vmem>>, vector<1x16xf32>,
        %get3A_464 = vector.shape_cast %get3A_463 : vector<1x16xf32> to vector<16xf32>
        %get3A_465 = arith.index_cast %scan3A_173 : i32 to index
        %get3A_466 = arith.constant 416 : index
        %get3A_467 = tpu.vector_load %arg10[%get3A_465, %get3A_466] {strides = array<i32>} : memref<16x512xf32, #tpu.memory_space<vmem>>, vector<1x16xf32>,
        %get3A_468 = vector.shape_cast %get3A_467 : vector<1x16xf32> to vector<16xf32>
        %sub3A_469 = arith.subf %get3A_464, %get3A_468 : vector<16xf32>
        %mul3A_470 = arith.mulf %sub3A_469, %sub3A_469 : vector<16xf32>
        %add3A_471 = arith.addf %add3A_449, %mul3A_470 : vector<16xf32>
        %get3A_472 = arith.index_cast %scan3A_173 : i32 to index
        %get3A_473 = arith.constant 432 : index
        %get3A_474 = tpu.vector_load %arg14[%get3A_472, %get3A_473] {strides = array<i32>} : memref<16x512xf32, #tpu.memory_space<vmem>>, vector<1x16xf32>,
        %get3A_475 = vector.shape_cast %get3A_474 : vector<1x16xf32> to vector<16xf32>
        %get3A_476 = arith.index_cast %scan3A_173 : i32 to index
        %get3A_477 = arith.constant 432 : index
        %get3A_478 = tpu.vector_load %arg10[%get3A_476, %get3A_477] {strides = array<i32>} : memref<16x512xf32, #tpu.memory_space<vmem>>, vector<1x16xf32>,
        %get3A_479 = vector.shape_cast %get3A_478 : vector<1x16xf32> to vector<16xf32>
        %sub3A_480 = arith.subf %get3A_475, %get3A_479 : vector<16xf32>
        %mul3A_481 = arith.mulf %sub3A_480, %sub3A_480 : vector<16xf32>
        %add3A_482 = arith.addf %add3A_460, %mul3A_481 : vector<16xf32>
        %get3A_483 = arith.index_cast %scan3A_173 : i32 to index
        %get3A_484 = arith.constant 448 : index
        %get3A_485 = tpu.vector_load %arg14[%get3A_483, %get3A_484] {strides = array<i32>} : memref<16x512xf32, #tpu.memory_space<vmem>>, vector<1x16xf32>,
        %get3A_486 = vector.shape_cast %get3A_485 : vector<1x16xf32> to vector<16xf32>
        %get3A_487 = arith.index_cast %scan3A_173 : i32 to index
        %get3A_488 = arith.constant 448 : index
        %get3A_489 = tpu.vector_load %arg10[%get3A_487, %get3A_488] {strides = array<i32>} : memref<16x512xf32, #tpu.memory_space<vmem>>, vector<1x16xf32>,
        %get3A_490 = vector.shape_cast %get3A_489 : vector<1x16xf32> to vector<16xf32>
        %sub3A_491 = arith.subf %get3A_486, %get3A_490 : vector<16xf32>
        %mul3A_492 = arith.mulf %sub3A_491, %sub3A_491 : vector<16xf32>
        %add3A_493 = arith.addf %add3A_471, %mul3A_492 : vector<16xf32>
        %get3A_494 = arith.index_cast %scan3A_173 : i32 to index
        %get3A_495 = arith.constant 464 : index
        %get3A_496 = tpu.vector_load %arg14[%get3A_494, %get3A_495] {strides = array<i32>} : memref<16x512xf32, #tpu.memory_space<vmem>>, vector<1x16xf32>,
        %get3A_497 = vector.shape_cast %get3A_496 : vector<1x16xf32> to vector<16xf32>
        %get3A_498 = arith.index_cast %scan3A_173 : i32 to index
        %get3A_499 = arith.constant 464 : index
        %get3A_500 = tpu.vector_load %arg10[%get3A_498, %get3A_499] {strides = array<i32>} : memref<16x512xf32, #tpu.memory_space<vmem>>, vector<1x16xf32>,
        %get3A_501 = vector.shape_cast %get3A_500 : vector<1x16xf32> to vector<16xf32>
        %sub3A_502 = arith.subf %get3A_497, %get3A_501 : vector<16xf32>
        %mul3A_503 = arith.mulf %sub3A_502, %sub3A_502 : vector<16xf32>
        %add3A_504 = arith.addf %add3A_482, %mul3A_503 : vector<16xf32>
        %get3A_505 = arith.index_cast %scan3A_173 : i32 to index
        %get3A_506 = arith.constant 480 : index
        %get3A_507 = tpu.vector_load %arg14[%get3A_505, %get3A_506] {strides = array<i32>} : memref<16x512xf32, #tpu.memory_space<vmem>>, vector<1x16xf32>,
        %get3A_508 = vector.shape_cast %get3A_507 : vector<1x16xf32> to vector<16xf32>
        %get3A_509 = arith.index_cast %scan3A_173 : i32 to index
        %get3A_510 = arith.constant 480 : index
        %get3A_511 = tpu.vector_load %arg10[%get3A_509, %get3A_510] {strides = array<i32>} : memref<16x512xf32, #tpu.memory_space<vmem>>, vector<1x16xf32>,
        %get3A_512 = vector.shape_cast %get3A_511 : vector<1x16xf32> to vector<16xf32>
        %sub3A_513 = arith.subf %get3A_508, %get3A_512 : vector<16xf32>
        %mul3A_514 = arith.mulf %sub3A_513, %sub3A_513 : vector<16xf32>
        %add3A_515 = arith.addf %add3A_493, %mul3A_514 : vector<16xf32>
        %get3A_516 = arith.index_cast %scan3A_173 : i32 to index
        %get3A_517 = arith.constant 496 : index
        %get3A_518 = tpu.vector_load %arg14[%get3A_516, %get3A_517] {strides = array<i32>} : memref<16x512xf32, #tpu.memory_space<vmem>>, vector<1x16xf32>,
        %get3A_519 = vector.shape_cast %get3A_518 : vector<1x16xf32> to vector<16xf32>
        %get3A_520 = arith.index_cast %scan3A_173 : i32 to index
        %get3A_521 = arith.constant 496 : index
        %get3A_522 = tpu.vector_load %arg10[%get3A_520, %get3A_521] {strides = array<i32>} : memref<16x512xf32, #tpu.memory_space<vmem>>, vector<1x16xf32>,
        %get3A_523 = vector.shape_cast %get3A_522 : vector<1x16xf32> to vector<16xf32>
        %sub3A_524 = arith.subf %get3A_519, %get3A_523 : vector<16xf32>
        %mul3A_525 = arith.mulf %sub3A_524, %sub3A_524 : vector<16xf32>
        %add3A_526 = arith.addf %add3A_504, %mul3A_525 : vector<16xf32>
        scf.yield %add3A_515, %add3A_526 : vector<16xf32>, vector<16xf32>
      }
      %scan3A_140 = arith.constant 16 : i32
      %mul3A_141 = arith.constant 4 : i32
      %mul3A_142 = arith.muli %scan3A_47, %mul3A_141 : i32
      %add3A_143 = arith.constant 3 : i32
      %add3A_144 = arith.addi %mul3A_142, %add3A_143 : i32
      %add3A_145 = arith.constant 4 : i32
      %add3A_146 = arith.addi %add3A_144, %add3A_145 : i32
      %sub3A_147 = arith.constant 1 : i32
      %sub3A_148 = arith.subi %add3A_146, %sub3A_147 : i32
      %lt3A_149 = arith.constant 32 : i32
      %lt3A_150 = arith.cmpi slt, %sub3A_148, %lt3A_149 : i32
      %convert_element_type3A_151 = arith.extui %lt3A_150 : i1 to i32
      %cond3A_152 = arith.constant 0 : i32
      %cond3A_153 = arith.cmpi ne, %convert_element_type3A_151, %cond3A_152 : i32
      scf.if %cond3A_153 {
        %mul3A_173 = arith.constant 16 : i32
        %mul3A_174 = arith.muli %sub3A_148, %mul3A_173 : i32
        %dma_start3A_175 = tpu.memref_slice %arg6[%mul3A_174] : memref<512xi32, #tpu.memory_space<vmem>> -> memref<16xi32, #tpu.memory_space<vmem>>
        %dma_start3A_176 = arith.constant 0 : i32
        %dma_start3A_177 = arith.constant 0 : i32
        %dma_start3A_178 = tpu.memref_slice %arg4[%dma_start3A_176, %dma_start3A_177] : memref<100000x512xf32, #tpu.memory_space<hbm>> -> memref<100000x512xf32, #tpu.memory_space<hbm>>
        tpu.enqueue_indirect_dma source(%dma_start3A_178 : memref<100000x512xf32, #tpu.memory_space<hbm>>) target(%arg10 : memref<16x512xf32, #tpu.memory_space<vmem>>) offsets(%dma_start3A_175 : memref<16xi32, #tpu.memory_space<vmem>>) semaphore(%arg18 : memref<!tpu.dma_semaphore, #tpu.memory_space<semaphore_mem>>)
        %mul3A_179 = arith.constant 16 : i32
        %mul3A_180 = arith.muli %sub3A_148, %mul3A_179 : i32
        %add3A_181 = arith.addi %mul3A_2, %mul3A_180 : i32
        %dma_start3A_182 = arith.constant 0 : i32
        %dma_start3A_183 = tpu.memref_slice %arg2[%add3A_181, %dma_start3A_182] : memref<16384x512xf32, #tpu.memory_space<hbm>> -> memref<16x512xf32, #tpu.memory_space<hbm>>
        %dma_start3A_184 = arith.constant 0 : i32
        %dma_start3A_185 = tpu.memref_slice %arg2[%add3A_181, %dma_start3A_184] : memref<16384x512xf32, #tpu.memory_space<hbm>> -> memref<16x512xf32, #tpu.memory_space<hbm>>
        tpu.enqueue_dma source(%dma_start3A_185 : memref<16x512xf32, #tpu.memory_space<hbm>>) target(%arg14 : memref<16x512xf32, #tpu.memory_space<vmem>>) target_semaphore(%arg22 : memref<!tpu.dma_semaphore, #tpu.memory_space<semaphore_mem>>)
      } else {
      }
      %mul3A_154 = arith.constant 16 : i32
      %mul3A_155 = arith.muli %add3A_144, %mul3A_154 : i32
      %dma_wait3A_156 = tpu.memref_slice %arg6[%mul3A_155] : memref<512xi32, #tpu.memory_space<vmem>> -> memref<16xi32, #tpu.memory_space<vmem>>
      %dma_wait3A_157 = arith.constant 0 : i32
      %dma_wait3A_158 = arith.constant 0 : i32
      %dma_wait3A_159 = tpu.memref_slice %arg4[%dma_wait3A_157, %dma_wait3A_158] : memref<100000x512xf32, #tpu.memory_space<hbm>> -> memref<100000x512xf32, #tpu.memory_space<hbm>>
      tpu.wait_indirect_dma semaphore(%arg19 : memref<!tpu.dma_semaphore, #tpu.memory_space<semaphore_mem>>) src(%dma_wait3A_159 : memref<100000x512xf32, #tpu.memory_space<hbm>>) dst(%arg11 : memref<16x512xf32, #tpu.memory_space<vmem>>)
      %mul3A_160 = arith.constant 16 : i32
      %mul3A_161 = arith.muli %add3A_144, %mul3A_160 : i32
      %add3A_162 = arith.addi %mul3A_2, %mul3A_161 : i32
      %dma_wait3A_163 = arith.constant 0 : i32
      %dma_wait3A_164 = tpu.memref_slice %arg2[%add3A_162, %dma_wait3A_163] : memref<16384x512xf32, #tpu.memory_space<hbm>> -> memref<16x512xf32, #tpu.memory_space<hbm>>
      %dma_wait3A_165 = arith.constant 0 : i32
      %dma_wait3A_166 = tpu.memref_slice %arg2[%add3A_162, %dma_wait3A_165] : memref<16384x512xf32, #tpu.memory_space<hbm>> -> memref<16x512xf32, #tpu.memory_space<hbm>>
      tpu.wait_dma2 semaphore(%arg23 : memref<!tpu.dma_semaphore, #tpu.memory_space<semaphore_mem>>) src(%dma_wait3A_166 : memref<16x512xf32, #tpu.memory_space<hbm>>) dst(%arg15 : memref<16x512xf32, #tpu.memory_space<vmem>>)
      %scan3A_167 = arith.constant 0 : i32
      %scan3A_168 = arith.constant 16 : i32
      %scan3A_169 = arith.addi %scan3A_167, %scan3A_168 : i32
      %scan3A_170 = arith.constant 1 : i32
      %scan3A_171:2 = scf.for %scan3A_173 = %scan3A_167 to %scan3A_169 step %scan3A_170 iter_args(%scan3A_174 = %scan3A_139#0, %scan3A_175 = %scan3A_139#1) -> (vector<16xf32>, vector<16xf32>)  : i32 {
        %get3A = arith.index_cast %scan3A_173 : i32 to index
        %get3A_176 = arith.constant 0 : index
        %get3A_177 = tpu.vector_load %arg15[%get3A, %get3A_176] {strides = array<i32>} : memref<16x512xf32, #tpu.memory_space<vmem>>, vector<1x16xf32>,
        %get3A_178 = vector.shape_cast %get3A_177 : vector<1x16xf32> to vector<16xf32>
        %get3A_179 = arith.index_cast %scan3A_173 : i32 to index
        %get3A_180 = arith.constant 0 : index
        %get3A_181 = tpu.vector_load %arg11[%get3A_179, %get3A_180] {strides = array<i32>} : memref<16x512xf32, #tpu.memory_space<vmem>>, vector<1x16xf32>,
        %get3A_182 = vector.shape_cast %get3A_181 : vector<1x16xf32> to vector<16xf32>
        %sub3A_183 = arith.subf %get3A_178, %get3A_182 : vector<16xf32>
        %mul3A_184 = arith.mulf %sub3A_183, %sub3A_183 : vector<16xf32>
        %add3A_185 = arith.addf %scan3A_174, %mul3A_184 : vector<16xf32>
        %get3A_186 = arith.index_cast %scan3A_173 : i32 to index
        %get3A_187 = arith.constant 16 : index
        %get3A_188 = tpu.vector_load %arg15[%get3A_186, %get3A_187] {strides = array<i32>} : memref<16x512xf32, #tpu.memory_space<vmem>>, vector<1x16xf32>,
        %get3A_189 = vector.shape_cast %get3A_188 : vector<1x16xf32> to vector<16xf32>
        %get3A_190 = arith.index_cast %scan3A_173 : i32 to index
        %get3A_191 = arith.constant 16 : index
        %get3A_192 = tpu.vector_load %arg11[%get3A_190, %get3A_191] {strides = array<i32>} : memref<16x512xf32, #tpu.memory_space<vmem>>, vector<1x16xf32>,
        %get3A_193 = vector.shape_cast %get3A_192 : vector<1x16xf32> to vector<16xf32>
        %sub3A_194 = arith.subf %get3A_189, %get3A_193 : vector<16xf32>
        %mul3A_195 = arith.mulf %sub3A_194, %sub3A_194 : vector<16xf32>
        %add3A_196 = arith.addf %scan3A_175, %mul3A_195 : vector<16xf32>
        %get3A_197 = arith.index_cast %scan3A_173 : i32 to index
        %get3A_198 = arith.constant 32 : index
        %get3A_199 = tpu.vector_load %arg15[%get3A_197, %get3A_198] {strides = array<i32>} : memref<16x512xf32, #tpu.memory_space<vmem>>, vector<1x16xf32>,
        %get3A_200 = vector.shape_cast %get3A_199 : vector<1x16xf32> to vector<16xf32>
        %get3A_201 = arith.index_cast %scan3A_173 : i32 to index
        %get3A_202 = arith.constant 32 : index
        %get3A_203 = tpu.vector_load %arg11[%get3A_201, %get3A_202] {strides = array<i32>} : memref<16x512xf32, #tpu.memory_space<vmem>>, vector<1x16xf32>,
        %get3A_204 = vector.shape_cast %get3A_203 : vector<1x16xf32> to vector<16xf32>
        %sub3A_205 = arith.subf %get3A_200, %get3A_204 : vector<16xf32>
        %mul3A_206 = arith.mulf %sub3A_205, %sub3A_205 : vector<16xf32>
        %add3A_207 = arith.addf %add3A_185, %mul3A_206 : vector<16xf32>
        %get3A_208 = arith.index_cast %scan3A_173 : i32 to index
        %get3A_209 = arith.constant 48 : index
        %get3A_210 = tpu.vector_load %arg15[%get3A_208, %get3A_209] {strides = array<i32>} : memref<16x512xf32, #tpu.memory_space<vmem>>, vector<1x16xf32>,
        %get3A_211 = vector.shape_cast %get3A_210 : vector<1x16xf32> to vector<16xf32>
        %get3A_212 = arith.index_cast %scan3A_173 : i32 to index
        %get3A_213 = arith.constant 48 : index
        %get3A_214 = tpu.vector_load %arg11[%get3A_212, %get3A_213] {strides = array<i32>} : memref<16x512xf32, #tpu.memory_space<vmem>>, vector<1x16xf32>,
        %get3A_215 = vector.shape_cast %get3A_214 : vector<1x16xf32> to vector<16xf32>
        %sub3A_216 = arith.subf %get3A_211, %get3A_215 : vector<16xf32>
        %mul3A_217 = arith.mulf %sub3A_216, %sub3A_216 : vector<16xf32>
        %add3A_218 = arith.addf %add3A_196, %mul3A_217 : vector<16xf32>
        %get3A_219 = arith.index_cast %scan3A_173 : i32 to index
        %get3A_220 = arith.constant 64 : index
        %get3A_221 = tpu.vector_load %arg15[%get3A_219, %get3A_220] {strides = array<i32>} : memref<16x512xf32, #tpu.memory_space<vmem>>, vector<1x16xf32>,
        %get3A_222 = vector.shape_cast %get3A_221 : vector<1x16xf32> to vector<16xf32>
        %get3A_223 = arith.index_cast %scan3A_173 : i32 to index
        %get3A_224 = arith.constant 64 : index
        %get3A_225 = tpu.vector_load %arg11[%get3A_223, %get3A_224] {strides = array<i32>} : memref<16x512xf32, #tpu.memory_space<vmem>>, vector<1x16xf32>,
        %get3A_226 = vector.shape_cast %get3A_225 : vector<1x16xf32> to vector<16xf32>
        %sub3A_227 = arith.subf %get3A_222, %get3A_226 : vector<16xf32>
        %mul3A_228 = arith.mulf %sub3A_227, %sub3A_227 : vector<16xf32>
        %add3A_229 = arith.addf %add3A_207, %mul3A_228 : vector<16xf32>
        %get3A_230 = arith.index_cast %scan3A_173 : i32 to index
        %get3A_231 = arith.constant 80 : index
        %get3A_232 = tpu.vector_load %arg15[%get3A_230, %get3A_231] {strides = array<i32>} : memref<16x512xf32, #tpu.memory_space<vmem>>, vector<1x16xf32>,
        %get3A_233 = vector.shape_cast %get3A_232 : vector<1x16xf32> to vector<16xf32>
        %get3A_234 = arith.index_cast %scan3A_173 : i32 to index
        %get3A_235 = arith.constant 80 : index
        %get3A_236 = tpu.vector_load %arg11[%get3A_234, %get3A_235] {strides = array<i32>} : memref<16x512xf32, #tpu.memory_space<vmem>>, vector<1x16xf32>,
        %get3A_237 = vector.shape_cast %get3A_236 : vector<1x16xf32> to vector<16xf32>
        %sub3A_238 = arith.subf %get3A_233, %get3A_237 : vector<16xf32>
        %mul3A_239 = arith.mulf %sub3A_238, %sub3A_238 : vector<16xf32>
        %add3A_240 = arith.addf %add3A_218, %mul3A_239 : vector<16xf32>
        %get3A_241 = arith.index_cast %scan3A_173 : i32 to index
        %get3A_242 = arith.constant 96 : index
        %get3A_243 = tpu.vector_load %arg15[%get3A_241, %get3A_242] {strides = array<i32>} : memref<16x512xf32, #tpu.memory_space<vmem>>, vector<1x16xf32>,
        %get3A_244 = vector.shape_cast %get3A_243 : vector<1x16xf32> to vector<16xf32>
        %get3A_245 = arith.index_cast %scan3A_173 : i32 to index
        %get3A_246 = arith.constant 96 : index
        %get3A_247 = tpu.vector_load %arg11[%get3A_245, %get3A_246] {strides = array<i32>} : memref<16x512xf32, #tpu.memory_space<vmem>>, vector<1x16xf32>,
        %get3A_248 = vector.shape_cast %get3A_247 : vector<1x16xf32> to vector<16xf32>
        %sub3A_249 = arith.subf %get3A_244, %get3A_248 : vector<16xf32>
        %mul3A_250 = arith.mulf %sub3A_249, %sub3A_249 : vector<16xf32>
        %add3A_251 = arith.addf %add3A_229, %mul3A_250 : vector<16xf32>
        %get3A_252 = arith.index_cast %scan3A_173 : i32 to index
        %get3A_253 = arith.constant 112 : index
        %get3A_254 = tpu.vector_load %arg15[%get3A_252, %get3A_253] {strides = array<i32>} : memref<16x512xf32, #tpu.memory_space<vmem>>, vector<1x16xf32>,
        %get3A_255 = vector.shape_cast %get3A_254 : vector<1x16xf32> to vector<16xf32>
        %get3A_256 = arith.index_cast %scan3A_173 : i32 to index
        %get3A_257 = arith.constant 112 : index
        %get3A_258 = tpu.vector_load %arg11[%get3A_256, %get3A_257] {strides = array<i32>} : memref<16x512xf32, #tpu.memory_space<vmem>>, vector<1x16xf32>,
        %get3A_259 = vector.shape_cast %get3A_258 : vector<1x16xf32> to vector<16xf32>
        %sub3A_260 = arith.subf %get3A_255, %get3A_259 : vector<16xf32>
        %mul3A_261 = arith.mulf %sub3A_260, %sub3A_260 : vector<16xf32>
        %add3A_262 = arith.addf %add3A_240, %mul3A_261 : vector<16xf32>
        %get3A_263 = arith.index_cast %scan3A_173 : i32 to index
        %get3A_264 = arith.constant 128 : index
        %get3A_265 = tpu.vector_load %arg15[%get3A_263, %get3A_264] {strides = array<i32>} : memref<16x512xf32, #tpu.memory_space<vmem>>, vector<1x16xf32>,
        %get3A_266 = vector.shape_cast %get3A_265 : vector<1x16xf32> to vector<16xf32>
        %get3A_267 = arith.index_cast %scan3A_173 : i32 to index
        %get3A_268 = arith.constant 128 : index
        %get3A_269 = tpu.vector_load %arg11[%get3A_267, %get3A_268] {strides = array<i32>} : memref<16x512xf32, #tpu.memory_space<vmem>>, vector<1x16xf32>,
        %get3A_270 = vector.shape_cast %get3A_269 : vector<1x16xf32> to vector<16xf32>
        %sub3A_271 = arith.subf %get3A_266, %get3A_270 : vector<16xf32>
        %mul3A_272 = arith.mulf %sub3A_271, %sub3A_271 : vector<16xf32>
        %add3A_273 = arith.addf %add3A_251, %mul3A_272 : vector<16xf32>
        %get3A_274 = arith.index_cast %scan3A_173 : i32 to index
        %get3A_275 = arith.constant 144 : index
        %get3A_276 = tpu.vector_load %arg15[%get3A_274, %get3A_275] {strides = array<i32>} : memref<16x512xf32, #tpu.memory_space<vmem>>, vector<1x16xf32>,
        %get3A_277 = vector.shape_cast %get3A_276 : vector<1x16xf32> to vector<16xf32>
        %get3A_278 = arith.index_cast %scan3A_173 : i32 to index
        %get3A_279 = arith.constant 144 : index
        %get3A_280 = tpu.vector_load %arg11[%get3A_278, %get3A_279] {strides = array<i32>} : memref<16x512xf32, #tpu.memory_space<vmem>>, vector<1x16xf32>,
        %get3A_281 = vector.shape_cast %get3A_280 : vector<1x16xf32> to vector<16xf32>
        %sub3A_282 = arith.subf %get3A_277, %get3A_281 : vector<16xf32>
        %mul3A_283 = arith.mulf %sub3A_282, %sub3A_282 : vector<16xf32>
        %add3A_284 = arith.addf %add3A_262, %mul3A_283 : vector<16xf32>
        %get3A_285 = arith.index_cast %scan3A_173 : i32 to index
        %get3A_286 = arith.constant 160 : index
        %get3A_287 = tpu.vector_load %arg15[%get3A_285, %get3A_286] {strides = array<i32>} : memref<16x512xf32, #tpu.memory_space<vmem>>, vector<1x16xf32>,
        %get3A_288 = vector.shape_cast %get3A_287 : vector<1x16xf32> to vector<16xf32>
        %get3A_289 = arith.index_cast %scan3A_173 : i32 to index
        %get3A_290 = arith.constant 160 : index
        %get3A_291 = tpu.vector_load %arg11[%get3A_289, %get3A_290] {strides = array<i32>} : memref<16x512xf32, #tpu.memory_space<vmem>>, vector<1x16xf32>,
        %get3A_292 = vector.shape_cast %get3A_291 : vector<1x16xf32> to vector<16xf32>
        %sub3A_293 = arith.subf %get3A_288, %get3A_292 : vector<16xf32>
        %mul3A_294 = arith.mulf %sub3A_293, %sub3A_293 : vector<16xf32>
        %add3A_295 = arith.addf %add3A_273, %mul3A_294 : vector<16xf32>
        %get3A_296 = arith.index_cast %scan3A_173 : i32 to index
        %get3A_297 = arith.constant 176 : index
        %get3A_298 = tpu.vector_load %arg15[%get3A_296, %get3A_297] {strides = array<i32>} : memref<16x512xf32, #tpu.memory_space<vmem>>, vector<1x16xf32>,
        %get3A_299 = vector.shape_cast %get3A_298 : vector<1x16xf32> to vector<16xf32>
        %get3A_300 = arith.index_cast %scan3A_173 : i32 to index
        %get3A_301 = arith.constant 176 : index
        %get3A_302 = tpu.vector_load %arg11[%get3A_300, %get3A_301] {strides = array<i32>} : memref<16x512xf32, #tpu.memory_space<vmem>>, vector<1x16xf32>,
        %get3A_303 = vector.shape_cast %get3A_302 : vector<1x16xf32> to vector<16xf32>
        %sub3A_304 = arith.subf %get3A_299, %get3A_303 : vector<16xf32>
        %mul3A_305 = arith.mulf %sub3A_304, %sub3A_304 : vector<16xf32>
        %add3A_306 = arith.addf %add3A_284, %mul3A_305 : vector<16xf32>
        %get3A_307 = arith.index_cast %scan3A_173 : i32 to index
        %get3A_308 = arith.constant 192 : index
        %get3A_309 = tpu.vector_load %arg15[%get3A_307, %get3A_308] {strides = array<i32>} : memref<16x512xf32, #tpu.memory_space<vmem>>, vector<1x16xf32>,
        %get3A_310 = vector.shape_cast %get3A_309 : vector<1x16xf32> to vector<16xf32>
        %get3A_311 = arith.index_cast %scan3A_173 : i32 to index
        %get3A_312 = arith.constant 192 : index
        %get3A_313 = tpu.vector_load %arg11[%get3A_311, %get3A_312] {strides = array<i32>} : memref<16x512xf32, #tpu.memory_space<vmem>>, vector<1x16xf32>,
        %get3A_314 = vector.shape_cast %get3A_313 : vector<1x16xf32> to vector<16xf32>
        %sub3A_315 = arith.subf %get3A_310, %get3A_314 : vector<16xf32>
        %mul3A_316 = arith.mulf %sub3A_315, %sub3A_315 : vector<16xf32>
        %add3A_317 = arith.addf %add3A_295, %mul3A_316 : vector<16xf32>
        %get3A_318 = arith.index_cast %scan3A_173 : i32 to index
        %get3A_319 = arith.constant 208 : index
        %get3A_320 = tpu.vector_load %arg15[%get3A_318, %get3A_319] {strides = array<i32>} : memref<16x512xf32, #tpu.memory_space<vmem>>, vector<1x16xf32>,
        %get3A_321 = vector.shape_cast %get3A_320 : vector<1x16xf32> to vector<16xf32>
        %get3A_322 = arith.index_cast %scan3A_173 : i32 to index
        %get3A_323 = arith.constant 208 : index
        %get3A_324 = tpu.vector_load %arg11[%get3A_322, %get3A_323] {strides = array<i32>} : memref<16x512xf32, #tpu.memory_space<vmem>>, vector<1x16xf32>,
        %get3A_325 = vector.shape_cast %get3A_324 : vector<1x16xf32> to vector<16xf32>
        %sub3A_326 = arith.subf %get3A_321, %get3A_325 : vector<16xf32>
        %mul3A_327 = arith.mulf %sub3A_326, %sub3A_326 : vector<16xf32>
        %add3A_328 = arith.addf %add3A_306, %mul3A_327 : vector<16xf32>
        %get3A_329 = arith.index_cast %scan3A_173 : i32 to index
        %get3A_330 = arith.constant 224 : index
        %get3A_331 = tpu.vector_load %arg15[%get3A_329, %get3A_330] {strides = array<i32>} : memref<16x512xf32, #tpu.memory_space<vmem>>, vector<1x16xf32>,
        %get3A_332 = vector.shape_cast %get3A_331 : vector<1x16xf32> to vector<16xf32>
        %get3A_333 = arith.index_cast %scan3A_173 : i32 to index
        %get3A_334 = arith.constant 224 : index
        %get3A_335 = tpu.vector_load %arg11[%get3A_333, %get3A_334] {strides = array<i32>} : memref<16x512xf32, #tpu.memory_space<vmem>>, vector<1x16xf32>,
        %get3A_336 = vector.shape_cast %get3A_335 : vector<1x16xf32> to vector<16xf32>
        %sub3A_337 = arith.subf %get3A_332, %get3A_336 : vector<16xf32>
        %mul3A_338 = arith.mulf %sub3A_337, %sub3A_337 : vector<16xf32>
        %add3A_339 = arith.addf %add3A_317, %mul3A_338 : vector<16xf32>
        %get3A_340 = arith.index_cast %scan3A_173 : i32 to index
        %get3A_341 = arith.constant 240 : index
        %get3A_342 = tpu.vector_load %arg15[%get3A_340, %get3A_341] {strides = array<i32>} : memref<16x512xf32, #tpu.memory_space<vmem>>, vector<1x16xf32>,
        %get3A_343 = vector.shape_cast %get3A_342 : vector<1x16xf32> to vector<16xf32>
        %get3A_344 = arith.index_cast %scan3A_173 : i32 to index
        %get3A_345 = arith.constant 240 : index
        %get3A_346 = tpu.vector_load %arg11[%get3A_344, %get3A_345] {strides = array<i32>} : memref<16x512xf32, #tpu.memory_space<vmem>>, vector<1x16xf32>,
        %get3A_347 = vector.shape_cast %get3A_346 : vector<1x16xf32> to vector<16xf32>
        %sub3A_348 = arith.subf %get3A_343, %get3A_347 : vector<16xf32>
        %mul3A_349 = arith.mulf %sub3A_348, %sub3A_348 : vector<16xf32>
        %add3A_350 = arith.addf %add3A_328, %mul3A_349 : vector<16xf32>
        %get3A_351 = arith.index_cast %scan3A_173 : i32 to index
        %get3A_352 = arith.constant 256 : index
        %get3A_353 = tpu.vector_load %arg15[%get3A_351, %get3A_352] {strides = array<i32>} : memref<16x512xf32, #tpu.memory_space<vmem>>, vector<1x16xf32>,
        %get3A_354 = vector.shape_cast %get3A_353 : vector<1x16xf32> to vector<16xf32>
        %get3A_355 = arith.index_cast %scan3A_173 : i32 to index
        %get3A_356 = arith.constant 256 : index
        %get3A_357 = tpu.vector_load %arg11[%get3A_355, %get3A_356] {strides = array<i32>} : memref<16x512xf32, #tpu.memory_space<vmem>>, vector<1x16xf32>,
        %get3A_358 = vector.shape_cast %get3A_357 : vector<1x16xf32> to vector<16xf32>
        %sub3A_359 = arith.subf %get3A_354, %get3A_358 : vector<16xf32>
        %mul3A_360 = arith.mulf %sub3A_359, %sub3A_359 : vector<16xf32>
        %add3A_361 = arith.addf %add3A_339, %mul3A_360 : vector<16xf32>
        %get3A_362 = arith.index_cast %scan3A_173 : i32 to index
        %get3A_363 = arith.constant 272 : index
        %get3A_364 = tpu.vector_load %arg15[%get3A_362, %get3A_363] {strides = array<i32>} : memref<16x512xf32, #tpu.memory_space<vmem>>, vector<1x16xf32>,
        %get3A_365 = vector.shape_cast %get3A_364 : vector<1x16xf32> to vector<16xf32>
        %get3A_366 = arith.index_cast %scan3A_173 : i32 to index
        %get3A_367 = arith.constant 272 : index
        %get3A_368 = tpu.vector_load %arg11[%get3A_366, %get3A_367] {strides = array<i32>} : memref<16x512xf32, #tpu.memory_space<vmem>>, vector<1x16xf32>,
        %get3A_369 = vector.shape_cast %get3A_368 : vector<1x16xf32> to vector<16xf32>
        %sub3A_370 = arith.subf %get3A_365, %get3A_369 : vector<16xf32>
        %mul3A_371 = arith.mulf %sub3A_370, %sub3A_370 : vector<16xf32>
        %add3A_372 = arith.addf %add3A_350, %mul3A_371 : vector<16xf32>
        %get3A_373 = arith.index_cast %scan3A_173 : i32 to index
        %get3A_374 = arith.constant 288 : index
        %get3A_375 = tpu.vector_load %arg15[%get3A_373, %get3A_374] {strides = array<i32>} : memref<16x512xf32, #tpu.memory_space<vmem>>, vector<1x16xf32>,
        %get3A_376 = vector.shape_cast %get3A_375 : vector<1x16xf32> to vector<16xf32>
        %get3A_377 = arith.index_cast %scan3A_173 : i32 to index
        %get3A_378 = arith.constant 288 : index
        %get3A_379 = tpu.vector_load %arg11[%get3A_377, %get3A_378] {strides = array<i32>} : memref<16x512xf32, #tpu.memory_space<vmem>>, vector<1x16xf32>,
        %get3A_380 = vector.shape_cast %get3A_379 : vector<1x16xf32> to vector<16xf32>
        %sub3A_381 = arith.subf %get3A_376, %get3A_380 : vector<16xf32>
        %mul3A_382 = arith.mulf %sub3A_381, %sub3A_381 : vector<16xf32>
        %add3A_383 = arith.addf %add3A_361, %mul3A_382 : vector<16xf32>
        %get3A_384 = arith.index_cast %scan3A_173 : i32 to index
        %get3A_385 = arith.constant 304 : index
        %get3A_386 = tpu.vector_load %arg15[%get3A_384, %get3A_385] {strides = array<i32>} : memref<16x512xf32, #tpu.memory_space<vmem>>, vector<1x16xf32>,
        %get3A_387 = vector.shape_cast %get3A_386 : vector<1x16xf32> to vector<16xf32>
        %get3A_388 = arith.index_cast %scan3A_173 : i32 to index
        %get3A_389 = arith.constant 304 : index
        %get3A_390 = tpu.vector_load %arg11[%get3A_388, %get3A_389] {strides = array<i32>} : memref<16x512xf32, #tpu.memory_space<vmem>>, vector<1x16xf32>,
        %get3A_391 = vector.shape_cast %get3A_390 : vector<1x16xf32> to vector<16xf32>
        %sub3A_392 = arith.subf %get3A_387, %get3A_391 : vector<16xf32>
        %mul3A_393 = arith.mulf %sub3A_392, %sub3A_392 : vector<16xf32>
        %add3A_394 = arith.addf %add3A_372, %mul3A_393 : vector<16xf32>
        %get3A_395 = arith.index_cast %scan3A_173 : i32 to index
        %get3A_396 = arith.constant 320 : index
        %get3A_397 = tpu.vector_load %arg15[%get3A_395, %get3A_396] {strides = array<i32>} : memref<16x512xf32, #tpu.memory_space<vmem>>, vector<1x16xf32>,
        %get3A_398 = vector.shape_cast %get3A_397 : vector<1x16xf32> to vector<16xf32>
        %get3A_399 = arith.index_cast %scan3A_173 : i32 to index
        %get3A_400 = arith.constant 320 : index
        %get3A_401 = tpu.vector_load %arg11[%get3A_399, %get3A_400] {strides = array<i32>} : memref<16x512xf32, #tpu.memory_space<vmem>>, vector<1x16xf32>,
        %get3A_402 = vector.shape_cast %get3A_401 : vector<1x16xf32> to vector<16xf32>
        %sub3A_403 = arith.subf %get3A_398, %get3A_402 : vector<16xf32>
        %mul3A_404 = arith.mulf %sub3A_403, %sub3A_403 : vector<16xf32>
        %add3A_405 = arith.addf %add3A_383, %mul3A_404 : vector<16xf32>
        %get3A_406 = arith.index_cast %scan3A_173 : i32 to index
        %get3A_407 = arith.constant 336 : index
        %get3A_408 = tpu.vector_load %arg15[%get3A_406, %get3A_407] {strides = array<i32>} : memref<16x512xf32, #tpu.memory_space<vmem>>, vector<1x16xf32>,
        %get3A_409 = vector.shape_cast %get3A_408 : vector<1x16xf32> to vector<16xf32>
        %get3A_410 = arith.index_cast %scan3A_173 : i32 to index
        %get3A_411 = arith.constant 336 : index
        %get3A_412 = tpu.vector_load %arg11[%get3A_410, %get3A_411] {strides = array<i32>} : memref<16x512xf32, #tpu.memory_space<vmem>>, vector<1x16xf32>,
        %get3A_413 = vector.shape_cast %get3A_412 : vector<1x16xf32> to vector<16xf32>
        %sub3A_414 = arith.subf %get3A_409, %get3A_413 : vector<16xf32>
        %mul3A_415 = arith.mulf %sub3A_414, %sub3A_414 : vector<16xf32>
        %add3A_416 = arith.addf %add3A_394, %mul3A_415 : vector<16xf32>
        %get3A_417 = arith.index_cast %scan3A_173 : i32 to index
        %get3A_418 = arith.constant 352 : index
        %get3A_419 = tpu.vector_load %arg15[%get3A_417, %get3A_418] {strides = array<i32>} : memref<16x512xf32, #tpu.memory_space<vmem>>, vector<1x16xf32>,
        %get3A_420 = vector.shape_cast %get3A_419 : vector<1x16xf32> to vector<16xf32>
        %get3A_421 = arith.index_cast %scan3A_173 : i32 to index
        %get3A_422 = arith.constant 352 : index
        %get3A_423 = tpu.vector_load %arg11[%get3A_421, %get3A_422] {strides = array<i32>} : memref<16x512xf32, #tpu.memory_space<vmem>>, vector<1x16xf32>,
        %get3A_424 = vector.shape_cast %get3A_423 : vector<1x16xf32> to vector<16xf32>
        %sub3A_425 = arith.subf %get3A_420, %get3A_424 : vector<16xf32>
        %mul3A_426 = arith.mulf %sub3A_425, %sub3A_425 : vector<16xf32>
        %add3A_427 = arith.addf %add3A_405, %mul3A_426 : vector<16xf32>
        %get3A_428 = arith.index_cast %scan3A_173 : i32 to index
        %get3A_429 = arith.constant 368 : index
        %get3A_430 = tpu.vector_load %arg15[%get3A_428, %get3A_429] {strides = array<i32>} : memref<16x512xf32, #tpu.memory_space<vmem>>, vector<1x16xf32>,
        %get3A_431 = vector.shape_cast %get3A_430 : vector<1x16xf32> to vector<16xf32>
        %get3A_432 = arith.index_cast %scan3A_173 : i32 to index
        %get3A_433 = arith.constant 368 : index
        %get3A_434 = tpu.vector_load %arg11[%get3A_432, %get3A_433] {strides = array<i32>} : memref<16x512xf32, #tpu.memory_space<vmem>>, vector<1x16xf32>,
        %get3A_435 = vector.shape_cast %get3A_434 : vector<1x16xf32> to vector<16xf32>
        %sub3A_436 = arith.subf %get3A_431, %get3A_435 : vector<16xf32>
        %mul3A_437 = arith.mulf %sub3A_436, %sub3A_436 : vector<16xf32>
        %add3A_438 = arith.addf %add3A_416, %mul3A_437 : vector<16xf32>
        %get3A_439 = arith.index_cast %scan3A_173 : i32 to index
        %get3A_440 = arith.constant 384 : index
        %get3A_441 = tpu.vector_load %arg15[%get3A_439, %get3A_440] {strides = array<i32>} : memref<16x512xf32, #tpu.memory_space<vmem>>, vector<1x16xf32>,
        %get3A_442 = vector.shape_cast %get3A_441 : vector<1x16xf32> to vector<16xf32>
        %get3A_443 = arith.index_cast %scan3A_173 : i32 to index
        %get3A_444 = arith.constant 384 : index
        %get3A_445 = tpu.vector_load %arg11[%get3A_443, %get3A_444] {strides = array<i32>} : memref<16x512xf32, #tpu.memory_space<vmem>>, vector<1x16xf32>,
        %get3A_446 = vector.shape_cast %get3A_445 : vector<1x16xf32> to vector<16xf32>
        %sub3A_447 = arith.subf %get3A_442, %get3A_446 : vector<16xf32>
        %mul3A_448 = arith.mulf %sub3A_447, %sub3A_447 : vector<16xf32>
        %add3A_449 = arith.addf %add3A_427, %mul3A_448 : vector<16xf32>
        %get3A_450 = arith.index_cast %scan3A_173 : i32 to index
        %get3A_451 = arith.constant 400 : index
        %get3A_452 = tpu.vector_load %arg15[%get3A_450, %get3A_451] {strides = array<i32>} : memref<16x512xf32, #tpu.memory_space<vmem>>, vector<1x16xf32>,
        %get3A_453 = vector.shape_cast %get3A_452 : vector<1x16xf32> to vector<16xf32>
        %get3A_454 = arith.index_cast %scan3A_173 : i32 to index
        %get3A_455 = arith.constant 400 : index
        %get3A_456 = tpu.vector_load %arg11[%get3A_454, %get3A_455] {strides = array<i32>} : memref<16x512xf32, #tpu.memory_space<vmem>>, vector<1x16xf32>,
        %get3A_457 = vector.shape_cast %get3A_456 : vector<1x16xf32> to vector<16xf32>
        %sub3A_458 = arith.subf %get3A_453, %get3A_457 : vector<16xf32>
        %mul3A_459 = arith.mulf %sub3A_458, %sub3A_458 : vector<16xf32>
        %add3A_460 = arith.addf %add3A_438, %mul3A_459 : vector<16xf32>
        %get3A_461 = arith.index_cast %scan3A_173 : i32 to index
        %get3A_462 = arith.constant 416 : index
        %get3A_463 = tpu.vector_load %arg15[%get3A_461, %get3A_462] {strides = array<i32>} : memref<16x512xf32, #tpu.memory_space<vmem>>, vector<1x16xf32>,
        %get3A_464 = vector.shape_cast %get3A_463 : vector<1x16xf32> to vector<16xf32>
        %get3A_465 = arith.index_cast %scan3A_173 : i32 to index
        %get3A_466 = arith.constant 416 : index
        %get3A_467 = tpu.vector_load %arg11[%get3A_465, %get3A_466] {strides = array<i32>} : memref<16x512xf32, #tpu.memory_space<vmem>>, vector<1x16xf32>,
        %get3A_468 = vector.shape_cast %get3A_467 : vector<1x16xf32> to vector<16xf32>
        %sub3A_469 = arith.subf %get3A_464, %get3A_468 : vector<16xf32>
        %mul3A_470 = arith.mulf %sub3A_469, %sub3A_469 : vector<16xf32>
        %add3A_471 = arith.addf %add3A_449, %mul3A_470 : vector<16xf32>
        %get3A_472 = arith.index_cast %scan3A_173 : i32 to index
        %get3A_473 = arith.constant 432 : index
        %get3A_474 = tpu.vector_load %arg15[%get3A_472, %get3A_473] {strides = array<i32>} : memref<16x512xf32, #tpu.memory_space<vmem>>, vector<1x16xf32>,
        %get3A_475 = vector.shape_cast %get3A_474 : vector<1x16xf32> to vector<16xf32>
        %get3A_476 = arith.index_cast %scan3A_173 : i32 to index
        %get3A_477 = arith.constant 432 : index
        %get3A_478 = tpu.vector_load %arg11[%get3A_476, %get3A_477] {strides = array<i32>} : memref<16x512xf32, #tpu.memory_space<vmem>>, vector<1x16xf32>,
        %get3A_479 = vector.shape_cast %get3A_478 : vector<1x16xf32> to vector<16xf32>
        %sub3A_480 = arith.subf %get3A_475, %get3A_479 : vector<16xf32>
        %mul3A_481 = arith.mulf %sub3A_480, %sub3A_480 : vector<16xf32>
        %add3A_482 = arith.addf %add3A_460, %mul3A_481 : vector<16xf32>
        %get3A_483 = arith.index_cast %scan3A_173 : i32 to index
        %get3A_484 = arith.constant 448 : index
        %get3A_485 = tpu.vector_load %arg15[%get3A_483, %get3A_484] {strides = array<i32>} : memref<16x512xf32, #tpu.memory_space<vmem>>, vector<1x16xf32>,
        %get3A_486 = vector.shape_cast %get3A_485 : vector<1x16xf32> to vector<16xf32>
        %get3A_487 = arith.index_cast %scan3A_173 : i32 to index
        %get3A_488 = arith.constant 448 : index
        %get3A_489 = tpu.vector_load %arg11[%get3A_487, %get3A_488] {strides = array<i32>} : memref<16x512xf32, #tpu.memory_space<vmem>>, vector<1x16xf32>,
        %get3A_490 = vector.shape_cast %get3A_489 : vector<1x16xf32> to vector<16xf32>
        %sub3A_491 = arith.subf %get3A_486, %get3A_490 : vector<16xf32>
        %mul3A_492 = arith.mulf %sub3A_491, %sub3A_491 : vector<16xf32>
        %add3A_493 = arith.addf %add3A_471, %mul3A_492 : vector<16xf32>
        %get3A_494 = arith.index_cast %scan3A_173 : i32 to index
        %get3A_495 = arith.constant 464 : index
        %get3A_496 = tpu.vector_load %arg15[%get3A_494, %get3A_495] {strides = array<i32>} : memref<16x512xf32, #tpu.memory_space<vmem>>, vector<1x16xf32>,
        %get3A_497 = vector.shape_cast %get3A_496 : vector<1x16xf32> to vector<16xf32>
        %get3A_498 = arith.index_cast %scan3A_173 : i32 to index
        %get3A_499 = arith.constant 464 : index
        %get3A_500 = tpu.vector_load %arg11[%get3A_498, %get3A_499] {strides = array<i32>} : memref<16x512xf32, #tpu.memory_space<vmem>>, vector<1x16xf32>,
        %get3A_501 = vector.shape_cast %get3A_500 : vector<1x16xf32> to vector<16xf32>
        %sub3A_502 = arith.subf %get3A_497, %get3A_501 : vector<16xf32>
        %mul3A_503 = arith.mulf %sub3A_502, %sub3A_502 : vector<16xf32>
        %add3A_504 = arith.addf %add3A_482, %mul3A_503 : vector<16xf32>
        %get3A_505 = arith.index_cast %scan3A_173 : i32 to index
        %get3A_506 = arith.constant 480 : index
        %get3A_507 = tpu.vector_load %arg15[%get3A_505, %get3A_506] {strides = array<i32>} : memref<16x512xf32, #tpu.memory_space<vmem>>, vector<1x16xf32>,
        %get3A_508 = vector.shape_cast %get3A_507 : vector<1x16xf32> to vector<16xf32>
        %get3A_509 = arith.index_cast %scan3A_173 : i32 to index
        %get3A_510 = arith.constant 480 : index
        %get3A_511 = tpu.vector_load %arg11[%get3A_509, %get3A_510] {strides = array<i32>} : memref<16x512xf32, #tpu.memory_space<vmem>>, vector<1x16xf32>,
        %get3A_512 = vector.shape_cast %get3A_511 : vector<1x16xf32> to vector<16xf32>
        %sub3A_513 = arith.subf %get3A_508, %get3A_512 : vector<16xf32>
        %mul3A_514 = arith.mulf %sub3A_513, %sub3A_513 : vector<16xf32>
        %add3A_515 = arith.addf %add3A_493, %mul3A_514 : vector<16xf32>
        %get3A_516 = arith.index_cast %scan3A_173 : i32 to index
        %get3A_517 = arith.constant 496 : index
        %get3A_518 = tpu.vector_load %arg15[%get3A_516, %get3A_517] {strides = array<i32>} : memref<16x512xf32, #tpu.memory_space<vmem>>, vector<1x16xf32>,
        %get3A_519 = vector.shape_cast %get3A_518 : vector<1x16xf32> to vector<16xf32>
        %get3A_520 = arith.index_cast %scan3A_173 : i32 to index
        %get3A_521 = arith.constant 496 : index
        %get3A_522 = tpu.vector_load %arg11[%get3A_520, %get3A_521] {strides = array<i32>} : memref<16x512xf32, #tpu.memory_space<vmem>>, vector<1x16xf32>,
        %get3A_523 = vector.shape_cast %get3A_522 : vector<1x16xf32> to vector<16xf32>
        %sub3A_524 = arith.subf %get3A_519, %get3A_523 : vector<16xf32>
        %mul3A_525 = arith.mulf %sub3A_524, %sub3A_524 : vector<16xf32>
        %add3A_526 = arith.addf %add3A_504, %mul3A_525 : vector<16xf32>
        scf.yield %add3A_515, %add3A_526 : vector<16xf32>, vector<16xf32>
      }
      %scan3A_172 = arith.constant 16 : i32
      scf.yield %scan3A_171#0, %scan3A_171#1 : vector<16xf32>, vector<16xf32>
    }
    %scan3A_42 = arith.constant 8 : i32
    %add3A_43 = arith.addf %scan3A_41#0, %scan3A_41#1 : vector<16xf32>
    %swap3A = arith.constant 0 : index
    %swap3A_44 = tpu.vector_load %arg7[%swap3A] {strides = array<i32>} : memref<16xf32, #tpu.memory_space<vmem>>, vector<16xf32>,
    %swap3A_45 = vector.shape_cast %swap3A_44 : vector<16xf32> to vector<16xf32>
    %swap3A_46 = vector.shape_cast %add3A_43 : vector<16xf32> to vector<16xf32>
    tpu.vector_store %arg7[%swap3A], %swap3A_46 {strides = array<i32>} : memref<16xf32, #tpu.memory_space<vmem>>, vector<16xf32>,
    "tpu.region"() ({
      %run_scoped3A = tpu.sem_alloc : memref<!tpu.dma_semaphore, #tpu.memory_space<semaphore_mem>>
      %dma_start3A_47 = arith.constant 0 : i32
      %dma_start3A_48 = tpu.memref_slice %arg5[%add3A, %dma_start3A_47] : memref<32x16xf32, #tpu.memory_space<hbm>> -> memref<1x16xf32, #tpu.memory_space<hbm>>
      %dma_start3A_49 = tpu.memref_squeeze %dma_start3A_48 : memref<1x16xf32, #tpu.memory_space<hbm>> -> memref<16xf32, #tpu.memory_space<hbm>>
      %dma_start3A_50 = arith.constant 0 : i32
      %dma_start3A_51 = tpu.memref_slice %arg5[%add3A, %dma_start3A_50] : memref<32x16xf32, #tpu.memory_space<hbm>> -> memref<1x16xf32, #tpu.memory_space<hbm>>
      %dma_start3A_52 = tpu.memref_squeeze %dma_start3A_51 : memref<1x16xf32, #tpu.memory_space<hbm>> -> memref<16xf32, #tpu.memory_space<hbm>>
      tpu.enqueue_dma source(%arg7 : memref<16xf32, #tpu.memory_space<vmem>>) target(%dma_start3A_52 : memref<16xf32, #tpu.memory_space<hbm>>) target_semaphore(%run_scoped3A : memref<!tpu.dma_semaphore, #tpu.memory_space<semaphore_mem>>)
      %dma_wait3A = arith.constant 0 : i32
      %dma_wait3A_53 = tpu.memref_slice %arg5[%add3A, %dma_wait3A] : memref<32x16xf32, #tpu.memory_space<hbm>> -> memref<1x16xf32, #tpu.memory_space<hbm>>
      %dma_wait3A_54 = tpu.memref_squeeze %dma_wait3A_53 : memref<1x16xf32, #tpu.memory_space<hbm>> -> memref<16xf32, #tpu.memory_space<hbm>>
      %dma_wait3A_55 = arith.constant 0 : i32
      %dma_wait3A_56 = tpu.memref_slice %arg5[%add3A, %dma_wait3A_55] : memref<32x16xf32, #tpu.memory_space<hbm>> -> memref<1x16xf32, #tpu.memory_space<hbm>>
      %dma_wait3A_57 = tpu.memref_squeeze %dma_wait3A_56 : memref<1x16xf32, #tpu.memory_space<hbm>> -> memref<16xf32, #tpu.memory_space<hbm>>
      tpu.wait_dma2 semaphore(%run_scoped3A : memref<!tpu.dma_semaphore, #tpu.memory_space<semaphore_mem>>) src(%arg7 : memref<16xf32, #tpu.memory_space<vmem>>) dst(%dma_wait3A_57 : memref<16xf32, #tpu.memory_space<hbm>>)
      tpu.yield
    }) : () -> ()
    return
  }
}

</mosaic_0001>

<sc_bundles>
// kernel: kernel.3.cloned.1.call-start
scs
__scs_entry_jumppad:
0x0: {  	(pc) =	sbr.rel $0x88, $3  }
0x1: {  	(tag) =	ssettag $0x0;
	lr =	simm.s32 $0x1  }
0x2: {  	[smem:$0x3F9E] =	sst lr;
	_ =	strace $0xD0000000  }
0x3: {  	_ = 	snop  }
0x4: {  	_ = 	snop  }
0x5: {  	_ = 	snop  }
0x6: {  	_ = 	snop  }
0x7: {  	_ = 	snop  }
__scs_overlays_trampoline_lowered:
0x8: {  	[smem:$0x3FAD] =	sst s0  }
0x9: {  	[smem:$0x3FAE] =	sst s1  }
0xa: {  	[smem:$0x3FAF] =	sst s2  }
0xb: {  	[smem:$0x3FB0] =	sst s3  }
0xc: {  	[smem:$0x3FB1] =	sst s4  }
0xd: {  	[smem:$0x3FB2] =	sst s5  }
0xe: {  	[smem:$0x3FB3] =	sst s6  }
0xf: {  	[smem:$0x3FB4] =	sst s7  }
0x10: {  	[smem:$0x3FB5] =	sst s8  }
0x11: {  	[smem:$0x3FB6] =	sst s9;
	s0 =	simm.s32 @!p0 $0x0  }
0x12: {  	s1 =	sld [smem:$0x3F9C];
	s0 =	simm.s32 @p0 $0x1  }
0x13: {  	[smem:$0x3FB7] =	sst s0;
	s0 =	simm.s32 @!p1 $0x0  }
0x14: {  	s2 =	sld [smem:$0x3F9B];
	s0 =	simm.s32 @p1 $0x1  }
0x15: {  	[smem:$0x3FB8] =	sst s0;
	s0 =	simm.s32 @!p2 $0x0  }
0x16: {  	s3 =	sld [smem:$0x3FDB];
	s0 =	simm.s32 @p2 $0x1  }
0x17: {  	s4 =	simm.s32 $0x1BF5;
	[smem:$0x3FBA] =	sst s0  }
0x18: {  	s0 =	sld [smem:$0x3F9D];
	_ =	swait.ge [sflag:s4], $0x0  }
0x19: {  	s7 =	sld [smem:$0x3F9E]  }
0x1a: {  	s8 =	sadd.s32 $0xFFFFE003, lr  }
0x1b: {  	s9 =	sadd.s32 $0xFFFFFEF7, lr;
	s5 =	simm.s32 $0xFFFFFFFF;
	p2 =	slt.u32 s8, $0xFFFFF086  }
0x1c: {  	p1 =	slt.u32 s9, $0xF7A;
	s5 =	simm.s32 @!p2 $0x0  }
0x1d: {  	s5 =	simm.s32 @p1 $0x1;
	p0 =	seq.s32 s7, s2  }
0x1e: {  	s7 =	smul.u32 @!p0 $0xF7A, s2;
	p2 =	seq.s32 @!p0 s5, $0x0  }
0x1f: {  	s9 =	smul.u32 $0xF7A, s1;
	s8 =	simm.s32 @!p0 $0x1BF5;
	p2 =	por !p2, p0  }
0x20: {  	[sflag:s8] =	ssyncset.s32 @!p0 $0xFFFFF086;
	s6 =	sadd.s32 @!p0 s3, s7;
	s7 =	simm.s32 @!p0 $0x108  }
0x21: {  	s3 =	sadd.s32 s3, s9;
	s6 =	sadd.s32 @!p0 $0x88, s6;
	s7 =	simm.s32 @p2 $0x1082  }
0x22: {  	[simem:s7], [sflag:s8] =	dma.local @!p0 [hbm:s6], $0xF7A  }
0x23: {  	s9 =	sor.u32 $0xD0000000, s2;
	s6 =	simm.s32 $0x108;
	_ =	swait.ge @!p0 [sflag:s8], $0x0  }
0x24: {  	s3 =	sadd.s32 $0x88, s3;
	s6 =	simm.s32 @!p1 $0x1082;
	[sflag:s4] =	ssyncset.s32 $0xFFFFF086  }
0x25: {  	[simem:s6], [sflag:s4] =	dma.local [hbm:s3], $0xF7A  }
0x26: {  	[smem:$0x3F9E] =	sst s1;
	(tag) =	ssettag s2;
	_ =	strace s9  }
0x27: {  	s1 =	sld [smem:$0x3FAE]  }
0x28: {  	s2 =	sld [smem:$0x3FAF]  }
0x29: {  	s4 =	sld [smem:$0x3FB1]  }
0x2a: {  	p0 =	seq.s32 s5, $0x0;
	s5 =	sld [smem:$0x3FB2]  }
0x2b: {  	s6 =	sld [smem:$0x3FB3]  }
0x2c: {  	s7 =	sld [smem:$0x3FB4]  }
0x2d: {  	s3 =	simm.s32 $0x108;
	s8 =	sld [smem:$0x3FB5]  }
0x2e: {  	s3 =	simm.s32 @!p0 $0x1082;
	s9 =	sld [smem:$0x3FB6]  }
0x2f: {  	lr =	sadd.s32 s0, s3;
	s0 =	sld [smem:$0x3FAD]  }
0x30: {  	s3 =	sld [smem:$0x3FB0]  }
0x31: {  	[smem:$0x3FB9] =	sst s10  }
0x32: {  	s10 =	sld [smem:$0x3FB7];
	_ =	sdelay $0x3  }
0x33: {  	p0 =	seq.s32 s10, $0x1;
	s10 =	sld [smem:$0x3FB9];
	_ =	sdelay $0x3  }
0x34: {  	[smem:$0x3FB9] =	sst s10  }
0x35: {  	s10 =	sld [smem:$0x3FB8];
	_ =	sdelay $0x3  }
0x36: {  	p1 =	seq.s32 s10, $0x1;
	s10 =	sld [smem:$0x3FB9];
	_ =	sdelay $0x3  }
0x37: {  	[smem:$0x3FB9] =	sst s10  }
0x38: {  	s10 =	sld [smem:$0x3FBA]  }
0x39: {  	_ = 	snop;
	(pc) =	sbr.ind lr, $3  }
0x3a: {  	_ = 	snop  }
0x3b: {  	_ = 	snop  }
0x3c: {  	p2 =	seq.s32 s10, $0x1;
	s10 =	sld [smem:$0x3FB9]  }
0x3d: {  	_ =	shalt  }
0x3e: {  	_ =	shalt  }
0x3f: {  	_ =	shalt  }
0x40: {  	_ =	shalt  }
0x41: {  	_ =	shalt  }
0x42: {  	_ =	shalt  }
0x43: {  	_ =	shalt  }
0x44: {  	_ =	shalt  }
0x45: {  	_ =	shalt  }
0x46: {  	_ =	shalt  }
0x47: {  	_ =	shalt  }
0x48: {  	_ =	shalt  }
0x49: {  	_ =	shalt  }
0x4a: {  	_ =	shalt  }
0x4b: {  	_ =	shalt  }
0x4c: {  	_ =	shalt  }
0x4d: {  	_ =	shalt  }
0x4e: {  	_ =	shalt  }
0x4f: {  	_ =	shalt  }
0x50: {  	_ =	shalt  }
0x51: {  	_ =	shalt  }
0x52: {  	_ =	shalt  }
0x53: {  	_ =	shalt  }
0x54: {  	_ =	shalt  }
0x55: {  	_ =	shalt  }
0x56: {  	_ =	shalt  }
0x57: {  	_ =	shalt  }
0x58: {  	_ =	shalt  }
0x59: {  	_ =	shalt  }
0x5a: {  	_ =	shalt  }
0x5b: {  	_ =	shalt  }
0x5c: {  	_ =	shalt  }
0x5d: {  	_ =	shalt  }
0x5e: {  	_ =	shalt  }
0x5f: {  	_ =	shalt  }
0x60: {  	_ =	shalt  }
0x61: {  	_ =	shalt  }
0x62: {  	_ =	shalt  }
0x63: {  	_ =	shalt  }
0x64: {  	_ =	shalt  }
0x65: {  	_ =	shalt  }
0x66: {  	_ =	shalt  }
0x67: {  	_ =	shalt  }
0x68: {  	_ =	shalt  }
0x69: {  	_ =	shalt  }
0x6a: {  	_ =	shalt  }
0x6b: {  	_ =	shalt  }
0x6c: {  	_ =	shalt  }
0x6d: {  	_ =	shalt  }
0x6e: {  	_ =	shalt  }
0x6f: {  	_ =	shalt  }
0x70: {  	_ =	shalt  }
0x71: {  	_ =	shalt  }
0x72: {  	_ =	shalt  }
0x73: {  	_ =	shalt  }
0x74: {  	_ =	shalt  }
0x75: {  	_ =	shalt  }
0x76: {  	_ =	shalt  }
0x77: {  	_ =	shalt  }
0x78: {  	_ =	shalt  }
0x79: {  	_ =	shalt  }
0x7a: {  	_ =	shalt  }
0x7b: {  	_ =	shalt  }
0x7c: {  	_ =	shalt  }
0x7d: {  	_ =	shalt  }
0x7e: {  	_ =	shalt  }
0x7f: {  	_ =	shalt  }
0x80: {  	_ =	shalt  }
0x81: {  	_ =	shalt  }
0x82: {  	_ =	shalt  }
0x83: {  	_ =	shalt  }
0x84: {  	_ =	shalt  }
0x85: {  	_ =	shalt  }
0x86: {  	_ =	shalt  }
0x87: {  	_ =	shalt  }
.Lfunc_end0:
.L_simem_size_0:
called_computation_lowered:
.L_overlay_start_0:
0x88: {  	s2 =	sld [smem:$0x3FD9]  }
0x89: {  	s3 =	sld [smem:$0x3FFE];
	_ =	sdelay $0x1  }
0x8a: {  	s1 =	srdreg.scid  }
0x8b: {  	s0 =	sand.u32 $0x1, s1  }
0x8c: {  	s17 =	sshll.u32 s0, $0xA;
	s2 =	sadd.s32 s3, s2  }
0x8d: {  	s2 =	sadd.s32 s2, s17  }
0x8e: {  	[smem:$0x3FC5] =	sst s2  }
0x8f: {  	_ = 	snop  }
0x90: {  	s2 =	sld [smem:$0x3FC9]  }
0x91: {  	s18 =	sld [smem:$0x3FC8]  }
0x92: {  	s4 =	sld [smem:$0x3FC7];
	(tm) =	ssettm $0x1  }
0x93: {  	s5 =	sld [smem:$0x3FFB];
	_ =	sdelay $0x3  }
0x94: {  	_ =	strace s5  }
0x95: {  	s5 =	sld [smem:$0x3FFC];
	_ =	sdelay $0x3  }
0x96: {  	_ =	strace s5  }
0x97: {  	s5 =	sld [smem:$0x3FFD];
	_ =	sdelay $0x3  }
0x98: {  	_ =	strace s5  }
0x99: {  	_ =	strace $0x8FFFFFFF  }
0x9a: {  	s19 =	sld [smem:$0x3FDB];
	_ =	sdelay $0x1  }
0x9b: {  	s6 =	simm.s32 $_scs_section_size  }
0x9c: {  	s7 =	simm.s32 $_size__tile_overlayer_lowered;
	s8 =	simm.s32 $_tile_overlayer_lowered  }
0x9d: {  	s22 =	simm.s32 $0x1BFF;
	s21 =	sshll.u32 s8, $0x1;
	s5 =	sadd.s32 s6, s19  }
0x9e: {  	s9 =	simm.s32 $0x0;
	s20 =	sshll.u32 s7, $0x1;
	s7 =	sadd.s32 s21, s5  }
0x9f: {  	[timem:s9], [sflag:s22] =	dma.local [hbm:s7], s20  }
0xa0: {  	_ =	swait.ge [sflag:s22], s20  }
0xa1: {  	s6 =	ssub.s32 $0x0, s20;
	[sflag:s22] =	ssyncset.done $0x0  }
0xa2: {  	[sflag:s22] =	ssyncadd.s32 s6;
	_ =	sdelay $0x1  }
0xa3: {  	s23 =	simm.s32 $0x1B8B  }
0xa4: {  	_ =	swait.ge [sflag:s23], $0x1  }
0xa5: {  	[sflag:s23] =	ssyncset.done $0x0  }
0xa6: {  	s25 =	simm.s32 $0x1B8E;
	s24 =	sld [smem:$0x3FFE];
	[sflag:s23] =	ssyncadd.s32 $0xFFFFFFFF  }
0xa7: {  	s26 =	simm.s32 $execute0_lowered;
	[smem:$0x3FD2] =	sst s25  }
0xa8: {  	s7 =	sshll.u32 s26, $0x1;
	_ =	strace $0x80000046;
	[dreg:$0x1] =	wrdreg $0xFFFFFFFF  }
0xa9: {  	s28 =	simm.s32 $_size_execute0_lowered;
	s5 =	sadd.s32 s5, s7;
	[dreg:$0x0] =	wrdreg $0x0  }
0xaa: {  	s7 =	sshll.u32 s28, $0x1;
	[dreg:$0x2] =	wrdreg s5  }
0xab: {  	[dreg:$0x3] =	wrdreg s7  }
0xac: {  	[dreg:$0x4] =	wrdreg $0xC0  }
0xad: {  	_ =	task [dreg:s9], $0x5FFFF  }
0xae: {  	[dreg:$0x1] =	wrdreg $0xFFFFFFFF  }
0xaf: {  	[dreg:$0x0] =	wrdreg $0x60  }
0xb0: {  	[dreg:$0x2] =	wrdreg s2  }
0xb1: {  	[dreg:$0x3] =	wrdreg s18  }
0xb2: {  	[dreg:$0x4] =	wrdreg s4  }
0xb3: {  	[dreg:$0x5] =	wrdreg s24  }
0xb4: {  	[dreg:$0x6] =	wrdreg $0x9  }
0xb5: {  	_ =	task.clear_ibuf [dreg:s9], $0x7FFFF;
	_ =	strace $0x90000046  }
0xb6: {  	s29 =	simm.s32 $0x9;
	_ =	strace $0x80000048  }
0xb7: {  	_ =	swait.ge [sflag:s29], $0x1  }
0xb8: {  	[sflag:s29] =	ssyncadd.s32 $0xFFFFFFFF  }
0xb9: {  	_ =	strace $0x90000048  }
0xba: {  	_ =	sfence  }
0xbb: {  	s30 =	sld [smem:$0x0];
	_ =	sdelay $0x2  }
0xbc: {  	s31 =	sshll.u32 s1, $0xD;
	s1 =	sshrl.u32 s1, $0x2  }
0xbd: {  	s3 =	sand.u32 $0x4000, s31;
	s1 =	sadd.s32 s1, s30  }
0xbe: {  	s0 =	sor.u32 s3, s0;
	s1 =	sshll.u32 s1, $0x11  }
0xbf: {  	s0 =	sor.u32 s1, s0  }
0xc0: {  	s0 =	sadd.s32 $0x8F2B, s0  }
0xc1: {  	[sflag:s0] =	ssyncadd.remote.s32 $0x1  }
0xc2: {  	_ =	sfence.sel $0xFFFF  }
0xc3: {  	[dreg:$0x0] =	wrdreg $0xFFFFFFFF;
	(pc) =	sbr.abs _section_cstart, $3  }
0xc4: {  	[dreg:$0x1] =	wrdreg $0xFFFFFFFF  }
0xc5: {  	_ =	task.clear_ibuf [dreg:s9], $0x2FFFF;
	_ =	strace $0x9FFFFFFF  }
0xc6: {  	(tm) =	ssettm $0x7FFFFFFF  }
0xc7: {  	_ =	shalt  }
tec
execute0_lowered:
.L_overlay_start_1:
0x0: {  	(tag) =	ssettag $0x1  }
0x1: {  	s1 =	rddreg [dreg:$0x0]  }
0x2: {  	s0 =	rddreg [dreg:$0x1]  }
0x3: {  	s2 =	rddreg [dreg:$0x2]  }
0x4: {  	s3 =	rddreg [dreg:$0x3]  }
0x5: {  	s4 =	srdreg.scid;
	s8 =	stileid.u32;
	s13 =	simm.s32 $0x9  }
0x6: {  	s30 =	simm.s32 $0x6280;
	s31 =	simm.s32 $0x6A80;
	s14 =	simm.s32 $0xE280  }
0x7: {  	s15 =	simm.s32 $0x1;
	s16 =	simm.s32 $0x5;
	s17 =	simm.s32 $0x2  }
0x8: {  	s18 =	simm.s32 $0x6;
	s19 =	simm.s32 $0x3;
	s20 =	simm.s32 $0x7  }
0x9: {  	s21 =	simm.s32 $0x4;
	s22 =	simm.s32 $0x8;
	s24 =	simm.s32 $0x0  }
0xa: {  	s5 =	sand.u32 $0x1, s4;
	s4 =	simm.s32 $0x0;
	s8 =	sshll.u32 s8, $0x1  }
0xb: {  	s6 =	ssub.s32 $0x2, s5;
	[smem:$0x7FF] =	sst s4;
	s11 =	sor.u32 s5, s8  }
0xc: {  	s7 =	sshrl.u32 s6, $0x1;
	_ =	strace $0x80000047;
	s5 =	sshll.u32 s11, $0x9  }
0xd: {  	v2 =	vlaneseq.u32;
	s26 =	sshll.u32 s11, $0x6;
	s8 =	sshll.u32 s11, $0xF;
	s29 =	sshll.u32 s11, $0x4  }
0xe: {  	v0 =	vand.u32 $0x7, v2;
	v1 =	vshrl.u32 v2, $0x3;
	s12 =	ssub.s32 s6, s7;
	s0 =	sadd.s32 s0, s26;
	s7 =	sadd.s32 $0x100, s2  }
0xf: {  	v63 =	vor.u32 $0x8, v2;
	v62 =	vmul.u32 $0x8, v1;
	[tilespmem:$0x1FFD0] =	vst v0;
	s8 =	sadd.s32 s1, s8;
	s11 =	sadd.s32 s3, s29;
	s3 =	simm.s32 $0x7A80  }
0x10: {  	[tilespmem:$0x1FFF0] =	vst v63;
	[dreg:$0x5] =	wrdreg s0;
	s28 =	sadd.s32 $0x400, s8;
	s10 =	sadd.s32 $0x800, s8  }
0x11: {  	vm0 =	vmmov $0xffff;
	[tilespmem:$0x1FFE0] =	vst v62;
	s12 =	smax.u32 s12, $0x1;
	s0 =	simm.s32 $0x7280;
	[dreg:$0x6] =	wrdreg s28  }
.LBB2_1:
0x12: {  	s6 =	rddreg [dreg:$0x5]  }
0x13: {  	[tilespmem:s4], [sflag:$0x9] =	stream.linear.gather [hbm4b:s6+s4], $0x200, $0x38;
	[tilespmem:$0x10280] =	vst v63  }
0x14: {  	_ =	swait.ge [sflag:s13], $0x200  }
0x15: {  	[sflag:s13] =	ssyncset.done $0x0  }
0x16: {  	[sflag:s13] =	ssyncadd.s32 $0xFFFFFE00  }
0x17: {  	v3 =	vld [tilespmem:$0x0];
	_ =	sdelay $0x2  }
0x18: {  	v0 =	vld [tilespmem:$0x1FFD0];
	_ =	sdelay $0x1  }
0x19: {  	v1 =	vld [tilespmem:$0x1FFE0];
	v4 =	vshll.u32 v3, $0x2  }
0x1a: {  	v3 =	vand.u32 $0x7, v3;
	v4 =	vand.u32 $0xFFFFFFE0, v4  }
0x1b: {  	v2 =	vld [tilespmem:$0x1FFF0];
	v3 =	vor.u32 v3, v4  }
0x1c: {  	v4 =	vperm.xlane v3, v0;
	_ =	sdelay $0x1  }
0x1d: {  	v4 =	vadd.s32 v1, v4;
	_ =	sdelay $0x1  }
0x1e: {  	v3 =	vperm.xlane v3, v2;
	_ =	sdelay $0x1  }
0x1f: {  	s25 =	simm.s32 $0x280;
	v3 =	vadd.s32 v1, v3  }
0x20: {  	[tilespmem:s25], [sflag:$0x1] =	stream.indirect_vreg.gather [hbm4b:s2+s4], $0x80, v4, vm0, $0xb8;
	[tilespmem:$0x10280] =	vst v63  }
0x21: {  	s26 =	simm.s32 $0xA80  }
0x22: {  	[tilespmem:s26], [sflag:$0x1] =	stream.indirect_vreg.gather [hbm4b:s7+s4], $0x80, v4, vm0, $0xb8;
	[tilespmem:$0x10280] =	vst v63  }
0x23: {  	s28 =	simm.s32 $0x1280  }
0x24: {  	[tilespmem:s28], [sflag:$0x1] =	stream.indirect_vreg.gather [hbm4b:s2+s4], $0x80, v3, vm0, $0xb8;
	[tilespmem:$0x10280] =	vst v63  }
0x25: {  	s29 =	simm.s32 $0x1A80  }
0x26: {  	[tilespmem:s29], [sflag:$0x1] =	stream.indirect_vreg.gather [hbm4b:s7+s4], $0x80, v3, vm0, $0xb8;
	[tilespmem:$0x10280] =	vst v63  }
0x27: {  	s9 =	simm.s32 $0x8280  }
0x28: {  	[tilespmem:s9], [sflag:$0x5] =	stream.linear.gather [hbm4b:s8+s4], $0x2000, $0x38;
	[tilespmem:$0x10280] =	vst v63  }
0x29: {  	v3 =	vld [tilespmem:$0x10];
	_ =	sdelay $0x4  }
0x2a: {  	v4 =	vshll.u32 v3, $0x2  }
0x2b: {  	v3 =	vand.u32 $0x7, v3;
	v4 =	vand.u32 $0xFFFFFFE0, v4  }
0x2c: {  	v3 =	vor.u32 v3, v4  }
0x2d: {  	v4 =	vperm.xlane v3, v0;
	_ =	sdelay $0x1  }
0x2e: {  	v4 =	vadd.s32 v1, v4;
	_ =	sdelay $0x1  }
0x2f: {  	v3 =	vperm.xlane v3, v2;
	_ =	sdelay $0x1  }
0x30: {  	s23 =	simm.s32 $0x2280;
	v3 =	vadd.s32 v1, v3  }
0x31: {  	[tilespmem:s23], [sflag:$0x2] =	stream.indirect_vreg.gather [hbm4b:s2+s4], $0x80, v4, vm0, $0xb8;
	[tilespmem:$0x10280] =	vst v63  }
0x32: {  	s25 =	simm.s32 $0x2A80  }
0x33: {  	[tilespmem:s25], [sflag:$0x2] =	stream.indirect_vreg.gather [hbm4b:s7+s4], $0x80, v4, vm0, $0xb8;
	[tilespmem:$0x10280] =	vst v63  }
0x34: {  	s26 =	simm.s32 $0x3280  }
0x35: {  	[tilespmem:s26], [sflag:$0x2] =	stream.indirect_vreg.gather [hbm4b:s2+s4], $0x80, v3, vm0, $0xb8;
	[tilespmem:$0x10280] =	vst v63  }
0x36: {  	s28 =	simm.s32 $0x3A80  }
0x37: {  	[tilespmem:s28], [sflag:$0x2] =	stream.indirect_vreg.gather [hbm4b:s7+s4], $0x80, v3, vm0, $0xb8;
	[tilespmem:$0x10280] =	vst v63  }
0x38: {  	s29 =	rddreg [dreg:$0x6];
	s9 =	simm.s32 $0xA280  }
0x39: {  	[tilespmem:s9], [sflag:$0x6] =	stream.linear.gather [hbm4b:s29+s4], $0x2000, $0x38;
	[tilespmem:$0x10280] =	vst v63  }
0x3a: {  	v3 =	vld [tilespmem:$0x20];
	_ =	sdelay $0x4  }
0x3b: {  	v4 =	vshll.u32 v3, $0x2  }
0x3c: {  	v3 =	vand.u32 $0x7, v3;
	v4 =	vand.u32 $0xFFFFFFE0, v4  }
0x3d: {  	v3 =	vor.u32 v3, v4  }
0x3e: {  	v4 =	vperm.xlane v3, v0;
	_ =	sdelay $0x1  }
0x3f: {  	v4 =	vadd.s32 v1, v4;
	_ =	sdelay $0x1  }
0x40: {  	v3 =	vperm.xlane v3, v2;
	_ =	sdelay $0x1  }
0x41: {  	s23 =	simm.s32 $0x4280;
	v3 =	vadd.s32 v1, v3  }
0x42: {  	[tilespmem:s23], [sflag:$0x3] =	stream.indirect_vreg.gather [hbm4b:s2+s4], $0x80, v4, vm0, $0xb8;
	[tilespmem:$0x10280] =	vst v63  }
0x43: {  	s25 =	simm.s32 $0x4A80  }
0x44: {  	[tilespmem:s25], [sflag:$0x3] =	stream.indirect_vreg.gather [hbm4b:s7+s4], $0x80, v4, vm0, $0xb8;
	[tilespmem:$0x10280] =	vst v63  }
0x45: {  	s26 =	simm.s32 $0x5280  }
0x46: {  	[tilespmem:s26], [sflag:$0x3] =	stream.indirect_vreg.gather [hbm4b:s2+s4], $0x80, v3, vm0, $0xb8;
	[tilespmem:$0x10280] =	vst v63  }
0x47: {  	s28 =	simm.s32 $0x5A80  }
0x48: {  	[tilespmem:s28], [sflag:$0x3] =	stream.indirect_vreg.gather [hbm4b:s7+s4], $0x80, v3, vm0, $0xb8;
	[tilespmem:$0x10280] =	vst v63  }
0x49: {  	s29 =	simm.s32 $0xC280;
	s25 =	simm.s32 $0x0  }
0x4a: {  	v7 =	vimm.f32 $0.0e+00;
	v5 =	vimm.f32 $0.0e+00;
	[tilespmem:s29], [sflag:$0x7] =	stream.linear.gather [hbm4b:s10+s4], $0x2000, $0x38;
	[tilespmem:$0x10280] =	vst v63  }
.LBB2_2:
0x4b: {  	s26 =	sshll.u32 s25, $0x6  }
0x4c: {  	v3 =	vld [tilespmem:s26+$0x30];
	_ =	sdelay $0x2  }
0x4d: {  	v0 =	vld [tilespmem:$0x1FFD0];
	_ =	sdelay $0x1  }
0x4e: {  	v4 =	vshll.u32 v3, $0x2  }
0x4f: {  	v3 =	vand.u32 $0x7, v3;
	v4 =	vand.u32 $0xFFFFFFE0, v4  }
0x50: {  	v3 =	vor.u32 v3, v4  }
0x51: {  	v4 =	vperm.xlane v3, v0;
	v0 =	vld [tilespmem:$0x1FFE0];
	_ =	sdelay $0x1  }
0x52: {  	v1 =	vld [tilespmem:$0x1FFF0];
	_ =	sdelay $0x2  }
0x53: {  	v4 =	vadd.s32 v0, v4;
	_ =	sdelay $0x1  }
0x54: {  	v3 =	vperm.xlane v3, v1;
	_ =	sdelay $0x1  }
0x55: {  	s29 =	simm.s32 $0x0;
	v3 =	vadd.s32 v0, v3  }
0x56: {  	[tilespmem:s30], [sflag:$0x4] =	stream.indirect_vreg.gather [hbm4b:s2+s29], $0x80, v4, vm0, $0xb8;
	[tilespmem:$0x10280] =	vst v63  }
0x57: {  	s23 =	sor.u32 $0x30, s26  }
0x58: {  	[tilespmem:s31], [sflag:$0x4] =	stream.indirect_vreg.gather [hbm4b:s7+s29], $0x80, v4, vm0, $0xb8;
	[tilespmem:$0x10280] =	vst v63  }
0x59: {  	s23 =	sadd.s32 s5, s23  }
0x5a: {  	[tilespmem:s0], [sflag:$0x4] =	stream.indirect_vreg.gather [hbm4b:s2+s29], $0x80, v3, vm0, $0xb8;
	[tilespmem:$0x10280] =	vst v63  }
0x5b: {  	s23 =	sshll.u32 s23, $0x6  }
0x5c: {  	[tilespmem:s3], [sflag:$0x4] =	stream.indirect_vreg.gather [hbm4b:s7+s29], $0x80, v3, vm0, $0xb8;
	[tilespmem:$0x10280] =	vst v63  }
0x5d: {  	s23 =	sadd.s32 s1, s23  }
0x5e: {  	[tilespmem:s14], [sflag:$0x8] =	stream.linear.gather [hbm4b:s23+s29], $0x2000, $0x38;
	[tilespmem:$0x10280] =	vst v63  }
0x5f: {  	_ =	swait.ge [sflag:s15], $0x2000  }
0x60: {  	[sflag:s15] =	ssyncset.done $0x0  }
0x61: {  	[sflag:s15] =	ssyncadd.s32 $0xFFFFE000  }
0x62: {  	_ =	swait.ge [sflag:s16], $0x2000  }
0x63: {  	s9 =	sand.u32 $0x1000, s29;
	s28 =	sand.u32 $0x380, s29;
	[sflag:s16] =	ssyncset.done $0x0  }
0x64: {  	s28 =	sor.u32 s28, s9;
	[sflag:s16] =	ssyncadd.s32 $0xFFFFE000  }
0x65: {  	v4 =	vld [tilespmem:s28+$0x8EE0]  }
0x66: {  	v8 =	vld [tilespmem:s28+$0xEE0]  }
0x67: {  	v6 =	vld [tilespmem:s28+$0x8EC0]  }
0x68: {  	v10 =	vld [tilespmem:s28+$0xEC0]  }
0x69: {  	v12 =	vld [tilespmem:s28+$0x8EA0]  }
0x6a: {  	v14 =	vld [tilespmem:s28+$0xEA0]  }
0x6b: {  	v16 =	vld [tilespmem:s28+$0x8E80]  }
0x6c: {  	v18 =	vld [tilespmem:s28+$0xE80]  }
0x6d: {  	v20 =	vld [tilespmem:s28+$0x8AE0]  }
0x6e: {  	v22 =	vld [tilespmem:s28+$0xAE0]  }
0x6f: {  	v24 =	vld [tilespmem:s28+$0x8AC0]  }
0x70: {  	v26 =	vld [tilespmem:s28+$0xAC0]  }
0x71: {  	v28 =	vld [tilespmem:s28+$0x8AA0]  }
0x72: {  	v30 =	vld [tilespmem:s28+$0xAA0]  }
0x73: {  	v27 =	vld [tilespmem:s28+$0x8A80]  }
0x74: {  	v29 =	vld [tilespmem:s28+$0xA80]  }
0x75: {  	v23 =	vld [tilespmem:s28+$0x86E0]  }
0x76: {  	v25 =	vld [tilespmem:s28+$0x6E0]  }
0x77: {  	v19 =	vld [tilespmem:s28+$0x86C0]  }
0x78: {  	v21 =	vld [tilespmem:s28+$0x6C0]  }
0x79: {  	v15 =	vld [tilespmem:s28+$0x86A0]  }
0x7a: {  	v17 =	vld [tilespmem:s28+$0x6A0]  }
0x7b: {  	v11 =	vld [tilespmem:s28+$0x8680]  }
0x7c: {  	v13 =	vld [tilespmem:s28+$0x680]  }
0x7d: {  	v9 =	vld [tilespmem:s28+$0x82E0]  }
0x7e: {  	v31 =	vld [tilespmem:s28+$0x2E0]  }
0x7f: {  	v3 =	vld [tilespmem:s28+$0x82C0]  }
0x80: {  	v40 =	vld [tilespmem:s28+$0x2C0]  }
0x81: {  	v41 =	vld [tilespmem:s28+$0x82D0]  }
0x82: {  	v42 =	vld [tilespmem:s28+$0x82A0]  }
0x83: {  	v43 =	vld [tilespmem:s28+$0x2A0]  }
0x84: {  	v44 =	vld [tilespmem:s28+$0x8280]  }
0x85: {  	s23 =	simm.s32 $0x200;
	v45 =	vld [tilespmem:s28+$0x280]  }
.LBB2_3:
0x86: {  	p0 =	sne.s32 s23, $0x1E00;
	v32 =	vld [tilespmem:s28+$0x8290]  }
0x87: {  	v33 =	vld [tilespmem:s28+$0x290]  }
0x88: {  	v34 =	vld [tilespmem:s28+$0x82B0]  }
0x89: {  	v35 =	vld [tilespmem:s28+$0x2B0]  }
0x8a: {  	v36 =	vld [tilespmem:s28+$0x2D0]  }
0x8b: {  	v37 =	vld [tilespmem:s28+$0x82F0]  }
0x8c: {  	v38 =	vsub.f32 v44, v45;
	v32 =	vsub.f32 v32, v33;
	v33 =	vld [tilespmem:s28+$0x2F0]  }
0x8d: {  	v39 =	vsub.f32 v42, v43;
	v42 =	vld [tilespmem:s28+$0x8690]  }
0x8e: {  	v38 =	vmul.f32 v38, v38;
	v32 =	vmul.f32 v32, v32;
	v34 =	vsub.f32 v34, v35;
	v35 =	vld [tilespmem:s28+$0x690]  }
0x8f: {  	v3 =	vsub.f32 v3, v40;
	v39 =	vmul.f32 v39, v39;
	v36 =	vsub.f32 v41, v36;
	v40 =	vld [tilespmem:s28+$0x86B0]  }
0x90: {  	v5 =	vadd.f32 v38, v5;
	v7 =	vadd.f32 v32, v7;
	v32 =	vmul.f32 v34, v34;
	v34 =	vld [tilespmem:s28+$0x6B0]  }
0x91: {  	v9 =	vsub.f32 v9, v31;
	v3 =	vmul.f32 v3, v3;
	v31 =	vsub.f32 v37, v33;
	v33 =	vld [tilespmem:s28+$0x86D0]  }
0x92: {  	v5 =	vadd.f32 v39, v5;
	v7 =	vadd.f32 v32, v7;
	v32 =	vmul.f32 v36, v36;
	v36 =	vld [tilespmem:s28+$0x6D0]  }
0x93: {  	v11 =	vsub.f32 v11, v13;
	v9 =	vmul.f32 v9, v9;
	v13 =	vsub.f32 v42, v35;
	v35 =	vld [tilespmem:s28+$0x86F0]  }
0x94: {  	v3 =	vadd.f32 v3, v5;
	v5 =	vadd.f32 v32, v7;
	v7 =	vmul.f32 v31, v31;
	v31 =	vld [tilespmem:s28+$0x6F0]  }
0x95: {  	v15 =	vsub.f32 v15, v17;
	v11 =	vmul.f32 v11, v11;
	v17 =	vsub.f32 v40, v34;
	v32 =	vld [tilespmem:s28+$0x8A90]  }
0x96: {  	v3 =	vadd.f32 v9, v3;
	v5 =	vadd.f32 v7, v5;
	v7 =	vmul.f32 v13, v13;
	v9 =	vld [tilespmem:s28+$0xA90]  }
0x97: {  	v13 =	vmul.f32 v15, v15;
	v15 =	vsub.f32 v19, v21;
	v19 =	vsub.f32 v33, v36;
	v21 =	vld [tilespmem:s28+$0x8AB0]  }
0x98: {  	v3 =	vadd.f32 v11, v3;
	v5 =	vadd.f32 v7, v5;
	v7 =	vmul.f32 v17, v17;
	v11 =	vld [tilespmem:s28+$0xAB0]  }
0x99: {  	v15 =	vmul.f32 v15, v15;
	v17 =	vsub.f32 v23, v25;
	v23 =	vsub.f32 v35, v31;
	v25 =	vld [tilespmem:s28+$0x8AD0]  }
0x9a: {  	v3 =	vadd.f32 v13, v3;
	v5 =	vadd.f32 v7, v5;
	v7 =	vmul.f32 v19, v19;
	v13 =	vld [tilespmem:s28+$0xAD0]  }
0x9b: {  	v17 =	vmul.f32 v17, v17;
	v19 =	vsub.f32 v27, v29;
	v9 =	vsub.f32 v32, v9;
	v27 =	vld [tilespmem:s28+$0x8AF0]  }
0x9c: {  	v3 =	vadd.f32 v15, v3;
	v5 =	vadd.f32 v7, v5;
	v7 =	vmul.f32 v23, v23;
	v15 =	vld [tilespmem:s28+$0xAF0]  }
0x9d: {  	v19 =	vmul.f32 v19, v19;
	v23 =	vsub.f32 v28, v30;
	v11 =	vsub.f32 v21, v11;
	v21 =	vld [tilespmem:s28+$0x8E90]  }
0x9e: {  	v3 =	vadd.f32 v17, v3;
	v5 =	vadd.f32 v7, v5;
	v7 =	vmul.f32 v9, v9;
	v9 =	vld [tilespmem:s28+$0xE90]  }
0x9f: {  	v17 =	vmul.f32 v23, v23;
	v23 =	vsub.f32 v24, v26;
	v13 =	vsub.f32 v25, v13;
	v24 =	vld [tilespmem:s28+$0x8EB0]  }
0xa0: {  	v3 =	vadd.f32 v19, v3;
	v5 =	vadd.f32 v7, v5;
	v7 =	vmul.f32 v11, v11;
	v11 =	vld [tilespmem:s28+$0xEB0]  }
0xa1: {  	v20 =	vsub.f32 v20, v22;
	v19 =	vmul.f32 v23, v23;
	v15 =	vsub.f32 v27, v15;
	v22 =	vld [tilespmem:s28+$0x8ED0]  }
0xa2: {  	s29 =	sadd.s32 $0x80, s29;
	v3 =	vadd.f32 v17, v3;
	v5 =	vadd.f32 v7, v5;
	v7 =	vmul.f32 v13, v13;
	v13 =	vld [tilespmem:s28+$0xED0]  }
0xa3: {  	s6 =	sand.u32 $0x1000, s23;
	v16 =	vsub.f32 v16, v18;
	s9 =	sand.u32 $0x380, s29;
	v17 =	vmul.f32 v20, v20;
	v9 =	vsub.f32 v21, v9;
	v18 =	vld [tilespmem:s28+$0x8EF0]  }
0xa4: {  	v3 =	vadd.f32 v19, v3;
	v5 =	vadd.f32 v7, v5;
	v7 =	vmul.f32 v15, v15;
	v15 =	vld [tilespmem:s28+$0xEF0];
	s28 =	sor.u32 s9, s6  }
0xa5: {  	v12 =	vsub.f32 v12, v14;
	v16 =	vmul.f32 v16, v16;
	v19 =	vld [tilespmem:s28+$0x8EE0];
	v11 =	vsub.f32 v24, v11  }
0xa6: {  	v3 =	vadd.f32 v17, v3;
	v20 =	vld [tilespmem:s28+$0xEE0];
	v5 =	vadd.f32 v7, v5;
	v7 =	vmul.f32 v9, v9  }
0xa7: {  	v14 =	vsub.f32 v6, v10;
	v9 =	vmul.f32 v12, v12;
	v6 =	vld [tilespmem:s28+$0x8EC0];
	v13 =	vsub.f32 v22, v13  }
0xa8: {  	v3 =	vadd.f32 v16, v3;
	v10 =	vld [tilespmem:s28+$0xEC0];
	v5 =	vadd.f32 v7, v5;
	v7 =	vmul.f32 v11, v11  }
0xa9: {  	v0 =	vsub.f32 v4, v8;
	v11 =	vmul.f32 v14, v14;
	v12 =	vld [tilespmem:s28+$0x8EA0];
	v15 =	vsub.f32 v18, v15  }
0xaa: {  	v3 =	vadd.f32 v9, v3;
	v14 =	vld [tilespmem:s28+$0xEA0];
	v5 =	vadd.f32 v7, v5;
	v7 =	vmul.f32 v13, v13;
	v4 =	vmovc v19  }
0xab: {  	v9 =	vmul.f32 v0, v0;
	v16 =	vld [tilespmem:s28+$0x8E80];
	v8 =	vmov v20  }
0xac: {  	v3 =	vadd.f32 v11, v3;
	v11 =	vmul.f32 v15, v15;
	v18 =	vld [tilespmem:s28+$0xE80];
	v7 =	vadd.f32 v7, v5  }
0xad: {  	v20 =	vld [tilespmem:s28+$0x8AE0]  }
0xae: {  	v5 =	vadd.f32 v9, v3;
	v22 =	vld [tilespmem:s28+$0xAE0];
	v7 =	vadd.f32 v11, v7  }
0xaf: {  	v24 =	vld [tilespmem:s28+$0x8AC0]  }
0xb0: {  	v26 =	vld [tilespmem:s28+$0xAC0]  }
0xb1: {  	v28 =	vld [tilespmem:s28+$0x8AA0]  }
0xb2: {  	v30 =	vld [tilespmem:s28+$0xAA0]  }
0xb3: {  	v27 =	vld [tilespmem:s28+$0x8A80]  }
0xb4: {  	v29 =	vld [tilespmem:s28+$0xA80]  }
0xb5: {  	v23 =	vld [tilespmem:s28+$0x86E0]  }
0xb6: {  	v25 =	vld [tilespmem:s28+$0x6E0]  }
0xb7: {  	v19 =	vld [tilespmem:s28+$0x86C0]  }
0xb8: {  	v21 =	vld [tilespmem:s28+$0x6C0]  }
0xb9: {  	v15 =	vld [tilespmem:s28+$0x86A0]  }
0xba: {  	v17 =	vld [tilespmem:s28+$0x6A0]  }
0xbb: {  	v11 =	vld [tilespmem:s28+$0x8680]  }
0xbc: {  	v13 =	vld [tilespmem:s28+$0x680]  }
0xbd: {  	v9 =	vld [tilespmem:s28+$0x82E0]  }
0xbe: {  	v31 =	vld [tilespmem:s28+$0x2E0]  }
0xbf: {  	v3 =	vld [tilespmem:s28+$0x82C0]  }
0xc0: {  	v40 =	vld [tilespmem:s28+$0x2C0]  }
.Ltmp0:
0xc1: {  	v41 =	vld [tilespmem:s28+$0x82D0];
	(pc) =	sbr.rel @p0 .LBB2_3-.Ltmp0, $4  }
0xc2: {  	v42 =	vld [tilespmem:s28+$0x82A0]  }
0xc3: {  	v43 =	vld [tilespmem:s28+$0x2A0]  }
0xc4: {  	v44 =	vld [tilespmem:s28+$0x8280]  }
0xc5: {  	s23 =	sadd.s32 $0x200, s23;
	v45 =	vld [tilespmem:s28+$0x280]  }
0xc6: {  	v46 =	vld [tilespmem:s28+$0x8290]  }
0xc7: {  	v47 =	vld [tilespmem:s28+$0x290]  }
0xc8: {  	v48 =	vld [tilespmem:s28+$0x82B0]  }
0xc9: {  	v49 =	vld [tilespmem:s28+$0x2B0]  }
0xca: {  	v50 =	vld [tilespmem:s28+$0x2D0]  }
0xcb: {  	v51 =	vld [tilespmem:s28+$0x82F0]  }
0xcc: {  	v52 =	vld [tilespmem:s28+$0x2F0]  }
0xcd: {  	v53 =	vld [tilespmem:s28+$0x8690]  }
0xce: {  	v54 =	vld [tilespmem:s28+$0x690]  }
0xcf: {  	v55 =	vld [tilespmem:s28+$0x86B0]  }
0xd0: {  	v56 =	vld [tilespmem:s28+$0x6B0]  }
0xd1: {  	v0 =	vld [tilespmem:s28+$0x8AF0]  }
0xd2: {  	v57 =	vld [tilespmem:s28+$0x86D0]  }
0xd3: {  	v58 =	vld [tilespmem:s28+$0x6D0]  }
0xd4: {  	v59 =	vld [tilespmem:s28+$0x86F0];
	p0 =	seq.s32 s25, $0x7  }
0xd5: {  	v32 =	vld @!p0 [tilespmem:s26+$0x40]  }
0xd6: {  	[tilespmem:$0x1FF70] =	vst v0;
	v0 =	vld [tilespmem:s28+$0x8E90]  }
0xd7: {  	v60 =	vld [tilespmem:s28+$0x6F0]  }
0xd8: {  	v61 =	vld [tilespmem:s28+$0x8A90]  }
0xd9: {  	v62 =	vld [tilespmem:s28+$0xA90];
	v35 =	vlaneseq.u32 @!p0  }
0xda: {  	v1 =	vld [tilespmem:s28+$0x8EB0];
	v36 =	vshrl.u32 @!p0 v35, $0x3  }
0xdb: {  	v33 =	vshll.u32 @!p0 v32, $0x2;
	[tilespmem:$0x1FF80] =	vst v0;
	v0 =	vmul.u32 @!p0 $0x8, v36;
	v36 =	vld [tilespmem:s28+$0x8ED0]  }
0xdc: {  	v63 =	vld [tilespmem:s28+$0x8AB0];
	v32 =	vand.u32 @!p0 $0x7, v32;
	v33 =	vand.u32 @!p0 $0xFFFFFFE0, v33  }
0xdd: {  	v2 =	vld [tilespmem:s28+$0xAB0];
	v32 =	vor.u32 @!p0 v32, v33;
	v33 =	vand.u32 @!p0 $0x7, v35  }
0xde: {  	v37 =	vld [tilespmem:s28+$0x8AD0];
	v33 =	vperm.xlane @!p0 v32, v33  }
0xdf: {  	v34 =	vld [tilespmem:s28+$0xAD0];
	[tilespmem:$0x1FF90] =	vst v1  }
0xe0: {  	v1 =	vadd.s32 @!p0 v0, v33;
	[tilespmem:$0x1FFA0] =	vst v36;
	v36 =	vld [tilespmem:s28+$0xED0]  }
0xe1: {  	v38 =	vld [tilespmem:s28+$0xAF0];
	v35 =	vor.u32 @!p0 $0x8, v35  }
0xe2: {  	v39 =	vld [tilespmem:s28+$0xE90];
	v32 =	vperm.xlane @!p0 v32, v35  }
0xe3: {  	v33 =	vld [tilespmem:s28+$0xEB0]  }
0xe4: {  	vm1 =	vmmov @!p0 $0xffff;
	s6 =	simm.s32 @!p0 $0x0;
	s9 =	simm.s32 @!p0 $0x280;
	v0 =	vadd.s32 @!p0 v0, v32;
	v32 =	vld [tilespmem:s28+$0xEF0]  }
0xe5: {  	[tilespmem:$0x1FFB0] =	vst v36;
	v36 =	vld [tilespmem:s28+$0x8EF0];
	[tilespmem:s9], [sflag:$0x1] =	stream.indirect_vreg.gather @!p0 [hbm4b:s2+s6], $0x80, v1, vm1, $0xb8  }
0xe6: {  	s9 =	simm.s32 @!p0 $0xA80  }
0xe7: {  	[tilespmem:s9], [sflag:$0x1] =	stream.indirect_vreg.gather @!p0 [hbm4b:s7+s6], $0x80, v1, vm1, $0xb8;
	[tilespmem:$0x10280] =	vst v63  }
0xe8: {  	s9 =	simm.s32 @!p0 $0x1280  }
0xe9: {  	[tilespmem:s9], [sflag:$0x1] =	stream.indirect_vreg.gather @!p0 [hbm4b:s2+s6], $0x80, v0, vm1, $0xb8;
	[tilespmem:$0x10280] =	vst v63  }
0xea: {  	s9 =	simm.s32 @!p0 $0x1A80  }
0xeb: {  	[tilespmem:s9], [sflag:$0x1] =	stream.indirect_vreg.gather @!p0 [hbm4b:s7+s6], $0x80, v0, vm1, $0xb8;
	[tilespmem:$0x10280] =	vst v63  }
0xec: {  	s9 =	sadd.s32 @!p0 $0x40, s26  }
0xed: {  	s9 =	sadd.s32 @!p0 s5, s9  }
0xee: {  	v0 =	vsub.f32 v44, v45;
	s9 =	sshll.u32 @!p0 s9, $0x6  }
0xef: {  	s23 =	simm.s32 @!p0 $0x8280;
	[tilespmem:$0x1FFC0] =	vst v36;
	s9 =	sadd.s32 @!p0 s1, s9  }
0xf0: {  	v42 =	vsub.f32 v42, v43;
	v0 =	vmul.f32 v0, v0;
	[tilespmem:s23], [sflag:$0x5] =	stream.linear.gather @!p0 [hbm4b:s9+s6], $0x2000, $0x38;
	[tilespmem:$0x10280] =	vst v63  }
0xf1: {  	_ =	swait.ge [sflag:s17], $0x2000  }
0xf2: {  	v40 =	vsub.f32 v3, v40;
	v42 =	vmul.f32 v42, v42;
	v0 =	vadd.f32 v0, v5;
	[sflag:s17] =	ssyncset.done $0x0  }
0xf3: {  	v31 =	vsub.f32 v9, v31;
	v49 =	vsub.f32 v48, v49;
	[sflag:s17] =	ssyncadd.s32 $0xFFFFE000  }
0xf4: {  	v6 =	vsub.f32 v6, v10;
	v40 =	vmul.f32 v40, v40;
	v0 =	vadd.f32 v42, v0;
	_ =	swait.ge [sflag:s18], $0x2000  }
0xf5: {  	v43 =	vmul.f32 v49, v49;
	v49 =	vsub.f32 v57, v58;
	v58 =	vsub.f32 v16, v18;
	v18 =	vld [tilespmem:$0x1FF80]  }
0xf6: {  	v31 =	vmul.f32 v31, v31;
	v1 =	vsub.f32 v46, v47;
	v0 =	vadd.f32 v40, v0;
	v10 =	vld [tilespmem:$0x1FFA0]  }
0xf7: {  	s29 =	simm.s32 $0x0;
	v53 =	vsub.f32 v53, v54;
	v2 =	vsub.f32 v63, v2;
	v63 =	vld [tilespmem:$0x1FFB0]  }
0xf8: {  	v8 =	vsub.f32 v4, v8;
	v1 =	vmul.f32 v1, v1;
	s9 =	sand.u32 $0x1000, s29;
	s23 =	sand.u32 $0x380, s29;
	[sflag:s18] =	ssyncset.done $0x0;
	v4 =	vld [tilespmem:$0x1FFC0];
	v0 =	vadd.f32 v31, v0  }
0xf9: {  	s28 =	sor.u32 s23, s9;
	[sflag:s18] =	ssyncadd.s32 $0xFFFFE000;
	v31 =	vmul.f32 v53, v53;
	v53 =	vsub.f32 v61, v62;
	v61 =	vsub.f32 v12, v14;
	v12 =	vld [tilespmem:$0x1FF90]  }
0xfa: {  	v41 =	vsub.f32 v41, v50;
	v1 =	vadd.f32 v1, v7;
	v3 =	vld [tilespmem:s28+$0xAEE0]  }
0xfb: {  	v5 =	vld [tilespmem:s28+$0x2EE0]  }
0xfc: {  	v51 =	vsub.f32 v51, v52;
	v41 =	vmul.f32 v41, v41;
	v1 =	vadd.f32 v43, v1;
	v7 =	vld [tilespmem:s28+$0xAEC0]  }
0xfd: {  	v9 =	vld [tilespmem:s28+$0x2EC0]  }
0xfe: {  	v52 =	vsub.f32 v11, v13;
	v54 =	vmul.f32 v51, v51;
	v1 =	vadd.f32 v41, v1;
	v11 =	vld [tilespmem:s28+$0xAEA0]  }
0xff: {  	v35 =	vsub.f32 v15, v17;
	v13 =	vld [tilespmem:s28+$0x2EA0]  }
0x100: {  	v36 =	vsub.f32 v55, v56;
	v1 =	vadd.f32 v54, v1;
	v15 =	vld [tilespmem:s28+$0xAE80]  }
0x101: {  	v42 =	vmul.f32 v52, v52;
	v17 =	vld [tilespmem:s28+$0x2E80]  }
0x102: {  	v48 =	vsub.f32 v19, v21;
	v19 =	vld [tilespmem:s28+$0xAAE0];
	v1 =	vadd.f32 v31, v1;
	v31 =	vmul.f32 v36, v36  }
0x103: {  	v50 =	vsub.f32 v23, v25;
	v41 =	vmul.f32 v35, v35;
	v21 =	vld [tilespmem:s28+$0x2AE0];
	v0 =	vadd.f32 v42, v0  }
0x104: {  	v51 =	vsub.f32 v59, v60;
	v23 =	vld [tilespmem:s28+$0xAAC0];
	v1 =	vadd.f32 v31, v1;
	v31 =	vmul.f32 v49, v49  }
0x105: {  	v40 =	vmul.f32 v48, v48;
	v25 =	vld [tilespmem:s28+$0x2AC0];
	v0 =	vadd.f32 v41, v0  }
0x106: {  	v52 =	vsub.f32 v27, v29;
	v27 =	vld [tilespmem:s28+$0xAAA0];
	v1 =	vadd.f32 v31, v1;
	v31 =	vmul.f32 v51, v51  }
0x107: {  	v29 =	vld [tilespmem:s28+$0x2AA0];
	v42 =	vmul.f32 v50, v50;
	v0 =	vadd.f32 v40, v0  }
0x108: {  	v54 =	vsub.f32 v28, v30;
	v28 =	vld [tilespmem:s28+$0xAA80];
	v1 =	vadd.f32 v31, v1;
	v31 =	vmul.f32 v53, v53  }
0x109: {  	v30 =	vld [tilespmem:s28+$0x2A80];
	v0 =	vadd.f32 v42, v0  }
0x10a: {  	v41 =	vmul.f32 v52, v52;
	v1 =	vadd.f32 v31, v1;
	v31 =	vsub.f32 v20, v22;
	v22 =	vld [tilespmem:$0x1FF70]  }
0x10b: {  	v55 =	vsub.f32 v24, v26;
	v24 =	vld [tilespmem:s28+$0xA6E0]  }
0x10c: {  	v56 =	vmul.f32 v54, v54;
	v26 =	vld [tilespmem:s28+$0x26E0];
	v0 =	vadd.f32 v41, v0  }
0x10d: {  	v34 =	vsub.f32 v37, v34;
	v2 =	vmul.f32 v2, v2;
	v16 =	vld [tilespmem:s28+$0xA6A0]  }
0x10e: {  	v57 =	vmul.f32 v55, v55;
	v14 =	vld [tilespmem:s28+$0xA2E0];
	v0 =	vadd.f32 v56, v0  }
0x10f: {  	v43 =	vld [tilespmem:s28+$0xA280];
	v1 =	vadd.f32 v2, v1;
	v2 =	vmul.f32 v34, v34;
	v38 =	vsub.f32 v22, v38  }
0x110: {  	v44 =	vld [tilespmem:s28+$0x2280];
	v59 =	vsub.f32 v18, v39;
	v35 =	vsub.f32 v10, v63;
	v60 =	vmul.f32 v31, v31  }
0x111: {  	v18 =	vld [tilespmem:s28+$0x26A0];
	v0 =	vadd.f32 v57, v0;
	v1 =	vadd.f32 v2, v1;
	v2 =	vmul.f32 v38, v38  }
0x112: {  	v10 =	vld [tilespmem:s28+$0x22E0];
	v32 =	vsub.f32 v4, v32;
	v33 =	vsub.f32 v12, v33;
	v34 =	vmul.f32 v58, v58  }
0x113: {  	v4 =	vld [tilespmem:s28+$0x22C0];
	v0 =	vadd.f32 v60, v0;
	v1 =	vadd.f32 v2, v1;
	v2 =	vmul.f32 v59, v59  }
0x114: {  	v62 =	vmul.f32 v61, v61;
	v12 =	vld [tilespmem:s28+$0x2680]  }
0x115: {  	v42 =	vld [tilespmem:s28+$0x22A0];
	v0 =	vadd.f32 v34, v0;
	v1 =	vadd.f32 v2, v1;
	v2 =	vmul.f32 v33, v33  }
0x116: {  	v6 =	vmul.f32 v6, v6;
	v20 =	vld [tilespmem:s28+$0xA6C0]  }
0x117: {  	v41 =	vld [tilespmem:s28+$0xA2A0];
	v0 =	vadd.f32 v62, v0;
	v1 =	vadd.f32 v2, v1;
	v2 =	vmul.f32 v35, v35  }
0x118: {  	v8 =	vmul.f32 v8, v8;
	v31 =	vld [tilespmem:s28+$0xA680]  }
0x119: {  	v22 =	vld [tilespmem:s28+$0x26C0];
	v0 =	vadd.f32 v6, v0;
	v1 =	vadd.f32 v2, v1;
	v2 =	vmul.f32 v32, v32  }
0x11a: {  	v38 =	vld [tilespmem:s28+$0xA2D0]  }
0x11b: {  	s23 =	simm.s32 $0x200;
	v33 =	vld [tilespmem:s28+$0xA2C0];
	v6 =	vadd.f32 v8, v0;
	v8 =	vadd.f32 v2, v1  }
.LBB2_5:
0x11c: {  	p1 =	sne.s32 s23, $0x1E00;
	v0 =	vld [tilespmem:s28+$0xA290]  }
0x11d: {  	v1 =	vld [tilespmem:s28+$0x2290]  }
0x11e: {  	v2 =	vld [tilespmem:s28+$0xA2B0]  }
0x11f: {  	v32 =	vld [tilespmem:s28+$0x22B0]  }
0x120: {  	v34 =	vld [tilespmem:s28+$0x22D0]  }
0x121: {  	v35 =	vld [tilespmem:s28+$0xA2F0]  }
0x122: {  	v36 =	vsub.f32 v43, v44;
	v0 =	vsub.f32 v0, v1;
	v1 =	vld [tilespmem:s28+$0x22F0]  }
0x123: {  	v37 =	vsub.f32 v41, v42;
	v39 =	vld [tilespmem:s28+$0xA690]  }
0x124: {  	v36 =	vmul.f32 v36, v36;
	v0 =	vmul.f32 v0, v0;
	v2 =	vsub.f32 v2, v32;
	v32 =	vld [tilespmem:s28+$0x2690]  }
0x125: {  	v4 =	vsub.f32 v33, v4;
	v37 =	vmul.f32 v37, v37;
	v33 =	vsub.f32 v38, v34;
	v34 =	vld [tilespmem:s28+$0xA6B0]  }
0x126: {  	v6 =	vadd.f32 v36, v6;
	v0 =	vadd.f32 v0, v8;
	v2 =	vmul.f32 v2, v2;
	v8 =	vld [tilespmem:s28+$0x26B0]  }
0x127: {  	v10 =	vsub.f32 v14, v10;
	v4 =	vmul.f32 v4, v4;
	v1 =	vsub.f32 v35, v1;
	v14 =	vld [tilespmem:s28+$0xA6D0]  }
0x128: {  	v6 =	vadd.f32 v37, v6;
	v0 =	vadd.f32 v2, v0;
	v2 =	vmul.f32 v33, v33;
	v33 =	vld [tilespmem:s28+$0x26D0]  }
0x129: {  	v12 =	vsub.f32 v31, v12;
	v10 =	vmul.f32 v10, v10;
	v31 =	vsub.f32 v39, v32;
	v32 =	vld [tilespmem:s28+$0xA6F0]  }
0x12a: {  	v4 =	vadd.f32 v4, v6;
	v1 =	vmul.f32 v1, v1;
	v0 =	vadd.f32 v2, v0;
	v2 =	vld [tilespmem:s28+$0x26F0]  }
0x12b: {  	v6 =	vmul.f32 v12, v12;
	v12 =	vsub.f32 v16, v18;
	v8 =	vsub.f32 v34, v8;
	v16 =	vld [tilespmem:s28+$0xAA90]  }
0x12c: {  	v4 =	vadd.f32 v10, v4;
	v0 =	vadd.f32 v1, v0;
	v1 =	vmul.f32 v31, v31;
	v10 =	vld [tilespmem:s28+$0x2A90]  }
0x12d: {  	v18 =	vsub.f32 v20, v22;
	v12 =	vmul.f32 v12, v12;
	v14 =	vsub.f32 v14, v33;
	v20 =	vld [tilespmem:s28+$0xAAB0]  }
0x12e: {  	v4 =	vadd.f32 v6, v4;
	v0 =	vadd.f32 v1, v0;
	v1 =	vmul.f32 v8, v8;
	v6 =	vld [tilespmem:s28+$0x2AB0]  }
0x12f: {  	v8 =	vmul.f32 v18, v18;
	v18 =	vsub.f32 v24, v26;
	v2 =	vsub.f32 v32, v2;
	v22 =	vld [tilespmem:s28+$0xAAD0]  }
0x130: {  	v4 =	vadd.f32 v12, v4;
	v0 =	vadd.f32 v1, v0;
	v1 =	vmul.f32 v14, v14;
	v12 =	vld [tilespmem:s28+$0x2AD0]  }
0x131: {  	v14 =	vmul.f32 v18, v18;
	v18 =	vsub.f32 v28, v30;
	v10 =	vsub.f32 v16, v10;
	v16 =	vld [tilespmem:s28+$0xAAF0]  }
0x132: {  	v4 =	vadd.f32 v8, v4;
	v0 =	vadd.f32 v1, v0;
	v1 =	vmul.f32 v2, v2;
	v2 =	vld [tilespmem:s28+$0x2AF0]  }
0x133: {  	v8 =	vmul.f32 v18, v18;
	v18 =	vsub.f32 v27, v29;
	v6 =	vsub.f32 v20, v6;
	v20 =	vld [tilespmem:s28+$0xAE90]  }
0x134: {  	v4 =	vadd.f32 v14, v4;
	v0 =	vadd.f32 v1, v0;
	v1 =	vmul.f32 v10, v10;
	v10 =	vld [tilespmem:s28+$0x2E90]  }
0x135: {  	v14 =	vmul.f32 v18, v18;
	v18 =	vsub.f32 v23, v25;
	v12 =	vsub.f32 v22, v12;
	v22 =	vld [tilespmem:s28+$0xAEB0]  }
0x136: {  	v4 =	vadd.f32 v8, v4;
	v0 =	vadd.f32 v1, v0;
	v1 =	vmul.f32 v6, v6;
	v6 =	vld [tilespmem:s28+$0x2EB0]  }
0x137: {  	v8 =	vmul.f32 v18, v18;
	v18 =	vsub.f32 v19, v21;
	v2 =	vsub.f32 v16, v2;
	v16 =	vld [tilespmem:s28+$0xAED0]  }
0x138: {  	s29 =	sadd.s32 $0x80, s29;
	v4 =	vadd.f32 v14, v4;
	v0 =	vadd.f32 v1, v0;
	v1 =	vmul.f32 v12, v12;
	v12 =	vld [tilespmem:s28+$0x2ED0]  }
0x139: {  	s6 =	sand.u32 $0x1000, s23;
	v15 =	vsub.f32 v15, v17;
	s9 =	sand.u32 $0x380, s29;
	v14 =	vmul.f32 v18, v18;
	v10 =	vsub.f32 v20, v10;
	v17 =	vld [tilespmem:s28+$0xAEF0]  }
0x13a: {  	v4 =	vadd.f32 v8, v4;
	v0 =	vadd.f32 v1, v0;
	v1 =	vmul.f32 v2, v2;
	v2 =	vld [tilespmem:s28+$0x2EF0];
	s28 =	sor.u32 s9, s6  }
0x13b: {  	v11 =	vsub.f32 v11, v13;
	v15 =	vmul.f32 v15, v15;
	v8 =	vld [tilespmem:s28+$0xAEE0];
	v6 =	vsub.f32 v22, v6  }
0x13c: {  	v4 =	vadd.f32 v14, v4;
	v18 =	vld [tilespmem:s28+$0x2EE0];
	v0 =	vadd.f32 v1, v0;
	v1 =	vmul.f32 v10, v10  }
0x13d: {  	v13 =	vsub.f32 v7, v9;
	v10 =	vmul.f32 v11, v11;
	v7 =	vld [tilespmem:s28+$0xAEC0];
	v12 =	vsub.f32 v16, v12  }
0x13e: {  	v4 =	vadd.f32 v15, v4;
	v9 =	vld [tilespmem:s28+$0x2EC0];
	v0 =	vadd.f32 v1, v0;
	v1 =	vmul.f32 v6, v6  }
0x13f: {  	v14 =	vsub.f32 v3, v5;
	v6 =	vmul.f32 v13, v13;
	v11 =	vld [tilespmem:s28+$0xAEA0];
	v2 =	vsub.f32 v17, v2  }
0x140: {  	v4 =	vadd.f32 v10, v4;
	v13 =	vld [tilespmem:s28+$0x2EA0];
	v0 =	vadd.f32 v1, v0;
	v1 =	vmul.f32 v12, v12;
	v3 =	vmovc v8  }
0x141: {  	v8 =	vmul.f32 v14, v14;
	v15 =	vld [tilespmem:s28+$0xAE80];
	v5 =	vmov v18  }
0x142: {  	v4 =	vadd.f32 v6, v4;
	v17 =	vld [tilespmem:s28+$0x2E80];
	v0 =	vadd.f32 v1, v0;
	v1 =	vmul.f32 v2, v2  }
0x143: {  	v19 =	vld [tilespmem:s28+$0xAAE0]  }
0x144: {  	v6 =	vadd.f32 v8, v4;
	v21 =	vld [tilespmem:s28+$0x2AE0];
	v8 =	vadd.f32 v1, v0  }
0x145: {  	v23 =	vld [tilespmem:s28+$0xAAC0]  }
0x146: {  	v25 =	vld [tilespmem:s28+$0x2AC0]  }
0x147: {  	v27 =	vld [tilespmem:s28+$0xAAA0]  }
0x148: {  	v29 =	vld [tilespmem:s28+$0x2AA0]  }
0x149: {  	v28 =	vld [tilespmem:s28+$0xAA80]  }
0x14a: {  	v30 =	vld [tilespmem:s28+$0x2A80]  }
0x14b: {  	v24 =	vld [tilespmem:s28+$0xA6E0]  }
0x14c: {  	v26 =	vld [tilespmem:s28+$0x26E0]  }
0x14d: {  	v20 =	vld [tilespmem:s28+$0xA6C0]  }
0x14e: {  	v22 =	vld [tilespmem:s28+$0x26C0]  }
0x14f: {  	v16 =	vld [tilespmem:s28+$0xA6A0]  }
0x150: {  	v18 =	vld [tilespmem:s28+$0x26A0]  }
0x151: {  	v31 =	vld [tilespmem:s28+$0xA680]  }
0x152: {  	v12 =	vld [tilespmem:s28+$0x2680]  }
0x153: {  	v14 =	vld [tilespmem:s28+$0xA2E0]  }
0x154: {  	v10 =	vld [tilespmem:s28+$0x22E0]  }
0x155: {  	v33 =	vld [tilespmem:s28+$0xA2C0]  }
0x156: {  	v4 =	vld [tilespmem:s28+$0x22C0]  }
.Ltmp1:
0x157: {  	v38 =	vld [tilespmem:s28+$0xA2D0];
	(pc) =	sbr.rel @p1 .LBB2_5-.Ltmp1, $4  }
0x158: {  	v41 =	vld [tilespmem:s28+$0xA2A0]  }
0x159: {  	v42 =	vld [tilespmem:s28+$0x22A0]  }
0x15a: {  	v43 =	vld [tilespmem:s28+$0xA280]  }
0x15b: {  	s23 =	sadd.s32 $0x200, s23;
	v44 =	vld [tilespmem:s28+$0x2280]  }
0x15c: {  	v35 =	vld [tilespmem:s28+$0xA290]  }
0x15d: {  	v2 =	vld [tilespmem:s28+$0x2290]  }
0x15e: {  	v39 =	vld [tilespmem:s28+$0xA2B0]  }
0x15f: {  	v45 =	vld [tilespmem:s28+$0x22B0]  }
0x160: {  	v46 =	vld [tilespmem:s28+$0x22D0]  }
0x161: {  	v47 =	vld [tilespmem:s28+$0xA2F0]  }
0x162: {  	v48 =	vld [tilespmem:s28+$0x22F0]  }
0x163: {  	v49 =	vld [tilespmem:s28+$0xA690]  }
0x164: {  	v50 =	vld [tilespmem:s28+$0x2690]  }
0x165: {  	v51 =	vld [tilespmem:s28+$0xA6B0]  }
0x166: {  	v52 =	vld [tilespmem:s28+$0x26B0]  }
0x167: {  	v53 =	vld [tilespmem:s28+$0xA6D0]  }
0x168: {  	v54 =	vld [tilespmem:s28+$0x26D0]  }
0x169: {  	v55 =	vld [tilespmem:s28+$0xA6F0]  }
0x16a: {  	v0 =	vld [tilespmem:s28+$0xAAF0]  }
0x16b: {  	v56 =	vld [tilespmem:s28+$0x26F0]  }
0x16c: {  	v32 =	vld @!p0 [tilespmem:s26+$0x50]  }
0x16d: {  	v57 =	vld [tilespmem:s28+$0xAA90]  }
0x16e: {  	v58 =	vld [tilespmem:s28+$0x2A90]  }
0x16f: {  	[tilespmem:$0x1FF10] =	vst v0;
	v0 =	vld [tilespmem:s28+$0xAE90]  }
0x170: {  	v59 =	vld [tilespmem:s28+$0xAAB0]  }
0x171: {  	v1 =	vld [tilespmem:s28+$0xAEB0];
	v34 =	vshll.u32 @!p0 v32, $0x2  }
0x172: {  	v60 =	vld [tilespmem:s28+$0x2AB0];
	v36 =	vlaneseq.u32 @!p0;
	v32 =	vand.u32 @!p0 $0x7, v32;
	v34 =	vand.u32 @!p0 $0xFFFFFFE0, v34  }
0x173: {  	v61 =	vld [tilespmem:s28+$0xAAD0];
	v37 =	vshrl.u32 @!p0 v36, $0x3;
	v34 =	vor.u32 @!p0 v32, v34;
	v32 =	vand.u32 @!p0 $0x7, v36  }
0x174: {  	v62 =	vld [tilespmem:s28+$0x2AD0];
	v32 =	vperm.xlane @!p0 v34, v32;
	[tilespmem:$0x1FF20] =	vst v0;
	v0 =	vmul.u32 @!p0 $0x8, v37  }
0x175: {  	v40 =	vld [tilespmem:s28+$0x2AF0];
	v36 =	vor.u32 @!p0 $0x8, v36  }
0x176: {  	[tilespmem:$0x1FF30] =	vst v1;
	v34 =	vperm.xlane @!p0 v34, v36;
	v36 =	vld [tilespmem:s28+$0x2ED0];
	v1 =	vadd.s32 @!p0 v0, v32  }
0x177: {  	v63 =	vld [tilespmem:s28+$0x2E90]  }
0x178: {  	v37 =	vld [tilespmem:s28+$0xAED0]  }
0x179: {  	v32 =	vld [tilespmem:s28+$0x2EB0]  }
0x17a: {  	s6 =	simm.s32 @!p0 $0x0;
	s9 =	simm.s32 @!p0 $0x2280;
	v0 =	vadd.s32 @!p0 v0, v34;
	v34 =	vld [tilespmem:s28+$0x2EF0]  }
0x17b: {  	[tilespmem:$0x1FF50] =	vst v36;
	v36 =	vld [tilespmem:s28+$0xAEF0];
	[tilespmem:s9], [sflag:$0x2] =	stream.indirect_vreg.gather @!p0 [hbm4b:s2+s6], $0x80, v1, vm1, $0xb8  }
0x17c: {  	s9 =	simm.s32 @!p0 $0x2A80  }
0x17d: {  	[tilespmem:s9], [sflag:$0x2] =	stream.indirect_vreg.gather @!p0 [hbm4b:s7+s6], $0x80, v1, vm1, $0xb8;
	[tilespmem:$0x10280] =	vst v63  }
0x17e: {  	s9 =	simm.s32 @!p0 $0x3280  }
0x17f: {  	[tilespmem:s9], [sflag:$0x2] =	stream.indirect_vreg.gather @!p0 [hbm4b:s2+s6], $0x80, v0, vm1, $0xb8;
	[tilespmem:$0x10280] =	vst v63  }
0x180: {  	s9 =	simm.s32 @!p0 $0x3A80  }
0x181: {  	[tilespmem:s9], [sflag:$0x2] =	stream.indirect_vreg.gather @!p0 [hbm4b:s7+s6], $0x80, v0, vm1, $0xb8;
	[tilespmem:$0x10280] =	vst v63  }
0x182: {  	s9 =	sadd.s32 @!p0 $0x50, s26  }
0x183: {  	s9 =	sadd.s32 @!p0 s5, s9  }
0x184: {  	[tilespmem:$0x1FF40] =	vst v37;
	s9 =	sshll.u32 @!p0 s9, $0x6  }
0x185: {  	s23 =	simm.s32 @!p0 $0xA280;
	[tilespmem:$0x1FF60] =	vst v36;
	s9 =	sadd.s32 @!p0 s1, s9  }
0x186: {  	[tilespmem:s23], [sflag:$0x6] =	stream.linear.gather @!p0 [hbm4b:s9+s6], $0x2000, $0x38;
	[tilespmem:$0x10280] =	vst v63  }
0x187: {  	v38 =	vsub.f32 v38, v46;
	v46 =	vsub.f32 v51, v52;
	_ =	swait.ge [sflag:s19], $0x2000  }
0x188: {  	v51 =	vsub.f32 v57, v58;
	v57 =	vsub.f32 v15, v17;
	[sflag:s19] =	ssyncset.done $0x0  }
0x189: {  	v1 =	vsub.f32 v35, v2;
	v2 =	vsub.f32 v41, v42;
	[sflag:s19] =	ssyncadd.s32 $0xFFFFE000  }
0x18a: {  	v0 =	vsub.f32 v43, v44;
	v43 =	vsub.f32 v49, v50;
	_ =	swait.ge [sflag:s20], $0x2000  }
0x18b: {  	v49 =	vsub.f32 v55, v56;
	v55 =	vsub.f32 v19, v21;
	v21 =	vld [tilespmem:$0x1FF10]  }
0x18c: {  	v42 =	vsub.f32 v47, v48;
	v48 =	vsub.f32 v53, v54;
	v17 =	vld [tilespmem:$0x1FF20]  }
0x18d: {  	v53 =	vsub.f32 v59, v60;
	v59 =	vsub.f32 v11, v13;
	v11 =	vld [tilespmem:$0x1FF30]  }
0x18e: {  	s29 =	simm.s32 $0x0;
	v7 =	vsub.f32 v7, v9;
	v9 =	vld [tilespmem:$0x1FF40]  }
0x18f: {  	v54 =	vsub.f32 v61, v62;
	s9 =	sand.u32 $0x1000, s29;
	s23 =	sand.u32 $0x380, s29;
	[sflag:s20] =	ssyncset.done $0x0;
	v61 =	vld [tilespmem:$0x1FF50]  }
0x190: {  	v5 =	vsub.f32 v3, v5;
	v0 =	vmul.f32 v0, v0;
	s28 =	sor.u32 s23, s9;
	v3 =	vld [tilespmem:$0x1FF60];
	[sflag:s20] =	ssyncadd.s32 $0xFFFFE000  }
0x191: {  	v33 =	vsub.f32 v33, v4;
	v41 =	vsub.f32 v39, v45;
	v1 =	vmul.f32 v1, v1;
	v4 =	vld [tilespmem:s28+$0xCEE0]  }
0x192: {  	v0 =	vadd.f32 v0, v6;
	v6 =	vld [tilespmem:s28+$0x4EE0]  }
0x193: {  	v2 =	vmul.f32 v2, v2;
	v35 =	vmul.f32 v41, v41;
	v1 =	vadd.f32 v1, v8;
	v8 =	vld [tilespmem:s28+$0xCEC0]  }
0x194: {  	v14 =	vsub.f32 v14, v10;
	v31 =	vsub.f32 v31, v12;
	v33 =	vmul.f32 v33, v33;
	v10 =	vld [tilespmem:s28+$0x4EC0]  }
0x195: {  	v1 =	vadd.f32 v35, v1;
	v0 =	vadd.f32 v2, v0;
	v2 =	vmul.f32 v38, v38;
	v12 =	vld [tilespmem:s28+$0xCEA0]  }
0x196: {  	v45 =	vsub.f32 v16, v18;
	v44 =	vmul.f32 v14, v14;
	v14 =	vld [tilespmem:s28+$0x4EA0]  }
0x197: {  	v0 =	vadd.f32 v33, v0;
	v1 =	vadd.f32 v2, v1;
	v2 =	vmul.f32 v42, v42;
	v16 =	vld [tilespmem:s28+$0xCE80]  }
0x198: {  	v31 =	vmul.f32 v31, v31;
	v47 =	vsub.f32 v20, v22;
	v18 =	vld [tilespmem:s28+$0x4E80]  }
0x199: {  	v0 =	vadd.f32 v44, v0;
	v1 =	vadd.f32 v2, v1;
	v2 =	vmul.f32 v43, v43;
	v20 =	vld [tilespmem:s28+$0xCAE0]  }
0x19a: {  	v50 =	vsub.f32 v28, v30;
	v33 =	vmul.f32 v45, v45;
	v22 =	vld [tilespmem:s28+$0x4AE0]  }
0x19b: {  	v28 =	vld [tilespmem:s28+$0xCAA0];
	v0 =	vadd.f32 v31, v0;
	v1 =	vadd.f32 v2, v1;
	v2 =	vmul.f32 v46, v46  }
0x19c: {  	v52 =	vsub.f32 v27, v29;
	v35 =	vmul.f32 v47, v47;
	v30 =	vld [tilespmem:s28+$0x4AA0];
	v31 =	vsub.f32 v24, v26  }
0x19d: {  	v27 =	vld [tilespmem:s28+$0xCA80];
	v0 =	vadd.f32 v33, v0;
	v1 =	vadd.f32 v2, v1;
	v2 =	vmul.f32 v48, v48  }
0x19e: {  	v29 =	vld [tilespmem:s28+$0x4A80];
	v31 =	vmul.f32 v31, v31  }
0x19f: {  	v19 =	vld [tilespmem:s28+$0xC6C0];
	v0 =	vadd.f32 v35, v0;
	v1 =	vadd.f32 v2, v1;
	v2 =	vmul.f32 v49, v49  }
0x1a0: {  	v15 =	vld [tilespmem:s28+$0xC6A0];
	v33 =	vmul.f32 v50, v50  }
0x1a1: {  	v13 =	vld [tilespmem:s28+$0xC2E0];
	v0 =	vadd.f32 v31, v0;
	v1 =	vadd.f32 v2, v1;
	v2 =	vmul.f32 v51, v51  }
0x1a2: {  	v38 =	vld [tilespmem:s28+$0xC2D0];
	v35 =	vmul.f32 v52, v52;
	v31 =	vsub.f32 v23, v25  }
0x1a3: {  	v41 =	vld [tilespmem:s28+$0xC2A0];
	v0 =	vadd.f32 v33, v0;
	v1 =	vadd.f32 v2, v1;
	v2 =	vmul.f32 v53, v53  }
0x1a4: {  	v42 =	vld [tilespmem:s28+$0x42A0];
	v56 =	vsub.f32 v21, v40;
	v31 =	vmul.f32 v31, v31  }
0x1a5: {  	v43 =	vld [tilespmem:s28+$0xC280];
	v0 =	vadd.f32 v35, v0;
	v1 =	vadd.f32 v2, v1;
	v2 =	vmul.f32 v54, v54  }
0x1a6: {  	v44 =	vld [tilespmem:s28+$0x4280];
	v58 =	vsub.f32 v17, v63;
	v33 =	vmul.f32 v55, v55  }
0x1a7: {  	v24 =	vld [tilespmem:s28+$0xCAC0];
	v0 =	vadd.f32 v31, v0;
	v1 =	vadd.f32 v2, v1;
	v2 =	vmul.f32 v56, v56  }
0x1a8: {  	v26 =	vld [tilespmem:s28+$0x4AC0];
	v32 =	vsub.f32 v11, v32;
	v35 =	vmul.f32 v57, v57  }
0x1a9: {  	v21 =	vld [tilespmem:s28+$0x46C0];
	v0 =	vadd.f32 v33, v0;
	v1 =	vadd.f32 v2, v1;
	v2 =	vmul.f32 v58, v58  }
0x1aa: {  	v60 =	vmul.f32 v59, v59;
	v17 =	vld [tilespmem:s28+$0x46A0];
	v62 =	vsub.f32 v9, v61  }
0x1ab: {  	v11 =	vld [tilespmem:s28+$0x4680];
	v0 =	vadd.f32 v35, v0;
	v1 =	vadd.f32 v2, v1;
	v2 =	vmul.f32 v32, v32  }
0x1ac: {  	v7 =	vmul.f32 v7, v7;
	v9 =	vld [tilespmem:s28+$0x42E0];
	v63 =	vsub.f32 v3, v34  }
0x1ad: {  	v3 =	vld [tilespmem:s28+$0x42C0];
	v0 =	vadd.f32 v60, v0;
	v1 =	vadd.f32 v2, v1;
	v2 =	vmul.f32 v62, v62  }
0x1ae: {  	v5 =	vmul.f32 v5, v5;
	v23 =	vld [tilespmem:s28+$0xC6E0]  }
0x1af: {  	v25 =	vld [tilespmem:s28+$0x46E0];
	v0 =	vadd.f32 v7, v0;
	v1 =	vadd.f32 v2, v1;
	v2 =	vmul.f32 v63, v63  }
0x1b0: {  	v31 =	vld [tilespmem:s28+$0xC680]  }
0x1b1: {  	s23 =	simm.s32 $0x200;
	v33 =	vld [tilespmem:s28+$0xC2C0];
	v5 =	vadd.f32 v5, v0;
	v7 =	vadd.f32 v2, v1  }
.LBB2_7:
0x1b2: {  	p1 =	sne.s32 s23, $0x1E00;
	v0 =	vld [tilespmem:s28+$0xC290]  }
0x1b3: {  	v1 =	vld [tilespmem:s28+$0x4290]  }
0x1b4: {  	v2 =	vld [tilespmem:s28+$0xC2B0]  }
0x1b5: {  	v32 =	vld [tilespmem:s28+$0x42B0]  }
0x1b6: {  	v34 =	vld [tilespmem:s28+$0x42D0]  }
0x1b7: {  	v35 =	vld [tilespmem:s28+$0xC2F0]  }
0x1b8: {  	v36 =	vsub.f32 v43, v44;
	v0 =	vsub.f32 v0, v1;
	v1 =	vld [tilespmem:s28+$0x42F0]  }
0x1b9: {  	v37 =	vsub.f32 v41, v42;
	v39 =	vld [tilespmem:s28+$0xC690]  }
0x1ba: {  	v36 =	vmul.f32 v36, v36;
	v0 =	vmul.f32 v0, v0;
	v2 =	vsub.f32 v2, v32;
	v32 =	vld [tilespmem:s28+$0x4690]  }
0x1bb: {  	v3 =	vsub.f32 v33, v3;
	v37 =	vmul.f32 v37, v37;
	v33 =	vsub.f32 v38, v34;
	v34 =	vld [tilespmem:s28+$0xC6B0]  }
0x1bc: {  	v5 =	vadd.f32 v36, v5;
	v0 =	vadd.f32 v0, v7;
	v2 =	vmul.f32 v2, v2;
	v7 =	vld [tilespmem:s28+$0x46B0]  }
0x1bd: {  	v9 =	vsub.f32 v13, v9;
	v3 =	vmul.f32 v3, v3;
	v1 =	vsub.f32 v35, v1;
	v13 =	vld [tilespmem:s28+$0xC6D0]  }
0x1be: {  	v5 =	vadd.f32 v37, v5;
	v0 =	vadd.f32 v2, v0;
	v2 =	vmul.f32 v33, v33;
	v33 =	vld [tilespmem:s28+$0x46D0]  }
0x1bf: {  	v11 =	vsub.f32 v31, v11;
	v9 =	vmul.f32 v9, v9;
	v31 =	vsub.f32 v39, v32;
	v32 =	vld [tilespmem:s28+$0xC6F0]  }
0x1c0: {  	v3 =	vadd.f32 v3, v5;
	v1 =	vmul.f32 v1, v1;
	v0 =	vadd.f32 v2, v0;
	v2 =	vld [tilespmem:s28+$0x46F0]  }
0x1c1: {  	v5 =	vmul.f32 v11, v11;
	v11 =	vsub.f32 v15, v17;
	v7 =	vsub.f32 v34, v7;
	v15 =	vld [tilespmem:s28+$0xCA90]  }
0x1c2: {  	v3 =	vadd.f32 v9, v3;
	v0 =	vadd.f32 v1, v0;
	v1 =	vmul.f32 v31, v31;
	v9 =	vld [tilespmem:s28+$0x4A90]  }
0x1c3: {  	v17 =	vsub.f32 v19, v21;
	v11 =	vmul.f32 v11, v11;
	v13 =	vsub.f32 v13, v33;
	v19 =	vld [tilespmem:s28+$0xCAB0]  }
0x1c4: {  	v3 =	vadd.f32 v5, v3;
	v0 =	vadd.f32 v1, v0;
	v1 =	vmul.f32 v7, v7;
	v5 =	vld [tilespmem:s28+$0x4AB0]  }
0x1c5: {  	v7 =	vmul.f32 v17, v17;
	v17 =	vsub.f32 v23, v25;
	v2 =	vsub.f32 v32, v2;
	v21 =	vld [tilespmem:s28+$0xCAD0]  }
0x1c6: {  	v3 =	vadd.f32 v11, v3;
	v0 =	vadd.f32 v1, v0;
	v1 =	vmul.f32 v13, v13;
	v11 =	vld [tilespmem:s28+$0x4AD0]  }
0x1c7: {  	v13 =	vmul.f32 v17, v17;
	v17 =	vsub.f32 v27, v29;
	v9 =	vsub.f32 v15, v9;
	v15 =	vld [tilespmem:s28+$0xCAF0]  }
0x1c8: {  	v3 =	vadd.f32 v7, v3;
	v0 =	vadd.f32 v1, v0;
	v1 =	vmul.f32 v2, v2;
	v2 =	vld [tilespmem:s28+$0x4AF0]  }
0x1c9: {  	v7 =	vmul.f32 v17, v17;
	v17 =	vsub.f32 v28, v30;
	v5 =	vsub.f32 v19, v5;
	v19 =	vld [tilespmem:s28+$0xCE90]  }
0x1ca: {  	v3 =	vadd.f32 v13, v3;
	v0 =	vadd.f32 v1, v0;
	v1 =	vmul.f32 v9, v9;
	v9 =	vld [tilespmem:s28+$0x4E90]  }
0x1cb: {  	v13 =	vmul.f32 v17, v17;
	v17 =	vsub.f32 v24, v26;
	v11 =	vsub.f32 v21, v11;
	v21 =	vld [tilespmem:s28+$0xCEB0]  }
0x1cc: {  	v3 =	vadd.f32 v7, v3;
	v0 =	vadd.f32 v1, v0;
	v1 =	vmul.f32 v5, v5;
	v5 =	vld [tilespmem:s28+$0x4EB0]  }
0x1cd: {  	v7 =	vmul.f32 v17, v17;
	v17 =	vsub.f32 v20, v22;
	v2 =	vsub.f32 v15, v2;
	v15 =	vld [tilespmem:s28+$0xCED0]  }
0x1ce: {  	s29 =	sadd.s32 $0x80, s29;
	v3 =	vadd.f32 v13, v3;
	v0 =	vadd.f32 v1, v0;
	v1 =	vmul.f32 v11, v11;
	v11 =	vld [tilespmem:s28+$0x4ED0]  }
0x1cf: {  	s6 =	sand.u32 $0x1000, s23;
	v16 =	vsub.f32 v16, v18;
	s9 =	sand.u32 $0x380, s29;
	v13 =	vmul.f32 v17, v17;
	v9 =	vsub.f32 v19, v9;
	v17 =	vld [tilespmem:s28+$0xCEF0]  }
0x1d0: {  	v3 =	vadd.f32 v7, v3;
	v0 =	vadd.f32 v1, v0;
	v1 =	vmul.f32 v2, v2;
	v2 =	vld [tilespmem:s28+$0x4EF0];
	s28 =	sor.u32 s9, s6  }
0x1d1: {  	v12 =	vsub.f32 v12, v14;
	v16 =	vmul.f32 v16, v16;
	v7 =	vld [tilespmem:s28+$0xCEE0];
	v5 =	vsub.f32 v21, v5  }
0x1d2: {  	v3 =	vadd.f32 v13, v3;
	v18 =	vld [tilespmem:s28+$0x4EE0];
	v0 =	vadd.f32 v1, v0;
	v1 =	vmul.f32 v9, v9  }
0x1d3: {  	v13 =	vsub.f32 v8, v10;
	v9 =	vmul.f32 v12, v12;
	v8 =	vld [tilespmem:s28+$0xCEC0];
	v11 =	vsub.f32 v15, v11  }
0x1d4: {  	v3 =	vadd.f32 v16, v3;
	v10 =	vld [tilespmem:s28+$0x4EC0];
	v0 =	vadd.f32 v1, v0;
	v1 =	vmul.f32 v5, v5  }
0x1d5: {  	v5 =	vmul.f32 v13, v13;
	v13 =	vsub.f32 v4, v6;
	v12 =	vld [tilespmem:s28+$0xCEA0];
	v2 =	vsub.f32 v17, v2  }
0x1d6: {  	v3 =	vadd.f32 v9, v3;
	v14 =	vld [tilespmem:s28+$0x4EA0];
	v0 =	vadd.f32 v1, v0;
	v1 =	vmul.f32 v11, v11;
	v4 =	vmovc v7  }
0x1d7: {  	v7 =	vmul.f32 v13, v13;
	v16 =	vld [tilespmem:s28+$0xCE80];
	v6 =	vmov v18  }
0x1d8: {  	v3 =	vadd.f32 v5, v3;
	v18 =	vld [tilespmem:s28+$0x4E80];
	v0 =	vadd.f32 v1, v0;
	v1 =	vmul.f32 v2, v2  }
0x1d9: {  	v20 =	vld [tilespmem:s28+$0xCAE0]  }
0x1da: {  	v5 =	vadd.f32 v7, v3;
	v22 =	vld [tilespmem:s28+$0x4AE0];
	v7 =	vadd.f32 v1, v0  }
0x1db: {  	v24 =	vld [tilespmem:s28+$0xCAC0]  }
0x1dc: {  	v26 =	vld [tilespmem:s28+$0x4AC0]  }
0x1dd: {  	v28 =	vld [tilespmem:s28+$0xCAA0]  }
0x1de: {  	v30 =	vld [tilespmem:s28+$0x4AA0]  }
0x1df: {  	v27 =	vld [tilespmem:s28+$0xCA80]  }
0x1e0: {  	v29 =	vld [tilespmem:s28+$0x4A80]  }
0x1e1: {  	v23 =	vld [tilespmem:s28+$0xC6E0]  }
0x1e2: {  	v25 =	vld [tilespmem:s28+$0x46E0]  }
0x1e3: {  	v19 =	vld [tilespmem:s28+$0xC6C0]  }
0x1e4: {  	v21 =	vld [tilespmem:s28+$0x46C0]  }
0x1e5: {  	v15 =	vld [tilespmem:s28+$0xC6A0]  }
0x1e6: {  	v17 =	vld [tilespmem:s28+$0x46A0]  }
0x1e7: {  	v31 =	vld [tilespmem:s28+$0xC680]  }
0x1e8: {  	v11 =	vld [tilespmem:s28+$0x4680]  }
0x1e9: {  	v13 =	vld [tilespmem:s28+$0xC2E0]  }
0x1ea: {  	v9 =	vld [tilespmem:s28+$0x42E0]  }
0x1eb: {  	v33 =	vld [tilespmem:s28+$0xC2C0]  }
0x1ec: {  	v3 =	vld [tilespmem:s28+$0x42C0]  }
.Ltmp2:
0x1ed: {  	v38 =	vld [tilespmem:s28+$0xC2D0];
	(pc) =	sbr.rel @p1 .LBB2_7-.Ltmp2, $4  }
0x1ee: {  	v41 =	vld [tilespmem:s28+$0xC2A0]  }
0x1ef: {  	v42 =	vld [tilespmem:s28+$0x42A0]  }
0x1f0: {  	v43 =	vld [tilespmem:s28+$0xC280]  }
0x1f1: {  	s23 =	sadd.s32 $0x200, s23;
	v44 =	vld [tilespmem:s28+$0x4280]  }
0x1f2: {  	v35 =	vld [tilespmem:s28+$0xC290]  }
0x1f3: {  	v2 =	vld [tilespmem:s28+$0x4290]  }
0x1f4: {  	v39 =	vld [tilespmem:s28+$0xC2B0]  }
0x1f5: {  	v45 =	vld [tilespmem:s28+$0x42B0]  }
0x1f6: {  	v46 =	vld [tilespmem:s28+$0x42D0]  }
0x1f7: {  	v47 =	vld [tilespmem:s28+$0xC2F0]  }
0x1f8: {  	v48 =	vld [tilespmem:s28+$0x42F0]  }
0x1f9: {  	v49 =	vld [tilespmem:s28+$0xC690]  }
0x1fa: {  	v50 =	vld [tilespmem:s28+$0x4690]  }
0x1fb: {  	v51 =	vld [tilespmem:s28+$0xC6B0]  }
0x1fc: {  	v52 =	vld [tilespmem:s28+$0x46B0]  }
0x1fd: {  	v53 =	vld [tilespmem:s28+$0xC6D0]  }
0x1fe: {  	v54 =	vld [tilespmem:s28+$0x46D0]  }
0x1ff: {  	v55 =	vld [tilespmem:s28+$0xC6F0]  }
0x200: {  	v0 =	vld [tilespmem:s28+$0xCAF0]  }
0x201: {  	v56 =	vld [tilespmem:s28+$0x46F0]  }
0x202: {  	v32 =	vld @!p0 [tilespmem:s26+$0x60]  }
0x203: {  	v57 =	vld [tilespmem:s28+$0xCA90]  }
0x204: {  	v58 =	vld [tilespmem:s28+$0x4A90]  }
0x205: {  	[tilespmem:$0x1FEB0] =	vst v0;
	v0 =	vld [tilespmem:s28+$0xCE90]  }
0x206: {  	v59 =	vld [tilespmem:s28+$0xCAB0]  }
0x207: {  	v1 =	vld [tilespmem:s28+$0xCEB0];
	v34 =	vshll.u32 @!p0 v32, $0x2  }
0x208: {  	v60 =	vld [tilespmem:s28+$0x4AB0];
	v36 =	vlaneseq.u32 @!p0;
	v32 =	vand.u32 @!p0 $0x7, v32;
	v34 =	vand.u32 @!p0 $0xFFFFFFE0, v34  }
0x209: {  	v61 =	vld [tilespmem:s28+$0xCAD0];
	v37 =	vshrl.u32 @!p0 v36, $0x3;
	v34 =	vor.u32 @!p0 v32, v34;
	v32 =	vand.u32 @!p0 $0x7, v36  }
0x20a: {  	v62 =	vld [tilespmem:s28+$0x4AD0];
	v32 =	vperm.xlane @!p0 v34, v32;
	[tilespmem:$0x1FEC0] =	vst v0;
	v0 =	vmul.u32 @!p0 $0x8, v37  }
0x20b: {  	v40 =	vld [tilespmem:s28+$0x4AF0];
	v36 =	vor.u32 @!p0 $0x8, v36  }
0x20c: {  	[tilespmem:$0x1FED0] =	vst v1;
	v34 =	vperm.xlane @!p0 v34, v36;
	v36 =	vld [tilespmem:s28+$0x4ED0];
	v1 =	vadd.s32 @!p0 v0, v32  }
0x20d: {  	v63 =	vld [tilespmem:s28+$0x4E90]  }
0x20e: {  	v37 =	vld [tilespmem:s28+$0xCED0]  }
0x20f: {  	v32 =	vld [tilespmem:s28+$0x4EB0]  }
0x210: {  	s6 =	simm.s32 @!p0 $0x0;
	s9 =	simm.s32 @!p0 $0x4280;
	v0 =	vadd.s32 @!p0 v0, v34;
	v34 =	vld [tilespmem:s28+$0x4EF0]  }
0x211: {  	[tilespmem:$0x1FEF0] =	vst v36;
	v36 =	vld [tilespmem:s28+$0xCEF0];
	[tilespmem:s9], [sflag:$0x3] =	stream.indirect_vreg.gather @!p0 [hbm4b:s2+s6], $0x80, v1, vm1, $0xb8  }
0x212: {  	s9 =	simm.s32 @!p0 $0x4A80  }
0x213: {  	[tilespmem:s9], [sflag:$0x3] =	stream.indirect_vreg.gather @!p0 [hbm4b:s7+s6], $0x80, v1, vm1, $0xb8;
	[tilespmem:$0x10280] =	vst v63  }
0x214: {  	s9 =	simm.s32 @!p0 $0x5280  }
0x215: {  	[tilespmem:s9], [sflag:$0x3] =	stream.indirect_vreg.gather @!p0 [hbm4b:s2+s6], $0x80, v0, vm1, $0xb8;
	[tilespmem:$0x10280] =	vst v63  }
0x216: {  	s9 =	simm.s32 @!p0 $0x5A80  }
0x217: {  	[tilespmem:s9], [sflag:$0x3] =	stream.indirect_vreg.gather @!p0 [hbm4b:s7+s6], $0x80, v0, vm1, $0xb8;
	[tilespmem:$0x10280] =	vst v63  }
0x218: {  	s9 =	sadd.s32 @!p0 $0x60, s26  }
0x219: {  	s9 =	sadd.s32 @!p0 s5, s9  }
0x21a: {  	[tilespmem:$0x1FEE0] =	vst v37;
	s9 =	sshll.u32 @!p0 s9, $0x6  }
0x21b: {  	s23 =	simm.s32 @!p0 $0xC280;
	[tilespmem:$0x1FF00] =	vst v36;
	s9 =	sadd.s32 @!p0 s1, s9  }
0x21c: {  	[tilespmem:s23], [sflag:$0x7] =	stream.linear.gather @!p0 [hbm4b:s9+s6], $0x2000, $0x38;
	[tilespmem:$0x10280] =	vst v63  }
0x21d: {  	v38 =	vsub.f32 v38, v46;
	v46 =	vsub.f32 v51, v52;
	_ =	swait.ge [sflag:s21], $0x2000  }
0x21e: {  	v51 =	vsub.f32 v57, v58;
	v57 =	vsub.f32 v16, v18;
	[sflag:s21] =	ssyncset.done $0x0  }
0x21f: {  	v1 =	vsub.f32 v35, v2;
	v2 =	vsub.f32 v41, v42;
	[sflag:s21] =	ssyncadd.s32 $0xFFFFE000  }
0x220: {  	v0 =	vsub.f32 v43, v44;
	v43 =	vsub.f32 v49, v50;
	_ =	swait.ge [sflag:s22], $0x2000  }
0x221: {  	v49 =	vsub.f32 v55, v56;
	v55 =	vsub.f32 v20, v22;
	v22 =	vld [tilespmem:$0x1FEB0]  }
0x222: {  	v42 =	vsub.f32 v47, v48;
	v48 =	vsub.f32 v53, v54;
	v18 =	vld [tilespmem:$0x1FEC0]  }
0x223: {  	v53 =	vsub.f32 v59, v60;
	v59 =	vsub.f32 v12, v14;
	v12 =	vld [tilespmem:$0x1FED0]  }
0x224: {  	s28 =	simm.s32 $0x0;
	v54 =	vsub.f32 v61, v62;
	v61 =	vsub.f32 v8, v10;
	v8 =	vld [tilespmem:$0x1FEE0]  }
0x225: {  	s29 =	sand.u32 $0x380, s28;
	s26 =	sand.u32 $0x1000, s28;
	[sflag:s22] =	ssyncset.done $0x0;
	v10 =	vld [tilespmem:$0x1FEF0]  }
0x226: {  	v4 =	vsub.f32 v4, v6;
	s26 =	sor.u32 s29, s26;
	v0 =	vmul.f32 v0, v0;
	v6 =	vld [tilespmem:$0x1FF00];
	[sflag:s22] =	ssyncadd.s32 $0xFFFFE000  }
0x227: {  	v33 =	vsub.f32 v33, v3;
	v41 =	vsub.f32 v39, v45;
	v1 =	vmul.f32 v1, v1;
	v3 =	vld [tilespmem:s26+$0xEEE0]  }
0x228: {  	v0 =	vadd.f32 v0, v5;
	v5 =	vld [tilespmem:s26+$0x6EE0]  }
0x229: {  	v2 =	vmul.f32 v2, v2;
	v35 =	vmul.f32 v41, v41;
	v1 =	vadd.f32 v1, v7;
	v7 =	vld [tilespmem:s26+$0xEEC0]  }
0x22a: {  	v13 =	vsub.f32 v13, v9;
	v31 =	vsub.f32 v31, v11;
	v33 =	vmul.f32 v33, v33;
	v9 =	vld [tilespmem:s26+$0x6EC0]  }
0x22b: {  	v1 =	vadd.f32 v35, v1;
	v0 =	vadd.f32 v2, v0;
	v2 =	vmul.f32 v38, v38;
	v11 =	vld [tilespmem:s26+$0xEEA0]  }
0x22c: {  	v45 =	vsub.f32 v15, v17;
	v44 =	vmul.f32 v13, v13;
	v13 =	vld [tilespmem:s26+$0x6EA0]  }
0x22d: {  	v0 =	vadd.f32 v33, v0;
	v1 =	vadd.f32 v2, v1;
	v2 =	vmul.f32 v42, v42;
	v15 =	vld [tilespmem:s26+$0xEE80]  }
0x22e: {  	v31 =	vmul.f32 v31, v31;
	v47 =	vsub.f32 v19, v21;
	v17 =	vld [tilespmem:s26+$0x6E80]  }
0x22f: {  	v0 =	vadd.f32 v44, v0;
	v1 =	vadd.f32 v2, v1;
	v2 =	vmul.f32 v43, v43;
	v19 =	vld [tilespmem:s26+$0xEAE0]  }
0x230: {  	v50 =	vsub.f32 v27, v29;
	v33 =	vmul.f32 v45, v45;
	v21 =	vld [tilespmem:s26+$0x6AE0]  }
0x231: {  	v27 =	vld [tilespmem:s26+$0xEAA0];
	v0 =	vadd.f32 v31, v0;
	v1 =	vadd.f32 v2, v1;
	v2 =	vmul.f32 v46, v46  }
0x232: {  	v52 =	vsub.f32 v28, v30;
	v35 =	vmul.f32 v47, v47;
	v29 =	vld [tilespmem:s26+$0x6AA0];
	v31 =	vsub.f32 v23, v25  }
0x233: {  	v28 =	vld [tilespmem:s26+$0xEA80];
	v0 =	vadd.f32 v33, v0;
	v1 =	vadd.f32 v2, v1;
	v2 =	vmul.f32 v48, v48  }
0x234: {  	v30 =	vld [tilespmem:s26+$0x6A80];
	v31 =	vmul.f32 v31, v31  }
0x235: {  	v20 =	vld [tilespmem:s26+$0xE6C0];
	v0 =	vadd.f32 v35, v0;
	v1 =	vadd.f32 v2, v1;
	v2 =	vmul.f32 v49, v49  }
0x236: {  	v16 =	vld [tilespmem:s26+$0xE6A0];
	v33 =	vmul.f32 v50, v50  }
0x237: {  	v14 =	vld [tilespmem:s26+$0xE2E0];
	v0 =	vadd.f32 v31, v0;
	v1 =	vadd.f32 v2, v1;
	v2 =	vmul.f32 v51, v51  }
0x238: {  	v36 =	vld [tilespmem:s26+$0xE280];
	v35 =	vmul.f32 v52, v52;
	v31 =	vsub.f32 v24, v26  }
0x239: {  	v37 =	vld [tilespmem:s26+$0x6280];
	v0 =	vadd.f32 v33, v0;
	v1 =	vadd.f32 v2, v1;
	v2 =	vmul.f32 v53, v53  }
0x23a: {  	v23 =	vld [tilespmem:s26+$0xEAC0];
	v56 =	vsub.f32 v22, v40;
	v31 =	vmul.f32 v31, v31  }
0x23b: {  	v25 =	vld [tilespmem:s26+$0x6AC0];
	v0 =	vadd.f32 v35, v0;
	v1 =	vadd.f32 v2, v1;
	v2 =	vmul.f32 v54, v54  }
0x23c: {  	v22 =	vld [tilespmem:s26+$0x66C0];
	v58 =	vsub.f32 v18, v63;
	v33 =	vmul.f32 v55, v55  }
0x23d: {  	v18 =	vld [tilespmem:s26+$0x66A0];
	v0 =	vadd.f32 v31, v0;
	v1 =	vadd.f32 v2, v1;
	v2 =	vmul.f32 v56, v56  }
0x23e: {  	v32 =	vsub.f32 v12, v32;
	v12 =	vld [tilespmem:s26+$0x6680];
	v62 =	vsub.f32 v8, v10;
	v35 =	vmul.f32 v57, v57  }
0x23f: {  	v8 =	vld [tilespmem:s26+$0x62E0];
	v0 =	vadd.f32 v33, v0;
	v1 =	vadd.f32 v2, v1;
	v2 =	vmul.f32 v58, v58  }
0x240: {  	v60 =	vmul.f32 v59, v59;
	v10 =	vld [tilespmem:s26+$0xE2C0];
	v6 =	vsub.f32 v6, v34  }
0x241: {  	v34 =	vld [tilespmem:s26+$0xE2A0];
	v0 =	vadd.f32 v35, v0;
	v1 =	vadd.f32 v2, v1;
	v2 =	vmul.f32 v32, v32  }
0x242: {  	v63 =	vmul.f32 v61, v61;
	v24 =	vld [tilespmem:s26+$0xE6E0]  }
0x243: {  	v26 =	vld [tilespmem:s26+$0x66E0];
	v0 =	vadd.f32 v60, v0;
	v1 =	vadd.f32 v2, v1;
	v2 =	vmul.f32 v62, v62  }
0x244: {  	v4 =	vmul.f32 v4, v4;
	v31 =	vld [tilespmem:s26+$0xE680]  }
0x245: {  	v33 =	vld [tilespmem:s26+$0xE2D0];
	v0 =	vadd.f32 v63, v0;
	v1 =	vadd.f32 v2, v1;
	v2 =	vmul.f32 v6, v6  }
0x246: {  	v32 =	vld [tilespmem:s26+$0x62C0]  }
0x247: {  	s23 =	simm.s32 $0x200;
	v35 =	vld [tilespmem:s26+$0x62A0];
	v4 =	vadd.f32 v4, v0;
	v6 =	vadd.f32 v2, v1  }
.LBB2_9:
0x248: {  	p0 =	sne.s32 s23, $0x1E00;
	v0 =	vld [tilespmem:s26+$0xE290]  }
0x249: {  	v1 =	vld [tilespmem:s26+$0x6290]  }
0x24a: {  	v2 =	vld [tilespmem:s26+$0xE2B0]  }
0x24b: {  	v38 =	vld [tilespmem:s26+$0x62B0]  }
0x24c: {  	v39 =	vld [tilespmem:s26+$0x62D0]  }
0x24d: {  	v40 =	vld [tilespmem:s26+$0xE2F0]  }
0x24e: {  	v36 =	vsub.f32 v36, v37;
	v0 =	vsub.f32 v0, v1;
	v1 =	vld [tilespmem:s26+$0x62F0]  }
0x24f: {  	v34 =	vsub.f32 v34, v35;
	v35 =	vld [tilespmem:s26+$0xE690]  }
0x250: {  	v36 =	vmul.f32 v36, v36;
	v0 =	vmul.f32 v0, v0;
	v2 =	vsub.f32 v2, v38;
	v37 =	vld [tilespmem:s26+$0x6690]  }
0x251: {  	v10 =	vsub.f32 v10, v32;
	v34 =	vmul.f32 v34, v34;
	v32 =	vsub.f32 v33, v39;
	v33 =	vld [tilespmem:s26+$0xE6B0]  }
0x252: {  	v4 =	vadd.f32 v36, v4;
	v0 =	vadd.f32 v0, v6;
	v2 =	vmul.f32 v2, v2;
	v6 =	vld [tilespmem:s26+$0x66B0]  }
0x253: {  	v8 =	vsub.f32 v14, v8;
	v10 =	vmul.f32 v10, v10;
	v1 =	vsub.f32 v40, v1;
	v14 =	vld [tilespmem:s26+$0xE6D0]  }
0x254: {  	v4 =	vadd.f32 v34, v4;
	v0 =	vadd.f32 v2, v0;
	v2 =	vmul.f32 v32, v32;
	v32 =	vld [tilespmem:s26+$0x66D0]  }
0x255: {  	v12 =	vsub.f32 v31, v12;
	v8 =	vmul.f32 v8, v8;
	v31 =	vsub.f32 v35, v37;
	v34 =	vld [tilespmem:s26+$0xE6F0]  }
0x256: {  	v4 =	vadd.f32 v10, v4;
	v1 =	vmul.f32 v1, v1;
	v0 =	vadd.f32 v2, v0;
	v2 =	vld [tilespmem:s26+$0x66F0]  }
0x257: {  	v10 =	vmul.f32 v12, v12;
	v12 =	vsub.f32 v16, v18;
	v6 =	vsub.f32 v33, v6;
	v16 =	vld [tilespmem:s26+$0xEA90]  }
0x258: {  	v4 =	vadd.f32 v8, v4;
	v0 =	vadd.f32 v1, v0;
	v1 =	vmul.f32 v31, v31;
	v8 =	vld [tilespmem:s26+$0x6A90]  }
0x259: {  	v18 =	vsub.f32 v20, v22;
	v12 =	vmul.f32 v12, v12;
	v14 =	vsub.f32 v14, v32;
	v20 =	vld [tilespmem:s26+$0xEAB0]  }
0x25a: {  	v4 =	vadd.f32 v10, v4;
	v0 =	vadd.f32 v1, v0;
	v1 =	vmul.f32 v6, v6;
	v6 =	vld [tilespmem:s26+$0x6AB0]  }
0x25b: {  	v10 =	vmul.f32 v18, v18;
	v18 =	vsub.f32 v24, v26;
	v2 =	vsub.f32 v34, v2;
	v22 =	vld [tilespmem:s26+$0xEAD0]  }
0x25c: {  	v4 =	vadd.f32 v12, v4;
	v0 =	vadd.f32 v1, v0;
	v1 =	vmul.f32 v14, v14;
	v12 =	vld [tilespmem:s26+$0x6AD0]  }
0x25d: {  	v14 =	vmul.f32 v18, v18;
	v18 =	vsub.f32 v28, v30;
	v8 =	vsub.f32 v16, v8;
	v16 =	vld [tilespmem:s26+$0xEAF0]  }
0x25e: {  	v4 =	vadd.f32 v10, v4;
	v0 =	vadd.f32 v1, v0;
	v1 =	vmul.f32 v2, v2;
	v2 =	vld [tilespmem:s26+$0x6AF0]  }
0x25f: {  	v10 =	vmul.f32 v18, v18;
	v18 =	vsub.f32 v27, v29;
	v6 =	vsub.f32 v20, v6;
	v20 =	vld [tilespmem:s26+$0xEE90]  }
0x260: {  	v4 =	vadd.f32 v14, v4;
	v0 =	vadd.f32 v1, v0;
	v1 =	vmul.f32 v8, v8;
	v8 =	vld [tilespmem:s26+$0x6E90]  }
0x261: {  	v14 =	vmul.f32 v18, v18;
	v18 =	vsub.f32 v23, v25;
	v12 =	vsub.f32 v22, v12;
	v22 =	vld [tilespmem:s26+$0xEEB0]  }
0x262: {  	v4 =	vadd.f32 v10, v4;
	v0 =	vadd.f32 v1, v0;
	v1 =	vmul.f32 v6, v6;
	v6 =	vld [tilespmem:s26+$0x6EB0]  }
0x263: {  	v10 =	vmul.f32 v18, v18;
	v18 =	vsub.f32 v19, v21;
	v2 =	vsub.f32 v16, v2;
	v16 =	vld [tilespmem:s26+$0xEED0]  }
0x264: {  	s28 =	sadd.s32 $0x80, s28;
	v4 =	vadd.f32 v14, v4;
	v0 =	vadd.f32 v1, v0;
	v1 =	vmul.f32 v12, v12;
	v12 =	vld [tilespmem:s26+$0x6ED0]  }
0x265: {  	s6 =	sand.u32 $0x1000, s23;
	v15 =	vsub.f32 v15, v17;
	s9 =	sand.u32 $0x380, s28;
	v14 =	vmul.f32 v18, v18;
	v8 =	vsub.f32 v20, v8;
	v17 =	vld [tilespmem:s26+$0xEEF0]  }
0x266: {  	v4 =	vadd.f32 v10, v4;
	v0 =	vadd.f32 v1, v0;
	v1 =	vmul.f32 v2, v2;
	v2 =	vld [tilespmem:s26+$0x6EF0];
	s26 =	sor.u32 s9, s6  }
0x267: {  	v11 =	vsub.f32 v11, v13;
	v15 =	vmul.f32 v15, v15;
	v10 =	vld [tilespmem:s26+$0xEEE0];
	v6 =	vsub.f32 v22, v6  }
0x268: {  	v4 =	vadd.f32 v14, v4;
	v18 =	vld [tilespmem:s26+$0x6EE0];
	v0 =	vadd.f32 v1, v0;
	v1 =	vmul.f32 v8, v8  }
0x269: {  	v13 =	vsub.f32 v7, v9;
	v8 =	vmul.f32 v11, v11;
	v7 =	vld [tilespmem:s26+$0xEEC0];
	v12 =	vsub.f32 v16, v12  }
0x26a: {  	v4 =	vadd.f32 v15, v4;
	v9 =	vld [tilespmem:s26+$0x6EC0];
	v0 =	vadd.f32 v1, v0;
	v1 =	vmul.f32 v6, v6  }
0x26b: {  	v14 =	vsub.f32 v3, v5;
	v6 =	vmul.f32 v13, v13;
	v11 =	vld [tilespmem:s26+$0xEEA0];
	v2 =	vsub.f32 v17, v2  }
0x26c: {  	v4 =	vadd.f32 v8, v4;
	v13 =	vld [tilespmem:s26+$0x6EA0];
	v0 =	vadd.f32 v1, v0;
	v1 =	vmul.f32 v12, v12;
	v3 =	vmovc v10  }
0x26d: {  	v8 =	vmul.f32 v14, v14;
	v15 =	vld [tilespmem:s26+$0xEE80];
	v5 =	vmov v18  }
0x26e: {  	v4 =	vadd.f32 v6, v4;
	v17 =	vld [tilespmem:s26+$0x6E80];
	v0 =	vadd.f32 v1, v0;
	v1 =	vmul.f32 v2, v2  }
0x26f: {  	v19 =	vld [tilespmem:s26+$0xEAE0]  }
0x270: {  	v4 =	vadd.f32 v8, v4;
	v21 =	vld [tilespmem:s26+$0x6AE0];
	v6 =	vadd.f32 v1, v0  }
0x271: {  	v23 =	vld [tilespmem:s26+$0xEAC0]  }
0x272: {  	v25 =	vld [tilespmem:s26+$0x6AC0]  }
0x273: {  	v27 =	vld [tilespmem:s26+$0xEAA0]  }
0x274: {  	v29 =	vld [tilespmem:s26+$0x6AA0]  }
0x275: {  	v28 =	vld [tilespmem:s26+$0xEA80]  }
0x276: {  	v30 =	vld [tilespmem:s26+$0x6A80]  }
0x277: {  	v24 =	vld [tilespmem:s26+$0xE6E0]  }
0x278: {  	v26 =	vld [tilespmem:s26+$0x66E0]  }
0x279: {  	v20 =	vld [tilespmem:s26+$0xE6C0]  }
0x27a: {  	v22 =	vld [tilespmem:s26+$0x66C0]  }
0x27b: {  	v16 =	vld [tilespmem:s26+$0xE6A0]  }
0x27c: {  	v18 =	vld [tilespmem:s26+$0x66A0]  }
0x27d: {  	v31 =	vld [tilespmem:s26+$0xE680]  }
0x27e: {  	v12 =	vld [tilespmem:s26+$0x6680]  }
0x27f: {  	v14 =	vld [tilespmem:s26+$0xE2E0]  }
0x280: {  	v8 =	vld [tilespmem:s26+$0x62E0]  }
0x281: {  	v10 =	vld [tilespmem:s26+$0xE2C0]  }
0x282: {  	v32 =	vld [tilespmem:s26+$0x62C0]  }
.Ltmp3:
0x283: {  	v33 =	vld [tilespmem:s26+$0xE2D0];
	(pc) =	sbr.rel @p0 .LBB2_9-.Ltmp3, $4  }
0x284: {  	v34 =	vld [tilespmem:s26+$0xE2A0]  }
0x285: {  	v35 =	vld [tilespmem:s26+$0x62A0]  }
0x286: {  	v36 =	vld [tilespmem:s26+$0xE280]  }
0x287: {  	s23 =	sadd.s32 $0x200, s23;
	v37 =	vld [tilespmem:s26+$0x6280]  }
0x288: {  	v0 =	vld [tilespmem:s26+$0xE290]  }
0x289: {  	v1 =	vld [tilespmem:s26+$0x6290]  }
0x28a: {  	v2 =	vld [tilespmem:s26+$0xE2B0]  }
0x28b: {  	v38 =	vld [tilespmem:s26+$0x62B0]  }
0x28c: {  	v39 =	vld [tilespmem:s26+$0x62D0]  }
0x28d: {  	v40 =	vld [tilespmem:s26+$0xE2F0]  }
0x28e: {  	v46 =	vld [tilespmem:s26+$0x62F0];
	v36 =	vsub.f32 v36, v37;
	v0 =	vsub.f32 v0, v1  }
0x28f: {  	v47 =	vld [tilespmem:s26+$0xE690];
	v34 =	vsub.f32 v34, v35  }
0x290: {  	v48 =	vld [tilespmem:s26+$0x6690];
	v2 =	vsub.f32 v2, v38;
	v36 =	vmul.f32 v36, v36;
	v0 =	vmul.f32 v0, v0  }
0x291: {  	v10 =	vsub.f32 v10, v32;
	v50 =	vld [tilespmem:s26+$0xE6B0];
	v34 =	vmul.f32 v34, v34;
	v49 =	vsub.f32 v33, v39  }
0x292: {  	v2 =	vmul.f32 v2, v2;
	v4 =	vadd.f32 v36, v4;
	v0 =	vadd.f32 v0, v6;
	v6 =	vld [tilespmem:s26+$0x66B0]  }
0x293: {  	v8 =	vsub.f32 v14, v8;
	v51 =	vld [tilespmem:s26+$0xE6D0];
	v10 =	vmul.f32 v10, v10;
	v1 =	vsub.f32 v40, v46  }
0x294: {  	v53 =	vld [tilespmem:s26+$0x66D0];
	v52 =	vmul.f32 v49, v49;
	v4 =	vadd.f32 v34, v4;
	v0 =	vadd.f32 v2, v0  }
0x295: {  	v12 =	vsub.f32 v31, v12;
	v55 =	vld [tilespmem:s26+$0xE6F0];
	v8 =	vmul.f32 v8, v8;
	v54 =	vsub.f32 v47, v48  }
0x296: {  	v56 =	vld [tilespmem:s26+$0x66F0];
	v1 =	vmul.f32 v1, v1;
	v4 =	vadd.f32 v10, v4;
	v0 =	vadd.f32 v52, v0  }
0x297: {  	v58 =	vsub.f32 v16, v18;
	v59 =	vld [tilespmem:s26+$0xEA90];
	v57 =	vmul.f32 v12, v12;
	v6 =	vsub.f32 v50, v6  }
0x298: {  	v60 =	vmul.f32 v54, v54;
	v4 =	vadd.f32 v8, v4;
	v8 =	vld [tilespmem:s26+$0x6A90];
	v0 =	vadd.f32 v1, v0  }
0x299: {  	v61 =	vsub.f32 v20, v22;
	v62 =	vld [tilespmem:s26+$0xEAB0];
	v12 =	vmul.f32 v58, v58;
	v14 =	vsub.f32 v51, v53  }
0x29a: {  	v4 =	vadd.f32 v57, v4;
	v63 =	vmul.f32 v6, v6;
	v6 =	vld [tilespmem:s26+$0x6AB0];
	v0 =	vadd.f32 v60, v0  }
0x29b: {  	v32 =	vsub.f32 v24, v26;
	v31 =	vmul.f32 v61, v61;
	v35 =	vld [tilespmem:s26+$0x6AD0];
	v2 =	vsub.f32 v55, v56  }
0x29c: {  	v33 =	vld [tilespmem:s26+$0xEAD0];
	v34 =	vmul.f32 v14, v14;
	v4 =	vadd.f32 v12, v4;
	v0 =	vadd.f32 v63, v0  }
0x29d: {  	v37 =	vsub.f32 v28, v30;
	v38 =	vld [tilespmem:s26+$0xEAF0];
	v36 =	vmul.f32 v32, v32;
	v8 =	vsub.f32 v59, v8  }
0x29e: {  	v40 =	vld [tilespmem:s26+$0x6AF0];
	v39 =	vmul.f32 v2, v2;
	v4 =	vadd.f32 v31, v4;
	v0 =	vadd.f32 v34, v0  }
0x29f: {  	v42 =	vsub.f32 v27, v29;
	v43 =	vld [tilespmem:s26+$0xEE90];
	v41 =	vmul.f32 v37, v37;
	v6 =	vsub.f32 v62, v6  }
0x2a0: {  	v44 =	vmul.f32 v8, v8;
	v8 =	vld [tilespmem:s26+$0x6E90];
	v4 =	vadd.f32 v36, v4;
	v0 =	vadd.f32 v39, v0  }
0x2a1: {  	v45 =	vmul.f32 v42, v42;
	v46 =	vsub.f32 v23, v25;
	v47 =	vld [tilespmem:s26+$0xEEB0];
	v12 =	vsub.f32 v33, v35  }
0x2a2: {  	v48 =	vmul.f32 v6, v6;
	v6 =	vld [tilespmem:s26+$0x6EB0];
	v4 =	vadd.f32 v41, v4;
	v0 =	vadd.f32 v44, v0  }
0x2a3: {  	v51 =	vld [tilespmem:s26+$0xEED0];
	v49 =	vmul.f32 v46, v46;
	v2 =	vsub.f32 v38, v40;
	v50 =	vsub.f32 v19, v21  }
0x2a4: {  	v53 =	vld [tilespmem:s26+$0x6ED0];
	v52 =	vmul.f32 v12, v12;
	v4 =	vadd.f32 v45, v4;
	v0 =	vadd.f32 v48, v0  }
0x2a5: {  	v15 =	vsub.f32 v15, v17;
	v55 =	vld [tilespmem:s26+$0xEEF0];
	v56 =	vmul.f32 v2, v2;
	v8 =	vsub.f32 v43, v8  }
0x2a6: {  	v54 =	vmul.f32 v50, v50;
	v57 =	vld [tilespmem:s26+$0x6EF0];
	v4 =	vadd.f32 v49, v4;
	v0 =	vadd.f32 v52, v0  }
0x2a7: {  	v11 =	vsub.f32 v11, v13;
	v58 =	vmul.f32 v15, v15;
	v6 =	vsub.f32 v47, v6  }
0x2a8: {  	v59 =	vmul.f32 v8, v8;
	v4 =	vadd.f32 v54, v4;
	v0 =	vadd.f32 v56, v0  }
0x2a9: {  	v7 =	vsub.f32 v7, v9;
	v60 =	vsub.f32 v51, v53;
	v8 =	vmul.f32 v11, v11  }
0x2aa: {  	s25 =	sadd.s32 $0x1, s25;
	v61 =	vmul.f32 v6, v6;
	v4 =	vadd.f32 v58, v4;
	v0 =	vadd.f32 v59, v0  }
0x2ab: {  	v3 =	vsub.f32 v3, v5;
	p0 =	sne.s32 s25, $0x8;
	v2 =	vsub.f32 v55, v57;
	v62 =	vmul.f32 v60, v60  }
.Ltmp4:
0x2ac: {  	v6 =	vmul.f32 v7, v7;
	v4 =	vadd.f32 v8, v4;
	v0 =	vadd.f32 v61, v0;
	(pc) =	sbr.rel @p0 .LBB2_2-.Ltmp4, $3  }
0x2ad: {  	v3 =	vmul.f32 v3, v3  }
0x2ae: {  	v63 =	vmul.f32 v2, v2;
	v4 =	vadd.f32 v6, v4;
	v0 =	vadd.f32 v62, v0;
	_ =	sdelay $0x1  }
0x2af: {  	v5 =	vadd.f32 v3, v4;
	v7 =	vadd.f32 v63, v0  }
0x2b0: {  	_ = 	snop  }
0x2b1: {  	s24 =	sadd.s32 $0x1, s24;
	v0 =	vadd.f32 v7, v5  }
0x2b2: {  	p0 =	sne.s32 s24, s12  }
.Ltmp5:
0x2b3: {  	s6 =	simm.s32 $0x200;
	[tilespmem:$0x200] =	vst v0;
	(pc) =	sbr.rel @p0 .LBB2_1-.Ltmp5, $4  }
0x2b4: {  	[hbm4b:s11+s4] =	stream.linear.scatter [tilespmem:s6], [sflag:$0x9], $0x80, $0x38;
	[tilespmem:$0x10280] =	vst v63  }
0x2b5: {  	_ =	swait.ge [sflag:s13], $0x80  }
0x2b6: {  	[sflag:s13] =	ssyncset.done $0x0  }
0x2b7: {  	[sflag:s13] =	ssyncadd.s32 $0xFFFFFF80  }
0x2b8: {  	_ =	sfence.sel $0x180000  }
0x2b9: {  	[bflag:$0x0] =	sbarrier.arrive $0xFFFF  }
0x2ba: {  	_ =	strace $0x90000047  }
0x2bb: {  	s0 =	stileid.u32;
	[bflag:$0x2] =	sbarrier.arrive $0xFFFF  }
0x2bc: {  	p0 =	sne.s32 s0, $0x0;
	s0 =	rddreg [dreg:$0x4]  }
0x2bd: {  	s0 =	sadd.s32 @!p0 $0x100000, s0  }
0x2be: {  	[sflag:s0] =	ssyncadd.tile.s32 @!p0 $0x1;
	_ =	shalt  }
.Lfunc_end2:
_tile_overlayer_lowered:
.L_overlay_start_2:
0x2bf: {  	(tag) =	ssettag $0x2  }
0x2c0: {  	s0 =	rddreg [dreg:$0x0];
	s2 =	stileid.u32  }
0x2c1: {  	s1 =	rddreg [dreg:$0x1];
	p0 =	sne.s32 s2, $0x0  }
0x2c2: {  	s3 =	rddreg [dreg:$0x2];
	[bflag:$0x3] =	sbarrier.arrive $0xFFFF;
	s2 =	simm.s32 @!p0 $0x1C09  }
0x2c3: {  	[timem:s3], [sflag:s2] =	dma.local @!p0 [hbm:s0], s1  }
0x2c4: {  	s0 =	simm.s32 @!p0 $0x9  }
0x2c5: {  	_ =	swait.ge @!p0 [sflag:s0], s1  }
0x2c6: {  	s1 =	ssub.s32 @!p0 $0x0, s1;
	[sflag:s0] =	ssyncset.done @!p0 $0x0  }
0x2c7: {  	[sflag:s0] =	ssyncadd.s32 @!p0 s1  }
0x2c8: {  	[bflag:$0x3] =	sbarrier.arrive $0xFFFF  }
0x2c9: {  	_ =	shalt  }

</sc_bundles>
